<compile_context>
chip_gen: v7x
topology: tpu7x:2x2x1
jax: 0.10.2.dev20260603
libtpu: 0.0.44.dev20260713+nightly
codegen_flags: <defaults>
</compile_context>

<pallas_src>
import functools

import jax
import jax.numpy as jnp
from jax import lax
from jax.experimental import pallas as pl
from jax.experimental.pallas import tpu as pltpu
from jax.experimental.pallas import tpu_sc as plsc

_N = 10000
_E = 320000
_D = 128
_H = 128
_G = 64
_C = 10
_L = 3
_EPS = 1e-5

_NC = 2
_NS = 16
_NW = _NC * _NS
_EPT = _E // _NW
_CE = 50
_NCH = _EPT // _CE
_RPT = _N // _NS


_NBUF = 4
_NPH = 1
_PH = _NCH // _NPH


def _sc_agg_body(h_hbm, srcr_hbm, dstr_hbm, zeros_hbm, out_hbm,
                 src_v, dst_v, rows_v, acc, sems):

    def gather(chunk, sl):
        pltpu.async_copy(h_hbm.at[src_v.at[chunk]], rows_v.at[sl], sems.at[sl])

    def wait_gather(sl):
        pltpu.make_async_copy(h_hbm.at[src_v.at[0]], rows_v.at[sl],
                              sems.at[sl]).wait()

    c = lax.axis_index("c")
    s = lax.axis_index("s")
    wid = c * _NS + s

    for p in range(_NPH):
        pltpu.sync_copy(srcr_hbm.at[wid, pl.ds(p * _PH, _PH)], src_v)
        pltpu.sync_copy(dstr_hbm.at[wid, pl.ds(p * _PH, _PH)], dst_v)
        for b in range(_NBUF):
            gather(b, b)
        if p == 0:
            pltpu.sync_copy(zeros_hbm.at[pl.ds(s * _RPT, _RPT)],
                            acc.at[pl.ds(s * _RPT, _RPT)])
            plsc.subcore_barrier()

        @pl.loop(0, _PH - _NBUF, step=_NBUF)
        def _round(j0):
            for b in range(_NBUF):
                wait_gather(b)
                pltpu.sync_copy(rows_v.at[b], acc.at[dst_v.at[j0 + b]],
                                add=True)
                gather(j0 + b + _NBUF, b)

        for b in range(_NBUF):
            wait_gather(b)
            pltpu.sync_copy(rows_v.at[b], acc.at[dst_v.at[_PH - _NBUF + b]],
                            add=True)

    plsc.subcore_barrier()
    pltpu.sync_copy(acc.at[pl.ds(s * _RPT, _RPT)],
                    out_hbm.at[c, pl.ds(s * _RPT, _RPT)])


@functools.cache
def _get_sc_agg():
    return pl.kernel(
        _sc_agg_body,
        out_type=jax.ShapeDtypeStruct((_NC, _N, _D), jnp.float32),
        mesh=plsc.VectorSubcoreMesh(core_axis_name="c", subcore_axis_name="s",
                                    num_cores=_NC, num_subcores=_NS),
        scratch_types=[
            pltpu.VMEM((_PH, _CE), jnp.int32),
            pltpu.VMEM((_PH, _CE), jnp.int32),
            pltpu.VMEM((_NBUF, _CE, _D), jnp.float32),
            pltpu.VMEM_SHARED((_N, _D), jnp.float32),
            pltpu.SemaphoreType.DMA((_NBUF,)),
        ],
        compiler_params=pltpu.CompilerParams(use_tc_tiling_on_sc=False),
    )


def _sc_agg(h, srcr, dstr, zeros):
    return _get_sc_agg()(h, srcr, dstr, zeros)


def _segment_mats(bat):
    gid = lax.broadcasted_iota(jnp.int32, (_G, _N), 0)
    m = (gid == bat).astype(jnp.float32)
    counts = jnp.maximum(jnp.sum(m, axis=1, keepdims=True), 1.0)
    return m, counts


def _layer_math(h_ref, p_ref, bat_ref, w1_ref, b1_ref, w2_ref, b2_ref,
                gw_ref, gb_ref, gms_ref):
    h2 = h_ref[...] + p_ref[0] + p_ref[1]
    h2 = jnp.maximum(
        jnp.dot(h2, w1_ref[...], preferred_element_type=jnp.float32)
        + b1_ref[...], 0.0)
    h2 = jnp.maximum(
        jnp.dot(h2, w2_ref[...], preferred_element_type=jnp.float32)
        + b2_ref[...], 0.0)
    m, counts = _segment_mats(bat_ref[...])
    mean = jnp.dot(m, h2, preferred_element_type=jnp.float32) / counts
    mean_n = lax.dot_general(m, mean, (((0,), (0,)), ((), ())),
                             preferred_element_type=jnp.float32)
    sub = h2 - gms_ref[...] * mean_n
    var = jnp.dot(m, sub * sub, preferred_element_type=jnp.float32) / counts
    var_n = lax.dot_general(m, var, (((0,), (0,)), ((), ())),
                            preferred_element_type=jnp.float32)
    norm = sub / jnp.sqrt(var_n + _EPS) * gw_ref[...] + gb_ref[...]
    return jnp.maximum(norm, 0.0), m, counts


def _tc_layer_body(h_ref, p_ref, bat_ref, w1_ref, b1_ref, w2_ref, b2_ref,
                   gw_ref, gb_ref, gms_ref, o_ref):
    o_ref[...], _, _ = _layer_math(h_ref, p_ref, bat_ref, w1_ref, b1_ref,
                                   w2_ref, b2_ref, gw_ref, gb_ref, gms_ref)


_tc_layer = pl.pallas_call(
    _tc_layer_body,
    out_shape=jax.ShapeDtypeStruct((_N, _H), jnp.float32),
)


def _tc_last_body(h_ref, p_ref, bat_ref, w1_ref, b1_ref, w2_ref, b2_ref,
                  gw_ref, gb_ref, gms_ref,
                  fw1_ref, fb1_ref, fw2_ref, fb2_ref, fw3_ref, fb3_ref, o_ref):
    h, m, counts = _layer_math(h_ref, p_ref, bat_ref, w1_ref, b1_ref,
                               w2_ref, b2_ref, gw_ref, gb_ref, gms_ref)
    pooled = jnp.dot(m, h, preferred_element_type=jnp.float32) / counts
    o = jnp.maximum(
        jnp.dot(pooled, fw1_ref[...], preferred_element_type=jnp.float32)
        + fb1_ref[...], 0.0)
    o = jnp.maximum(
        jnp.dot(o, fw2_ref[...], preferred_element_type=jnp.float32)
        + fb2_ref[...], 0.0)
    o = jnp.dot(o, fw3_ref[...], preferred_element_type=jnp.float32) + fb3_ref[...]
    mx = jnp.max(o, axis=-1, keepdims=True)
    e = o - mx
    o_ref[...] = e - jnp.log(jnp.sum(jnp.exp(e), axis=-1, keepdims=True))


_tc_last = pl.pallas_call(
    _tc_last_body,
    out_shape=jax.ShapeDtypeStruct((_G, _C), jnp.float32),
)


def kernel(x, edge_index, batch, params):
    srcr = edge_index[0].reshape(_NW, _NCH, _CE)
    dstr = edge_index[1].reshape(_NW, _NCH, _CE)
    zeros = jnp.zeros((_N, _D), jnp.float32)
    bat = batch.reshape(1, _N)
    h = x
    for l in range(_L - 1):
        p = params['gin%d' % l]
        gn = params['gn%d' % l]
        parts = _sc_agg(h, srcr, dstr, zeros)
        h = _tc_layer(h, parts, bat,
                      p['W1'], p['b1'].reshape(1, _H),
                      p['W2'], p['b2'].reshape(1, _H),
                      gn['weight'].reshape(1, _H),
                      gn['bias'].reshape(1, _H),
                      gn['mean_scale'].reshape(1, _H))
    p = params['gin%d' % (_L - 1)]
    gn = params['gn%d' % (_L - 1)]
    f = params['final']
    parts = _sc_agg(h, srcr, dstr, zeros)
    return _tc_last(h, parts, bat,
                    p['W1'], p['b1'].reshape(1, _H),
                    p['W2'], p['b2'].reshape(1, _H),
                    gn['weight'].reshape(1, _H),
                    gn['bias'].reshape(1, _H),
                    gn['mean_scale'].reshape(1, _H),
                    f['W1'], f['b1'].reshape(1, _H),
                    f['W2'], f['b2'].reshape(1, _H),
                    f['W3'], f['b3'].reshape(1, _C))

# --- scband reference (transcript-rebuilt; emitter-appended) ---
"""Pipeline reference for scband-search-depth-gnn-10917806867267 (READ-ONLY COPY).

The authoritative reference and input builder live on the scoring server;
editing this copy changes nothing except your own understanding.
"""

import jax, jax.numpy as jnp
import numpy as np

N = 10000
E = 320000
D = 128
H = 128
G = 64
C = 10
L = 3
EPS = 1e-5


def _init_linear(key, fan_in, fan_out):
    k1, k2 = jax.random.split(key)
    bound = 1.0 / np.sqrt(fan_in)
    W = jax.random.uniform(k1, (fan_in, fan_out), minval=-bound, maxval=bound, dtype=jnp.float32)
    b = jax.random.uniform(k2, (fan_out,), minval=-bound, maxval=bound, dtype=jnp.float32)
    return W, b


def setup_inputs(seed: int = 0) -> dict:
    key = jax.random.key(seed)
    keys = jax.random.split(key, 64)
    x = jax.random.normal(keys[0], (N, D), dtype=jnp.float32)
    edge_index = jax.random.randint(keys[1], (2, E), 0, N, dtype=jnp.int32)
    batch = jnp.sort(jax.random.randint(keys[2], (N,), 0, G, dtype=jnp.int32))
    params = {}
    idx = 3
    in_dim = D
    for l in range(L):
        W1, b1 = _init_linear(keys[idx], in_dim, H); idx += 1
        W2, b2 = _init_linear(keys[idx], H, H); idx += 1
        params['gin%d' % l] = {'W1': W1, 'b1': b1, 'W2': W2, 'b2': b2}
        params['gn%d' % l] = {'weight': jnp.ones((H,), dtype=jnp.float32),
                              'bias': jnp.zeros((H,), dtype=jnp.float32),
                              'mean_scale': jnp.ones((H,), dtype=jnp.float32)}
        in_dim = H
    fW1, fb1 = _init_linear(keys[idx], H, H); idx += 1
    fW2, fb2 = _init_linear(keys[idx], H, H); idx += 1
    fW3, fb3 = _init_linear(keys[idx], H, C); idx += 1
    params['final'] = {'W1': fW1, 'b1': fb1, 'W2': fW2, 'b2': fb2, 'W3': fW3, 'b3': fb3}
    return {'x': x, 'edge_index': edge_index, 'batch': batch, 'params': params}


def _graph_norm(x, batch, w, b, ms):
    ones = jnp.ones((x.shape[0], 1), dtype=x.dtype)
    counts = jnp.maximum(jax.ops.segment_sum(ones, batch, num_segments=G), 1.0)
    mean = jax.ops.segment_sum(x, batch, num_segments=G) / counts
    sub = x - ms * mean[batch]
    var = jax.ops.segment_sum(sub * sub, batch, num_segments=G) / counts
    std = jnp.sqrt(var[batch] + EPS)
    return sub / std * w + b


def _forward(x, edge_index, batch, params):
    src, dst = edge_index[0], edge_index[1]
    h = x
    for l in range(L):
        p = params['gin%d' % l]
        # GIN aggregation: sum of neighbor (source) features scattered to dst, eps=0
        agg = jnp.zeros_like(h).at[dst].add(h[src])
        h2 = h + agg
        h2 = jax.nn.relu(h2 @ p['W1'] + p['b1'])
        h2 = jax.nn.relu(h2 @ p['W2'] + p['b2'])
        gn = params['gn%d' % l]
        h2 = _graph_norm(h2, batch, gn['weight'], gn['bias'], gn['mean_scale'])
        h = jax.nn.relu(h2)
    ones = jnp.ones((h.shape[0], 1), dtype=h.dtype)
    counts = jnp.maximum(jax.ops.segment_sum(ones, batch, num_segments=G), 1.0)
    pooled = jax.ops.segment_sum(h, batch, num_segments=G) / counts
    f = params['final']
    o = jax.nn.relu(pooled @ f['W1'] + f['b1'])
    o = jax.nn.relu(o @ f['W2'] + f['b2'])  # dropout is identity in eval
    o = o @ f['W3'] + f['b3']
    return jax.nn.log_softmax(o, axis=-1)


def reference(x, edge_index, batch, params):
    return _forward(x, edge_index, batch, params)

if __name__ == "__main__":
    import jax
    _d = setup_inputs()
    print(jax.jit(kernel)(*tuple(_d.values())))

</pallas_src>

<mosaic_0001>
#map = affine_map<(d0, d1) -> (0, 0)>
#map1 = affine_map<(d0, d1) -> (0, 0, 0)>
module attributes {stable_mosaic.version = 14 : i64} {
  func.func @_sc_agg_body(%arg0: i32, %arg1: i32, %arg2: memref<10000x128xf32, #tpu.memory_space<hbm>>, %arg3: memref<32x200x50xi32, #tpu.memory_space<hbm>>, %arg4: memref<32x200x50xi32, #tpu.memory_space<hbm>>, %arg5: memref<10000x128xf32, #tpu.memory_space<hbm>>, %arg6: memref<2x10000x128xf32, #tpu.memory_space<hbm>>, %arg7: memref<200x50xi32, #tpu.memory_space<vmem>>, %arg8: memref<200x50xi32, #tpu.memory_space<vmem>>, %arg9: memref<4x50x128xf32, #tpu.memory_space<vmem>>, %arg10: memref<10000x128xf32, #tpu.memory_space<vmem_shared>>, %arg11: memref<4x!tpu.dma_semaphore, #tpu.memory_space<semaphore_mem>>) attributes {dimension_semantics = [#tpu.dimension_semantics<core_parallel>, #tpu.dimension_semantics<subcore_parallel>], iteration_bounds = array<i64: 2, 16>, scalar_prefetch = 0 : i64, scratch_operands = 5 : i64, tpu.core_type = #tpu.core_type<sc_vector_subcore>, window_params = [{transform_indices = #map}, {transform_indices = #map1}, {transform_indices = #map1}, {transform_indices = #map}, {transform_indices = #map1}]} {
    %mul3A = arith.constant 16 : i32
    %mul3A_0 = arith.muli %arg0, %mul3A : i32
    %add3A = arith.addi %mul3A_0, %arg1 : i32
    "tpu.region"() ({
      %run_scoped3A_139 = tpu.sem_alloc : memref<!tpu.dma_semaphore, #tpu.memory_space<semaphore_mem>>
      %dma_start3A_140 = arith.constant 0 : i32
      %dma_start3A_141 = arith.constant 0 : i32
      %dma_start3A_142 = tpu.memref_slice %arg3[%add3A, %dma_start3A_140, %dma_start3A_141] : memref<32x200x50xi32, #tpu.memory_space<hbm>> -> memref<1x200x50xi32, #tpu.memory_space<hbm>>
      %dma_start3A_143 = tpu.memref_squeeze %dma_start3A_142 : memref<1x200x50xi32, #tpu.memory_space<hbm>> -> memref<200x50xi32, #tpu.memory_space<hbm>>
      %dma_start3A_144 = arith.constant 0 : i32
      %dma_start3A_145 = arith.constant 0 : i32
      %dma_start3A_146 = tpu.memref_slice %arg3[%add3A, %dma_start3A_144, %dma_start3A_145] : memref<32x200x50xi32, #tpu.memory_space<hbm>> -> memref<1x200x50xi32, #tpu.memory_space<hbm>>
      %dma_start3A_147 = tpu.memref_squeeze %dma_start3A_146 : memref<1x200x50xi32, #tpu.memory_space<hbm>> -> memref<200x50xi32, #tpu.memory_space<hbm>>
      tpu.enqueue_dma source(%dma_start3A_147 : memref<200x50xi32, #tpu.memory_space<hbm>>) target(%arg7 : memref<200x50xi32, #tpu.memory_space<vmem>>) target_semaphore(%run_scoped3A_139 : memref<!tpu.dma_semaphore, #tpu.memory_space<semaphore_mem>>)
      %dma_wait3A_148 = arith.constant 0 : i32
      %dma_wait3A_149 = arith.constant 0 : i32
      %dma_wait3A_150 = tpu.memref_slice %arg3[%add3A, %dma_wait3A_148, %dma_wait3A_149] : memref<32x200x50xi32, #tpu.memory_space<hbm>> -> memref<1x200x50xi32, #tpu.memory_space<hbm>>
      %dma_wait3A_151 = tpu.memref_squeeze %dma_wait3A_150 : memref<1x200x50xi32, #tpu.memory_space<hbm>> -> memref<200x50xi32, #tpu.memory_space<hbm>>
      %dma_wait3A_152 = arith.constant 0 : i32
      %dma_wait3A_153 = arith.constant 0 : i32
      %dma_wait3A_154 = tpu.memref_slice %arg3[%add3A, %dma_wait3A_152, %dma_wait3A_153] : memref<32x200x50xi32, #tpu.memory_space<hbm>> -> memref<1x200x50xi32, #tpu.memory_space<hbm>>
      %dma_wait3A_155 = tpu.memref_squeeze %dma_wait3A_154 : memref<1x200x50xi32, #tpu.memory_space<hbm>> -> memref<200x50xi32, #tpu.memory_space<hbm>>
      tpu.wait_dma2 semaphore(%run_scoped3A_139 : memref<!tpu.dma_semaphore, #tpu.memory_space<semaphore_mem>>) src(%dma_wait3A_155 : memref<200x50xi32, #tpu.memory_space<hbm>>) dst(%arg7 : memref<200x50xi32, #tpu.memory_space<vmem>>)
      tpu.yield
    }) : () -> ()
    "tpu.region"() ({
      %run_scoped3A_139 = tpu.sem_alloc : memref<!tpu.dma_semaphore, #tpu.memory_space<semaphore_mem>>
      %dma_start3A_140 = arith.constant 0 : i32
      %dma_start3A_141 = arith.constant 0 : i32
      %dma_start3A_142 = tpu.memref_slice %arg4[%add3A, %dma_start3A_140, %dma_start3A_141] : memref<32x200x50xi32, #tpu.memory_space<hbm>> -> memref<1x200x50xi32, #tpu.memory_space<hbm>>
      %dma_start3A_143 = tpu.memref_squeeze %dma_start3A_142 : memref<1x200x50xi32, #tpu.memory_space<hbm>> -> memref<200x50xi32, #tpu.memory_space<hbm>>
      %dma_start3A_144 = arith.constant 0 : i32
      %dma_start3A_145 = arith.constant 0 : i32
      %dma_start3A_146 = tpu.memref_slice %arg4[%add3A, %dma_start3A_144, %dma_start3A_145] : memref<32x200x50xi32, #tpu.memory_space<hbm>> -> memref<1x200x50xi32, #tpu.memory_space<hbm>>
      %dma_start3A_147 = tpu.memref_squeeze %dma_start3A_146 : memref<1x200x50xi32, #tpu.memory_space<hbm>> -> memref<200x50xi32, #tpu.memory_space<hbm>>
      tpu.enqueue_dma source(%dma_start3A_147 : memref<200x50xi32, #tpu.memory_space<hbm>>) target(%arg8 : memref<200x50xi32, #tpu.memory_space<vmem>>) target_semaphore(%run_scoped3A_139 : memref<!tpu.dma_semaphore, #tpu.memory_space<semaphore_mem>>)
      %dma_wait3A_148 = arith.constant 0 : i32
      %dma_wait3A_149 = arith.constant 0 : i32
      %dma_wait3A_150 = tpu.memref_slice %arg4[%add3A, %dma_wait3A_148, %dma_wait3A_149] : memref<32x200x50xi32, #tpu.memory_space<hbm>> -> memref<1x200x50xi32, #tpu.memory_space<hbm>>
      %dma_wait3A_151 = tpu.memref_squeeze %dma_wait3A_150 : memref<1x200x50xi32, #tpu.memory_space<hbm>> -> memref<200x50xi32, #tpu.memory_space<hbm>>
      %dma_wait3A_152 = arith.constant 0 : i32
      %dma_wait3A_153 = arith.constant 0 : i32
      %dma_wait3A_154 = tpu.memref_slice %arg4[%add3A, %dma_wait3A_152, %dma_wait3A_153] : memref<32x200x50xi32, #tpu.memory_space<hbm>> -> memref<1x200x50xi32, #tpu.memory_space<hbm>>
      %dma_wait3A_155 = tpu.memref_squeeze %dma_wait3A_154 : memref<1x200x50xi32, #tpu.memory_space<hbm>> -> memref<200x50xi32, #tpu.memory_space<hbm>>
      tpu.wait_dma2 semaphore(%run_scoped3A_139 : memref<!tpu.dma_semaphore, #tpu.memory_space<semaphore_mem>>) src(%dma_wait3A_155 : memref<200x50xi32, #tpu.memory_space<hbm>>) dst(%arg8 : memref<200x50xi32, #tpu.memory_space<vmem>>)
      tpu.yield
    }) : () -> ()
    %dma_start3A = arith.constant 0 : i32
    %dma_start3A_1 = arith.constant 0 : i32
    %dma_start3A_2 = arith.constant 0 : i32
    %dma_start3A_3 = arith.constant 0 : i32
    %dma_start3A_4 = arith.constant 0 : i32
    %dma_start3A_5 = tpu.memref_slice %arg9[%dma_start3A_1, %dma_start3A_3, %dma_start3A_4] : memref<4x50x128xf32, #tpu.memory_space<vmem>> -> memref<1x50x128xf32, #tpu.memory_space<vmem>>
    %dma_start3A_6 = tpu.memref_squeeze %dma_start3A_5 : memref<1x50x128xf32, #tpu.memory_space<vmem>> -> memref<50x128xf32, #tpu.memory_space<vmem>>
    %dma_start3A_7 = arith.constant 0 : i32
    %dma_start3A_8 = tpu.memref_slice %arg7[%dma_start3A, %dma_start3A_7] : memref<200x50xi32, #tpu.memory_space<vmem>> -> memref<1x50xi32, #tpu.memory_space<vmem>>
    %dma_start3A_9 = tpu.memref_squeeze %dma_start3A_8 : memref<1x50xi32, #tpu.memory_space<vmem>> -> memref<50xi32, #tpu.memory_space<vmem>>
    %dma_start3A_10 = arith.constant 0 : i32
    %dma_start3A_11 = arith.constant 0 : i32
    %dma_start3A_12 = tpu.memref_slice %arg2[%dma_start3A_10, %dma_start3A_11] : memref<10000x128xf32, #tpu.memory_space<hbm>> -> memref<10000x128xf32, #tpu.memory_space<hbm>>
    %dma_start3A_13 = tpu.memref_slice %arg11[%dma_start3A_2] : memref<4x!tpu.dma_semaphore, #tpu.memory_space<semaphore_mem>> -> memref<1x!tpu.dma_semaphore, #tpu.memory_space<semaphore_mem>>
    %dma_start3A_14 = tpu.memref_squeeze %dma_start3A_13 : memref<1x!tpu.dma_semaphore, #tpu.memory_space<semaphore_mem>> -> memref<!tpu.dma_semaphore, #tpu.memory_space<semaphore_mem>>
    tpu.enqueue_indirect_dma source(%dma_start3A_12 : memref<10000x128xf32, #tpu.memory_space<hbm>>) target(%dma_start3A_6 : memref<50x128xf32, #tpu.memory_space<vmem>>) offsets(%dma_start3A_9 : memref<50xi32, #tpu.memory_space<vmem>>) semaphore(%dma_start3A_14 : memref<!tpu.dma_semaphore, #tpu.memory_space<semaphore_mem>>)
    %dma_start3A_15 = arith.constant 1 : i32
    %dma_start3A_16 = arith.constant 1 : i32
    %dma_start3A_17 = arith.constant 1 : i32
    %dma_start3A_18 = arith.constant 0 : i32
    %dma_start3A_19 = arith.constant 0 : i32
    %dma_start3A_20 = tpu.memref_slice %arg9[%dma_start3A_16, %dma_start3A_18, %dma_start3A_19] : memref<4x50x128xf32, #tpu.memory_space<vmem>> -> memref<1x50x128xf32, #tpu.memory_space<vmem>>
    %dma_start3A_21 = tpu.memref_squeeze %dma_start3A_20 : memref<1x50x128xf32, #tpu.memory_space<vmem>> -> memref<50x128xf32, #tpu.memory_space<vmem>>
    %dma_start3A_22 = arith.constant 0 : i32
    %dma_start3A_23 = tpu.memref_slice %arg7[%dma_start3A_15, %dma_start3A_22] : memref<200x50xi32, #tpu.memory_space<vmem>> -> memref<1x50xi32, #tpu.memory_space<vmem>>
    %dma_start3A_24 = tpu.memref_squeeze %dma_start3A_23 : memref<1x50xi32, #tpu.memory_space<vmem>> -> memref<50xi32, #tpu.memory_space<vmem>>
    %dma_start3A_25 = arith.constant 0 : i32
    %dma_start3A_26 = arith.constant 0 : i32
    %dma_start3A_27 = tpu.memref_slice %arg2[%dma_start3A_25, %dma_start3A_26] : memref<10000x128xf32, #tpu.memory_space<hbm>> -> memref<10000x128xf32, #tpu.memory_space<hbm>>
    %dma_start3A_28 = tpu.memref_slice %arg11[%dma_start3A_17] : memref<4x!tpu.dma_semaphore, #tpu.memory_space<semaphore_mem>> -> memref<1x!tpu.dma_semaphore, #tpu.memory_space<semaphore_mem>>
    %dma_start3A_29 = tpu.memref_squeeze %dma_start3A_28 : memref<1x!tpu.dma_semaphore, #tpu.memory_space<semaphore_mem>> -> memref<!tpu.dma_semaphore, #tpu.memory_space<semaphore_mem>>
    tpu.enqueue_indirect_dma source(%dma_start3A_27 : memref<10000x128xf32, #tpu.memory_space<hbm>>) target(%dma_start3A_21 : memref<50x128xf32, #tpu.memory_space<vmem>>) offsets(%dma_start3A_24 : memref<50xi32, #tpu.memory_space<vmem>>) semaphore(%dma_start3A_29 : memref<!tpu.dma_semaphore, #tpu.memory_space<semaphore_mem>>)
    %dma_start3A_30 = arith.constant 2 : i32
    %dma_start3A_31 = arith.constant 2 : i32
    %dma_start3A_32 = arith.constant 2 : i32
    %dma_start3A_33 = arith.constant 0 : i32
    %dma_start3A_34 = arith.constant 0 : i32
    %dma_start3A_35 = tpu.memref_slice %arg9[%dma_start3A_31, %dma_start3A_33, %dma_start3A_34] : memref<4x50x128xf32, #tpu.memory_space<vmem>> -> memref<1x50x128xf32, #tpu.memory_space<vmem>>
    %dma_start3A_36 = tpu.memref_squeeze %dma_start3A_35 : memref<1x50x128xf32, #tpu.memory_space<vmem>> -> memref<50x128xf32, #tpu.memory_space<vmem>>
    %dma_start3A_37 = arith.constant 0 : i32
    %dma_start3A_38 = tpu.memref_slice %arg7[%dma_start3A_30, %dma_start3A_37] : memref<200x50xi32, #tpu.memory_space<vmem>> -> memref<1x50xi32, #tpu.memory_space<vmem>>
    %dma_start3A_39 = tpu.memref_squeeze %dma_start3A_38 : memref<1x50xi32, #tpu.memory_space<vmem>> -> memref<50xi32, #tpu.memory_space<vmem>>
    %dma_start3A_40 = arith.constant 0 : i32
    %dma_start3A_41 = arith.constant 0 : i32
    %dma_start3A_42 = tpu.memref_slice %arg2[%dma_start3A_40, %dma_start3A_41] : memref<10000x128xf32, #tpu.memory_space<hbm>> -> memref<10000x128xf32, #tpu.memory_space<hbm>>
    %dma_start3A_43 = tpu.memref_slice %arg11[%dma_start3A_32] : memref<4x!tpu.dma_semaphore, #tpu.memory_space<semaphore_mem>> -> memref<1x!tpu.dma_semaphore, #tpu.memory_space<semaphore_mem>>
    %dma_start3A_44 = tpu.memref_squeeze %dma_start3A_43 : memref<1x!tpu.dma_semaphore, #tpu.memory_space<semaphore_mem>> -> memref<!tpu.dma_semaphore, #tpu.memory_space<semaphore_mem>>
    tpu.enqueue_indirect_dma source(%dma_start3A_42 : memref<10000x128xf32, #tpu.memory_space<hbm>>) target(%dma_start3A_36 : memref<50x128xf32, #tpu.memory_space<vmem>>) offsets(%dma_start3A_39 : memref<50xi32, #tpu.memory_space<vmem>>) semaphore(%dma_start3A_44 : memref<!tpu.dma_semaphore, #tpu.memory_space<semaphore_mem>>)
    %dma_start3A_45 = arith.constant 3 : i32
    %dma_start3A_46 = arith.constant 3 : i32
    %dma_start3A_47 = arith.constant 3 : i32
    %dma_start3A_48 = arith.constant 0 : i32
    %dma_start3A_49 = arith.constant 0 : i32
    %dma_start3A_50 = tpu.memref_slice %arg9[%dma_start3A_46, %dma_start3A_48, %dma_start3A_49] : memref<4x50x128xf32, #tpu.memory_space<vmem>> -> memref<1x50x128xf32, #tpu.memory_space<vmem>>
    %dma_start3A_51 = tpu.memref_squeeze %dma_start3A_50 : memref<1x50x128xf32, #tpu.memory_space<vmem>> -> memref<50x128xf32, #tpu.memory_space<vmem>>
    %dma_start3A_52 = arith.constant 0 : i32
    %dma_start3A_53 = tpu.memref_slice %arg7[%dma_start3A_45, %dma_start3A_52] : memref<200x50xi32, #tpu.memory_space<vmem>> -> memref<1x50xi32, #tpu.memory_space<vmem>>
    %dma_start3A_54 = tpu.memref_squeeze %dma_start3A_53 : memref<1x50xi32, #tpu.memory_space<vmem>> -> memref<50xi32, #tpu.memory_space<vmem>>
    %dma_start3A_55 = arith.constant 0 : i32
    %dma_start3A_56 = arith.constant 0 : i32
    %dma_start3A_57 = tpu.memref_slice %arg2[%dma_start3A_55, %dma_start3A_56] : memref<10000x128xf32, #tpu.memory_space<hbm>> -> memref<10000x128xf32, #tpu.memory_space<hbm>>
    %dma_start3A_58 = tpu.memref_slice %arg11[%dma_start3A_47] : memref<4x!tpu.dma_semaphore, #tpu.memory_space<semaphore_mem>> -> memref<1x!tpu.dma_semaphore, #tpu.memory_space<semaphore_mem>>
    %dma_start3A_59 = tpu.memref_squeeze %dma_start3A_58 : memref<1x!tpu.dma_semaphore, #tpu.memory_space<semaphore_mem>> -> memref<!tpu.dma_semaphore, #tpu.memory_space<semaphore_mem>>
    tpu.enqueue_indirect_dma source(%dma_start3A_57 : memref<10000x128xf32, #tpu.memory_space<hbm>>) target(%dma_start3A_51 : memref<50x128xf32, #tpu.memory_space<vmem>>) offsets(%dma_start3A_54 : memref<50xi32, #tpu.memory_space<vmem>>) semaphore(%dma_start3A_59 : memref<!tpu.dma_semaphore, #tpu.memory_space<semaphore_mem>>)
    %mul3A_60 = arith.constant 625 : i32
    %mul3A_61 = arith.muli %arg1, %mul3A_60 : i32
    %mul3A_62 = arith.constant 625 : i32
    %mul3A_63 = arith.muli %arg1, %mul3A_62 : i32
    "tpu.region"() ({
      %run_scoped3A_139 = tpu.sem_alloc : memref<!tpu.dma_semaphore, #tpu.memory_space<semaphore_mem>>
      %dma_start3A_140 = arith.constant 0 : i32
      %dma_start3A_141 = tpu.memref_slice %arg10[%mul3A_63, %dma_start3A_140] : memref<10000x128xf32, #tpu.memory_space<vmem_shared>> -> memref<625x128xf32, #tpu.memory_space<vmem_shared>>
      %dma_start3A_142 = arith.constant 0 : i32
      %dma_start3A_143 = tpu.memref_slice %arg5[%mul3A_61, %dma_start3A_142] : memref<10000x128xf32, #tpu.memory_space<hbm>> -> memref<625x128xf32, #tpu.memory_space<hbm>>
      tpu.enqueue_dma source(%dma_start3A_143 : memref<625x128xf32, #tpu.memory_space<hbm>>) target(%dma_start3A_141 : memref<625x128xf32, #tpu.memory_space<vmem_shared>>) target_semaphore(%run_scoped3A_139 : memref<!tpu.dma_semaphore, #tpu.memory_space<semaphore_mem>>)
      %dma_wait3A_144 = arith.constant 0 : i32
      %dma_wait3A_145 = tpu.memref_slice %arg10[%mul3A_63, %dma_wait3A_144] : memref<10000x128xf32, #tpu.memory_space<vmem_shared>> -> memref<625x128xf32, #tpu.memory_space<vmem_shared>>
      %dma_wait3A_146 = arith.constant 0 : i32
      %dma_wait3A_147 = tpu.memref_slice %arg5[%mul3A_61, %dma_wait3A_146] : memref<10000x128xf32, #tpu.memory_space<hbm>> -> memref<625x128xf32, #tpu.memory_space<hbm>>
      tpu.wait_dma2 semaphore(%run_scoped3A_139 : memref<!tpu.dma_semaphore, #tpu.memory_space<semaphore_mem>>) src(%dma_wait3A_147 : memref<625x128xf32, #tpu.memory_space<hbm>>) dst(%dma_wait3A_145 : memref<625x128xf32, #tpu.memory_space<vmem_shared>>)
      tpu.yield
    }) : () -> ()
    %barrier3A = arith.constant 0 : index
    tpu.barrier barrier_id(%barrier3A)
    %scan3A = arith.constant 0 : i32
    %scan3A_64 = arith.constant 49 : i32
    %scan3A_65 = arith.addi %scan3A, %scan3A_64 : i32
    %scan3A_66 = arith.constant 1 : i32
    scf.for %scan3A_139 = %scan3A to %scan3A_65 step %scan3A_66  : i32 {
      %mul3A_140 = arith.constant 4 : i32
      %mul3A_141 = arith.muli %scan3A_139, %mul3A_140 : i32
      %add3A_142 = arith.constant 0 : i32
      %add3A_143 = arith.addi %add3A_142, %mul3A_141 : i32
      %dma_wait3A_144 = arith.constant 0 : i32
      %dma_wait3A_145 = arith.constant 0 : i32
      %dma_wait3A_146 = arith.constant 0 : i32
      %dma_wait3A_147 = arith.constant 0 : i32
      %dma_wait3A_148 = arith.constant 0 : i32
      %dma_wait3A_149 = tpu.memref_slice %arg9[%dma_wait3A_145, %dma_wait3A_147, %dma_wait3A_148] : memref<4x50x128xf32, #tpu.memory_space<vmem>> -> memref<1x50x128xf32, #tpu.memory_space<vmem>>
      %dma_wait3A_150 = tpu.memref_squeeze %dma_wait3A_149 : memref<1x50x128xf32, #tpu.memory_space<vmem>> -> memref<50x128xf32, #tpu.memory_space<vmem>>
      %dma_wait3A_151 = arith.constant 0 : i32
      %dma_wait3A_152 = tpu.memref_slice %arg7[%dma_wait3A_144, %dma_wait3A_151] : memref<200x50xi32, #tpu.memory_space<vmem>> -> memref<1x50xi32, #tpu.memory_space<vmem>>
      %dma_wait3A_153 = tpu.memref_squeeze %dma_wait3A_152 : memref<1x50xi32, #tpu.memory_space<vmem>> -> memref<50xi32, #tpu.memory_space<vmem>>
      %dma_wait3A_154 = arith.constant 0 : i32
      %dma_wait3A_155 = arith.constant 0 : i32
      %dma_wait3A_156 = tpu.memref_slice %arg2[%dma_wait3A_154, %dma_wait3A_155] : memref<10000x128xf32, #tpu.memory_space<hbm>> -> memref<10000x128xf32, #tpu.memory_space<hbm>>
      %dma_wait3A_157 = tpu.memref_slice %arg11[%dma_wait3A_146] : memref<4x!tpu.dma_semaphore, #tpu.memory_space<semaphore_mem>> -> memref<1x!tpu.dma_semaphore, #tpu.memory_space<semaphore_mem>>
      %dma_wait3A_158 = tpu.memref_squeeze %dma_wait3A_157 : memref<1x!tpu.dma_semaphore, #tpu.memory_space<semaphore_mem>> -> memref<!tpu.dma_semaphore, #tpu.memory_space<semaphore_mem>>
      tpu.wait_indirect_dma semaphore(%dma_wait3A_158 : memref<!tpu.dma_semaphore, #tpu.memory_space<semaphore_mem>>) src(%dma_wait3A_156 : memref<10000x128xf32, #tpu.memory_space<hbm>>) dst(%dma_wait3A_150 : memref<50x128xf32, #tpu.memory_space<vmem>>)
      %add3A_159 = arith.constant 0 : i32
      %add3A_160 = arith.addi %add3A_143, %add3A_159 : i32
      %run_scoped3A_161 = arith.constant 0 : i32
      "tpu.region"() ({
        %run_scoped3A_288 = tpu.sem_alloc : memref<!tpu.dma_semaphore, #tpu.memory_space<semaphore_mem>>
        %dma_start3A_289 = arith.constant 0 : i32
        %dma_start3A_290 = arith.constant 0 : i32
        %dma_start3A_291 = tpu.memref_slice %arg9[%run_scoped3A_161, %dma_start3A_289, %dma_start3A_290] : memref<4x50x128xf32, #tpu.memory_space<vmem>> -> memref<1x50x128xf32, #tpu.memory_space<vmem>>
        %dma_start3A_292 = tpu.memref_squeeze %dma_start3A_291 : memref<1x50x128xf32, #tpu.memory_space<vmem>> -> memref<50x128xf32, #tpu.memory_space<vmem>>
        %dma_start3A_293 = arith.constant 0 : i32
        %dma_start3A_294 = tpu.memref_slice %arg8[%add3A_160, %dma_start3A_293] : memref<200x50xi32, #tpu.memory_space<vmem>> -> memref<1x50xi32, #tpu.memory_space<vmem>>
        %dma_start3A_295 = tpu.memref_squeeze %dma_start3A_294 : memref<1x50xi32, #tpu.memory_space<vmem>> -> memref<50xi32, #tpu.memory_space<vmem>>
        %dma_start3A_296 = arith.constant 0 : i32
        %dma_start3A_297 = arith.constant 0 : i32
        %dma_start3A_298 = tpu.memref_slice %arg10[%dma_start3A_296, %dma_start3A_297] : memref<10000x128xf32, #tpu.memory_space<vmem_shared>> -> memref<10000x128xf32, #tpu.memory_space<vmem_shared>>
        tpu.enqueue_indirect_dma source(%dma_start3A_292 : memref<50x128xf32, #tpu.memory_space<vmem>>) target(%dma_start3A_298 : memref<10000x128xf32, #tpu.memory_space<vmem_shared>>) offsets(%dma_start3A_295 : memref<50xi32, #tpu.memory_space<vmem>>) semaphore(%run_scoped3A_288 : memref<!tpu.dma_semaphore, #tpu.memory_space<semaphore_mem>>) {add = true}
        %dma_wait3A_299 = arith.constant 0 : i32
        %dma_wait3A_300 = arith.constant 0 : i32
        %dma_wait3A_301 = tpu.memref_slice %arg9[%run_scoped3A_161, %dma_wait3A_299, %dma_wait3A_300] : memref<4x50x128xf32, #tpu.memory_space<vmem>> -> memref<1x50x128xf32, #tpu.memory_space<vmem>>
        %dma_wait3A_302 = tpu.memref_squeeze %dma_wait3A_301 : memref<1x50x128xf32, #tpu.memory_space<vmem>> -> memref<50x128xf32, #tpu.memory_space<vmem>>
        %dma_wait3A_303 = arith.constant 0 : i32
        %dma_wait3A_304 = tpu.memref_slice %arg8[%add3A_160, %dma_wait3A_303] : memref<200x50xi32, #tpu.memory_space<vmem>> -> memref<1x50xi32, #tpu.memory_space<vmem>>
        %dma_wait3A_305 = tpu.memref_squeeze %dma_wait3A_304 : memref<1x50xi32, #tpu.memory_space<vmem>> -> memref<50xi32, #tpu.memory_space<vmem>>
        %dma_wait3A_306 = arith.constant 0 : i32
        %dma_wait3A_307 = arith.constant 0 : i32
        %dma_wait3A_308 = tpu.memref_slice %arg10[%dma_wait3A_306, %dma_wait3A_307] : memref<10000x128xf32, #tpu.memory_space<vmem_shared>> -> memref<10000x128xf32, #tpu.memory_space<vmem_shared>>
        tpu.wait_indirect_dma semaphore(%run_scoped3A_288 : memref<!tpu.dma_semaphore, #tpu.memory_space<semaphore_mem>>) src(%dma_wait3A_302 : memref<50x128xf32, #tpu.memory_space<vmem>>) dst(%dma_wait3A_308 : memref<10000x128xf32, #tpu.memory_space<vmem_shared>>)
        tpu.yield
      }) : () -> ()
      %add3A_162 = arith.constant 0 : i32
      %add3A_163 = arith.addi %add3A_143, %add3A_162 : i32
      %add3A_164 = arith.constant 4 : i32
      %add3A_165 = arith.addi %add3A_163, %add3A_164 : i32
      %dma_start3A_166 = arith.constant 0 : i32
      %dma_start3A_167 = arith.constant 0 : i32
      %dma_start3A_168 = arith.constant 0 : i32
      %dma_start3A_169 = arith.constant 0 : i32
      %dma_start3A_170 = tpu.memref_slice %arg9[%dma_start3A_166, %dma_start3A_168, %dma_start3A_169] : memref<4x50x128xf32, #tpu.memory_space<vmem>> -> memref<1x50x128xf32, #tpu.memory_space<vmem>>
      %dma_start3A_171 = tpu.memref_squeeze %dma_start3A_170 : memref<1x50x128xf32, #tpu.memory_space<vmem>> -> memref<50x128xf32, #tpu.memory_space<vmem>>
      %dma_start3A_172 = arith.constant 0 : i32
      %dma_start3A_173 = tpu.memref_slice %arg7[%add3A_165, %dma_start3A_172] : memref<200x50xi32, #tpu.memory_space<vmem>> -> memref<1x50xi32, #tpu.memory_space<vmem>>
      %dma_start3A_174 = tpu.memref_squeeze %dma_start3A_173 : memref<1x50xi32, #tpu.memory_space<vmem>> -> memref<50xi32, #tpu.memory_space<vmem>>
      %dma_start3A_175 = arith.constant 0 : i32
      %dma_start3A_176 = arith.constant 0 : i32
      %dma_start3A_177 = tpu.memref_slice %arg2[%dma_start3A_175, %dma_start3A_176] : memref<10000x128xf32, #tpu.memory_space<hbm>> -> memref<10000x128xf32, #tpu.memory_space<hbm>>
      %dma_start3A_178 = tpu.memref_slice %arg11[%dma_start3A_167] : memref<4x!tpu.dma_semaphore, #tpu.memory_space<semaphore_mem>> -> memref<1x!tpu.dma_semaphore, #tpu.memory_space<semaphore_mem>>
      %dma_start3A_179 = tpu.memref_squeeze %dma_start3A_178 : memref<1x!tpu.dma_semaphore, #tpu.memory_space<semaphore_mem>> -> memref<!tpu.dma_semaphore, #tpu.memory_space<semaphore_mem>>
      tpu.enqueue_indirect_dma source(%dma_start3A_177 : memref<10000x128xf32, #tpu.memory_space<hbm>>) target(%dma_start3A_171 : memref<50x128xf32, #tpu.memory_space<vmem>>) offsets(%dma_start3A_174 : memref<50xi32, #tpu.memory_space<vmem>>) semaphore(%dma_start3A_179 : memref<!tpu.dma_semaphore, #tpu.memory_space<semaphore_mem>>)
      %dma_wait3A_180 = arith.constant 0 : i32
      %dma_wait3A_181 = arith.constant 1 : i32
      %dma_wait3A_182 = arith.constant 1 : i32
      %dma_wait3A_183 = arith.constant 0 : i32
      %dma_wait3A_184 = arith.constant 0 : i32
      %dma_wait3A_185 = tpu.memref_slice %arg9[%dma_wait3A_181, %dma_wait3A_183, %dma_wait3A_184] : memref<4x50x128xf32, #tpu.memory_space<vmem>> -> memref<1x50x128xf32, #tpu.memory_space<vmem>>
      %dma_wait3A_186 = tpu.memref_squeeze %dma_wait3A_185 : memref<1x50x128xf32, #tpu.memory_space<vmem>> -> memref<50x128xf32, #tpu.memory_space<vmem>>
      %dma_wait3A_187 = arith.constant 0 : i32
      %dma_wait3A_188 = tpu.memref_slice %arg7[%dma_wait3A_180, %dma_wait3A_187] : memref<200x50xi32, #tpu.memory_space<vmem>> -> memref<1x50xi32, #tpu.memory_space<vmem>>
      %dma_wait3A_189 = tpu.memref_squeeze %dma_wait3A_188 : memref<1x50xi32, #tpu.memory_space<vmem>> -> memref<50xi32, #tpu.memory_space<vmem>>
      %dma_wait3A_190 = arith.constant 0 : i32
      %dma_wait3A_191 = arith.constant 0 : i32
      %dma_wait3A_192 = tpu.memref_slice %arg2[%dma_wait3A_190, %dma_wait3A_191] : memref<10000x128xf32, #tpu.memory_space<hbm>> -> memref<10000x128xf32, #tpu.memory_space<hbm>>
      %dma_wait3A_193 = tpu.memref_slice %arg11[%dma_wait3A_182] : memref<4x!tpu.dma_semaphore, #tpu.memory_space<semaphore_mem>> -> memref<1x!tpu.dma_semaphore, #tpu.memory_space<semaphore_mem>>
      %dma_wait3A_194 = tpu.memref_squeeze %dma_wait3A_193 : memref<1x!tpu.dma_semaphore, #tpu.memory_space<semaphore_mem>> -> memref<!tpu.dma_semaphore, #tpu.memory_space<semaphore_mem>>
      tpu.wait_indirect_dma semaphore(%dma_wait3A_194 : memref<!tpu.dma_semaphore, #tpu.memory_space<semaphore_mem>>) src(%dma_wait3A_192 : memref<10000x128xf32, #tpu.memory_space<hbm>>) dst(%dma_wait3A_186 : memref<50x128xf32, #tpu.memory_space<vmem>>)
      %add3A_195 = arith.constant 1 : i32
      %add3A_196 = arith.addi %add3A_143, %add3A_195 : i32
      %run_scoped3A_197 = arith.constant 1 : i32
      "tpu.region"() ({
        %run_scoped3A_288 = tpu.sem_alloc : memref<!tpu.dma_semaphore, #tpu.memory_space<semaphore_mem>>
        %dma_start3A_289 = arith.constant 0 : i32
        %dma_start3A_290 = arith.constant 0 : i32
        %dma_start3A_291 = tpu.memref_slice %arg9[%run_scoped3A_197, %dma_start3A_289, %dma_start3A_290] : memref<4x50x128xf32, #tpu.memory_space<vmem>> -> memref<1x50x128xf32, #tpu.memory_space<vmem>>
        %dma_start3A_292 = tpu.memref_squeeze %dma_start3A_291 : memref<1x50x128xf32, #tpu.memory_space<vmem>> -> memref<50x128xf32, #tpu.memory_space<vmem>>
        %dma_start3A_293 = arith.constant 0 : i32
        %dma_start3A_294 = tpu.memref_slice %arg8[%add3A_196, %dma_start3A_293] : memref<200x50xi32, #tpu.memory_space<vmem>> -> memref<1x50xi32, #tpu.memory_space<vmem>>
        %dma_start3A_295 = tpu.memref_squeeze %dma_start3A_294 : memref<1x50xi32, #tpu.memory_space<vmem>> -> memref<50xi32, #tpu.memory_space<vmem>>
        %dma_start3A_296 = arith.constant 0 : i32
        %dma_start3A_297 = arith.constant 0 : i32
        %dma_start3A_298 = tpu.memref_slice %arg10[%dma_start3A_296, %dma_start3A_297] : memref<10000x128xf32, #tpu.memory_space<vmem_shared>> -> memref<10000x128xf32, #tpu.memory_space<vmem_shared>>
        tpu.enqueue_indirect_dma source(%dma_start3A_292 : memref<50x128xf32, #tpu.memory_space<vmem>>) target(%dma_start3A_298 : memref<10000x128xf32, #tpu.memory_space<vmem_shared>>) offsets(%dma_start3A_295 : memref<50xi32, #tpu.memory_space<vmem>>) semaphore(%run_scoped3A_288 : memref<!tpu.dma_semaphore, #tpu.memory_space<semaphore_mem>>) {add = true}
        %dma_wait3A_299 = arith.constant 0 : i32
        %dma_wait3A_300 = arith.constant 0 : i32
        %dma_wait3A_301 = tpu.memref_slice %arg9[%run_scoped3A_197, %dma_wait3A_299, %dma_wait3A_300] : memref<4x50x128xf32, #tpu.memory_space<vmem>> -> memref<1x50x128xf32, #tpu.memory_space<vmem>>
        %dma_wait3A_302 = tpu.memref_squeeze %dma_wait3A_301 : memref<1x50x128xf32, #tpu.memory_space<vmem>> -> memref<50x128xf32, #tpu.memory_space<vmem>>
        %dma_wait3A_303 = arith.constant 0 : i32
        %dma_wait3A_304 = tpu.memref_slice %arg8[%add3A_196, %dma_wait3A_303] : memref<200x50xi32, #tpu.memory_space<vmem>> -> memref<1x50xi32, #tpu.memory_space<vmem>>
        %dma_wait3A_305 = tpu.memref_squeeze %dma_wait3A_304 : memref<1x50xi32, #tpu.memory_space<vmem>> -> memref<50xi32, #tpu.memory_space<vmem>>
        %dma_wait3A_306 = arith.constant 0 : i32
        %dma_wait3A_307 = arith.constant 0 : i32
        %dma_wait3A_308 = tpu.memref_slice %arg10[%dma_wait3A_306, %dma_wait3A_307] : memref<10000x128xf32, #tpu.memory_space<vmem_shared>> -> memref<10000x128xf32, #tpu.memory_space<vmem_shared>>
        tpu.wait_indirect_dma semaphore(%run_scoped3A_288 : memref<!tpu.dma_semaphore, #tpu.memory_space<semaphore_mem>>) src(%dma_wait3A_302 : memref<50x128xf32, #tpu.memory_space<vmem>>) dst(%dma_wait3A_308 : memref<10000x128xf32, #tpu.memory_space<vmem_shared>>)
        tpu.yield
      }) : () -> ()
      %add3A_198 = arith.constant 1 : i32
      %add3A_199 = arith.addi %add3A_143, %add3A_198 : i32
      %add3A_200 = arith.constant 4 : i32
      %add3A_201 = arith.addi %add3A_199, %add3A_200 : i32
      %dma_start3A_202 = arith.constant 1 : i32
      %dma_start3A_203 = arith.constant 1 : i32
      %dma_start3A_204 = arith.constant 0 : i32
      %dma_start3A_205 = arith.constant 0 : i32
      %dma_start3A_206 = tpu.memref_slice %arg9[%dma_start3A_202, %dma_start3A_204, %dma_start3A_205] : memref<4x50x128xf32, #tpu.memory_space<vmem>> -> memref<1x50x128xf32, #tpu.memory_space<vmem>>
      %dma_start3A_207 = tpu.memref_squeeze %dma_start3A_206 : memref<1x50x128xf32, #tpu.memory_space<vmem>> -> memref<50x128xf32, #tpu.memory_space<vmem>>
      %dma_start3A_208 = arith.constant 0 : i32
      %dma_start3A_209 = tpu.memref_slice %arg7[%add3A_201, %dma_start3A_208] : memref<200x50xi32, #tpu.memory_space<vmem>> -> memref<1x50xi32, #tpu.memory_space<vmem>>
      %dma_start3A_210 = tpu.memref_squeeze %dma_start3A_209 : memref<1x50xi32, #tpu.memory_space<vmem>> -> memref<50xi32, #tpu.memory_space<vmem>>
      %dma_start3A_211 = arith.constant 0 : i32
      %dma_start3A_212 = arith.constant 0 : i32
      %dma_start3A_213 = tpu.memref_slice %arg2[%dma_start3A_211, %dma_start3A_212] : memref<10000x128xf32, #tpu.memory_space<hbm>> -> memref<10000x128xf32, #tpu.memory_space<hbm>>
      %dma_start3A_214 = tpu.memref_slice %arg11[%dma_start3A_203] : memref<4x!tpu.dma_semaphore, #tpu.memory_space<semaphore_mem>> -> memref<1x!tpu.dma_semaphore, #tpu.memory_space<semaphore_mem>>
      %dma_start3A_215 = tpu.memref_squeeze %dma_start3A_214 : memref<1x!tpu.dma_semaphore, #tpu.memory_space<semaphore_mem>> -> memref<!tpu.dma_semaphore, #tpu.memory_space<semaphore_mem>>
      tpu.enqueue_indirect_dma source(%dma_start3A_213 : memref<10000x128xf32, #tpu.memory_space<hbm>>) target(%dma_start3A_207 : memref<50x128xf32, #tpu.memory_space<vmem>>) offsets(%dma_start3A_210 : memref<50xi32, #tpu.memory_space<vmem>>) semaphore(%dma_start3A_215 : memref<!tpu.dma_semaphore, #tpu.memory_space<semaphore_mem>>)
      %dma_wait3A_216 = arith.constant 0 : i32
      %dma_wait3A_217 = arith.constant 2 : i32
      %dma_wait3A_218 = arith.constant 2 : i32
      %dma_wait3A_219 = arith.constant 0 : i32
      %dma_wait3A_220 = arith.constant 0 : i32
      %dma_wait3A_221 = tpu.memref_slice %arg9[%dma_wait3A_217, %dma_wait3A_219, %dma_wait3A_220] : memref<4x50x128xf32, #tpu.memory_space<vmem>> -> memref<1x50x128xf32, #tpu.memory_space<vmem>>
      %dma_wait3A_222 = tpu.memref_squeeze %dma_wait3A_221 : memref<1x50x128xf32, #tpu.memory_space<vmem>> -> memref<50x128xf32, #tpu.memory_space<vmem>>
      %dma_wait3A_223 = arith.constant 0 : i32
      %dma_wait3A_224 = tpu.memref_slice %arg7[%dma_wait3A_216, %dma_wait3A_223] : memref<200x50xi32, #tpu.memory_space<vmem>> -> memref<1x50xi32, #tpu.memory_space<vmem>>
      %dma_wait3A_225 = tpu.memref_squeeze %dma_wait3A_224 : memref<1x50xi32, #tpu.memory_space<vmem>> -> memref<50xi32, #tpu.memory_space<vmem>>
      %dma_wait3A_226 = arith.constant 0 : i32
      %dma_wait3A_227 = arith.constant 0 : i32
      %dma_wait3A_228 = tpu.memref_slice %arg2[%dma_wait3A_226, %dma_wait3A_227] : memref<10000x128xf32, #tpu.memory_space<hbm>> -> memref<10000x128xf32, #tpu.memory_space<hbm>>
      %dma_wait3A_229 = tpu.memref_slice %arg11[%dma_wait3A_218] : memref<4x!tpu.dma_semaphore, #tpu.memory_space<semaphore_mem>> -> memref<1x!tpu.dma_semaphore, #tpu.memory_space<semaphore_mem>>
      %dma_wait3A_230 = tpu.memref_squeeze %dma_wait3A_229 : memref<1x!tpu.dma_semaphore, #tpu.memory_space<semaphore_mem>> -> memref<!tpu.dma_semaphore, #tpu.memory_space<semaphore_mem>>
      tpu.wait_indirect_dma semaphore(%dma_wait3A_230 : memref<!tpu.dma_semaphore, #tpu.memory_space<semaphore_mem>>) src(%dma_wait3A_228 : memref<10000x128xf32, #tpu.memory_space<hbm>>) dst(%dma_wait3A_222 : memref<50x128xf32, #tpu.memory_space<vmem>>)
      %add3A_231 = arith.constant 2 : i32
      %add3A_232 = arith.addi %add3A_143, %add3A_231 : i32
      %run_scoped3A_233 = arith.constant 2 : i32
      "tpu.region"() ({
        %run_scoped3A_288 = tpu.sem_alloc : memref<!tpu.dma_semaphore, #tpu.memory_space<semaphore_mem>>
        %dma_start3A_289 = arith.constant 0 : i32
        %dma_start3A_290 = arith.constant 0 : i32
        %dma_start3A_291 = tpu.memref_slice %arg9[%run_scoped3A_233, %dma_start3A_289, %dma_start3A_290] : memref<4x50x128xf32, #tpu.memory_space<vmem>> -> memref<1x50x128xf32, #tpu.memory_space<vmem>>
        %dma_start3A_292 = tpu.memref_squeeze %dma_start3A_291 : memref<1x50x128xf32, #tpu.memory_space<vmem>> -> memref<50x128xf32, #tpu.memory_space<vmem>>
        %dma_start3A_293 = arith.constant 0 : i32
        %dma_start3A_294 = tpu.memref_slice %arg8[%add3A_232, %dma_start3A_293] : memref<200x50xi32, #tpu.memory_space<vmem>> -> memref<1x50xi32, #tpu.memory_space<vmem>>
        %dma_start3A_295 = tpu.memref_squeeze %dma_start3A_294 : memref<1x50xi32, #tpu.memory_space<vmem>> -> memref<50xi32, #tpu.memory_space<vmem>>
        %dma_start3A_296 = arith.constant 0 : i32
        %dma_start3A_297 = arith.constant 0 : i32
        %dma_start3A_298 = tpu.memref_slice %arg10[%dma_start3A_296, %dma_start3A_297] : memref<10000x128xf32, #tpu.memory_space<vmem_shared>> -> memref<10000x128xf32, #tpu.memory_space<vmem_shared>>
        tpu.enqueue_indirect_dma source(%dma_start3A_292 : memref<50x128xf32, #tpu.memory_space<vmem>>) target(%dma_start3A_298 : memref<10000x128xf32, #tpu.memory_space<vmem_shared>>) offsets(%dma_start3A_295 : memref<50xi32, #tpu.memory_space<vmem>>) semaphore(%run_scoped3A_288 : memref<!tpu.dma_semaphore, #tpu.memory_space<semaphore_mem>>) {add = true}
        %dma_wait3A_299 = arith.constant 0 : i32
        %dma_wait3A_300 = arith.constant 0 : i32
        %dma_wait3A_301 = tpu.memref_slice %arg9[%run_scoped3A_233, %dma_wait3A_299, %dma_wait3A_300] : memref<4x50x128xf32, #tpu.memory_space<vmem>> -> memref<1x50x128xf32, #tpu.memory_space<vmem>>
        %dma_wait3A_302 = tpu.memref_squeeze %dma_wait3A_301 : memref<1x50x128xf32, #tpu.memory_space<vmem>> -> memref<50x128xf32, #tpu.memory_space<vmem>>
        %dma_wait3A_303 = arith.constant 0 : i32
        %dma_wait3A_304 = tpu.memref_slice %arg8[%add3A_232, %dma_wait3A_303] : memref<200x50xi32, #tpu.memory_space<vmem>> -> memref<1x50xi32, #tpu.memory_space<vmem>>
        %dma_wait3A_305 = tpu.memref_squeeze %dma_wait3A_304 : memref<1x50xi32, #tpu.memory_space<vmem>> -> memref<50xi32, #tpu.memory_space<vmem>>
        %dma_wait3A_306 = arith.constant 0 : i32
        %dma_wait3A_307 = arith.constant 0 : i32
        %dma_wait3A_308 = tpu.memref_slice %arg10[%dma_wait3A_306, %dma_wait3A_307] : memref<10000x128xf32, #tpu.memory_space<vmem_shared>> -> memref<10000x128xf32, #tpu.memory_space<vmem_shared>>
        tpu.wait_indirect_dma semaphore(%run_scoped3A_288 : memref<!tpu.dma_semaphore, #tpu.memory_space<semaphore_mem>>) src(%dma_wait3A_302 : memref<50x128xf32, #tpu.memory_space<vmem>>) dst(%dma_wait3A_308 : memref<10000x128xf32, #tpu.memory_space<vmem_shared>>)
        tpu.yield
      }) : () -> ()
      %add3A_234 = arith.constant 2 : i32
      %add3A_235 = arith.addi %add3A_143, %add3A_234 : i32
      %add3A_236 = arith.constant 4 : i32
      %add3A_237 = arith.addi %add3A_235, %add3A_236 : i32
      %dma_start3A_238 = arith.constant 2 : i32
      %dma_start3A_239 = arith.constant 2 : i32
      %dma_start3A_240 = arith.constant 0 : i32
      %dma_start3A_241 = arith.constant 0 : i32
      %dma_start3A_242 = tpu.memref_slice %arg9[%dma_start3A_238, %dma_start3A_240, %dma_start3A_241] : memref<4x50x128xf32, #tpu.memory_space<vmem>> -> memref<1x50x128xf32, #tpu.memory_space<vmem>>
      %dma_start3A_243 = tpu.memref_squeeze %dma_start3A_242 : memref<1x50x128xf32, #tpu.memory_space<vmem>> -> memref<50x128xf32, #tpu.memory_space<vmem>>
      %dma_start3A_244 = arith.constant 0 : i32
      %dma_start3A_245 = tpu.memref_slice %arg7[%add3A_237, %dma_start3A_244] : memref<200x50xi32, #tpu.memory_space<vmem>> -> memref<1x50xi32, #tpu.memory_space<vmem>>
      %dma_start3A_246 = tpu.memref_squeeze %dma_start3A_245 : memref<1x50xi32, #tpu.memory_space<vmem>> -> memref<50xi32, #tpu.memory_space<vmem>>
      %dma_start3A_247 = arith.constant 0 : i32
      %dma_start3A_248 = arith.constant 0 : i32
      %dma_start3A_249 = tpu.memref_slice %arg2[%dma_start3A_247, %dma_start3A_248] : memref<10000x128xf32, #tpu.memory_space<hbm>> -> memref<10000x128xf32, #tpu.memory_space<hbm>>
      %dma_start3A_250 = tpu.memref_slice %arg11[%dma_start3A_239] : memref<4x!tpu.dma_semaphore, #tpu.memory_space<semaphore_mem>> -> memref<1x!tpu.dma_semaphore, #tpu.memory_space<semaphore_mem>>
      %dma_start3A_251 = tpu.memref_squeeze %dma_start3A_250 : memref<1x!tpu.dma_semaphore, #tpu.memory_space<semaphore_mem>> -> memref<!tpu.dma_semaphore, #tpu.memory_space<semaphore_mem>>
      tpu.enqueue_indirect_dma source(%dma_start3A_249 : memref<10000x128xf32, #tpu.memory_space<hbm>>) target(%dma_start3A_243 : memref<50x128xf32, #tpu.memory_space<vmem>>) offsets(%dma_start3A_246 : memref<50xi32, #tpu.memory_space<vmem>>) semaphore(%dma_start3A_251 : memref<!tpu.dma_semaphore, #tpu.memory_space<semaphore_mem>>)
      %dma_wait3A_252 = arith.constant 0 : i32
      %dma_wait3A_253 = arith.constant 3 : i32
      %dma_wait3A_254 = arith.constant 3 : i32
      %dma_wait3A_255 = arith.constant 0 : i32
      %dma_wait3A_256 = arith.constant 0 : i32
      %dma_wait3A_257 = tpu.memref_slice %arg9[%dma_wait3A_253, %dma_wait3A_255, %dma_wait3A_256] : memref<4x50x128xf32, #tpu.memory_space<vmem>> -> memref<1x50x128xf32, #tpu.memory_space<vmem>>
      %dma_wait3A_258 = tpu.memref_squeeze %dma_wait3A_257 : memref<1x50x128xf32, #tpu.memory_space<vmem>> -> memref<50x128xf32, #tpu.memory_space<vmem>>
      %dma_wait3A_259 = arith.constant 0 : i32
      %dma_wait3A_260 = tpu.memref_slice %arg7[%dma_wait3A_252, %dma_wait3A_259] : memref<200x50xi32, #tpu.memory_space<vmem>> -> memref<1x50xi32, #tpu.memory_space<vmem>>
      %dma_wait3A_261 = tpu.memref_squeeze %dma_wait3A_260 : memref<1x50xi32, #tpu.memory_space<vmem>> -> memref<50xi32, #tpu.memory_space<vmem>>
      %dma_wait3A_262 = arith.constant 0 : i32
      %dma_wait3A_263 = arith.constant 0 : i32
      %dma_wait3A_264 = tpu.memref_slice %arg2[%dma_wait3A_262, %dma_wait3A_263] : memref<10000x128xf32, #tpu.memory_space<hbm>> -> memref<10000x128xf32, #tpu.memory_space<hbm>>
      %dma_wait3A_265 = tpu.memref_slice %arg11[%dma_wait3A_254] : memref<4x!tpu.dma_semaphore, #tpu.memory_space<semaphore_mem>> -> memref<1x!tpu.dma_semaphore, #tpu.memory_space<semaphore_mem>>
      %dma_wait3A_266 = tpu.memref_squeeze %dma_wait3A_265 : memref<1x!tpu.dma_semaphore, #tpu.memory_space<semaphore_mem>> -> memref<!tpu.dma_semaphore, #tpu.memory_space<semaphore_mem>>
      tpu.wait_indirect_dma semaphore(%dma_wait3A_266 : memref<!tpu.dma_semaphore, #tpu.memory_space<semaphore_mem>>) src(%dma_wait3A_264 : memref<10000x128xf32, #tpu.memory_space<hbm>>) dst(%dma_wait3A_258 : memref<50x128xf32, #tpu.memory_space<vmem>>)
      %add3A_267 = arith.constant 3 : i32
      %add3A_268 = arith.addi %add3A_143, %add3A_267 : i32
      %run_scoped3A_269 = arith.constant 3 : i32
      "tpu.region"() ({
        %run_scoped3A_288 = tpu.sem_alloc : memref<!tpu.dma_semaphore, #tpu.memory_space<semaphore_mem>>
        %dma_start3A_289 = arith.constant 0 : i32
        %dma_start3A_290 = arith.constant 0 : i32
        %dma_start3A_291 = tpu.memref_slice %arg9[%run_scoped3A_269, %dma_start3A_289, %dma_start3A_290] : memref<4x50x128xf32, #tpu.memory_space<vmem>> -> memref<1x50x128xf32, #tpu.memory_space<vmem>>
        %dma_start3A_292 = tpu.memref_squeeze %dma_start3A_291 : memref<1x50x128xf32, #tpu.memory_space<vmem>> -> memref<50x128xf32, #tpu.memory_space<vmem>>
        %dma_start3A_293 = arith.constant 0 : i32
        %dma_start3A_294 = tpu.memref_slice %arg8[%add3A_268, %dma_start3A_293] : memref<200x50xi32, #tpu.memory_space<vmem>> -> memref<1x50xi32, #tpu.memory_space<vmem>>
        %dma_start3A_295 = tpu.memref_squeeze %dma_start3A_294 : memref<1x50xi32, #tpu.memory_space<vmem>> -> memref<50xi32, #tpu.memory_space<vmem>>
        %dma_start3A_296 = arith.constant 0 : i32
        %dma_start3A_297 = arith.constant 0 : i32
        %dma_start3A_298 = tpu.memref_slice %arg10[%dma_start3A_296, %dma_start3A_297] : memref<10000x128xf32, #tpu.memory_space<vmem_shared>> -> memref<10000x128xf32, #tpu.memory_space<vmem_shared>>
        tpu.enqueue_indirect_dma source(%dma_start3A_292 : memref<50x128xf32, #tpu.memory_space<vmem>>) target(%dma_start3A_298 : memref<10000x128xf32, #tpu.memory_space<vmem_shared>>) offsets(%dma_start3A_295 : memref<50xi32, #tpu.memory_space<vmem>>) semaphore(%run_scoped3A_288 : memref<!tpu.dma_semaphore, #tpu.memory_space<semaphore_mem>>) {add = true}
        %dma_wait3A_299 = arith.constant 0 : i32
        %dma_wait3A_300 = arith.constant 0 : i32
        %dma_wait3A_301 = tpu.memref_slice %arg9[%run_scoped3A_269, %dma_wait3A_299, %dma_wait3A_300] : memref<4x50x128xf32, #tpu.memory_space<vmem>> -> memref<1x50x128xf32, #tpu.memory_space<vmem>>
        %dma_wait3A_302 = tpu.memref_squeeze %dma_wait3A_301 : memref<1x50x128xf32, #tpu.memory_space<vmem>> -> memref<50x128xf32, #tpu.memory_space<vmem>>
        %dma_wait3A_303 = arith.constant 0 : i32
        %dma_wait3A_304 = tpu.memref_slice %arg8[%add3A_268, %dma_wait3A_303] : memref<200x50xi32, #tpu.memory_space<vmem>> -> memref<1x50xi32, #tpu.memory_space<vmem>>
        %dma_wait3A_305 = tpu.memref_squeeze %dma_wait3A_304 : memref<1x50xi32, #tpu.memory_space<vmem>> -> memref<50xi32, #tpu.memory_space<vmem>>
        %dma_wait3A_306 = arith.constant 0 : i32
        %dma_wait3A_307 = arith.constant 0 : i32
        %dma_wait3A_308 = tpu.memref_slice %arg10[%dma_wait3A_306, %dma_wait3A_307] : memref<10000x128xf32, #tpu.memory_space<vmem_shared>> -> memref<10000x128xf32, #tpu.memory_space<vmem_shared>>
        tpu.wait_indirect_dma semaphore(%run_scoped3A_288 : memref<!tpu.dma_semaphore, #tpu.memory_space<semaphore_mem>>) src(%dma_wait3A_302 : memref<50x128xf32, #tpu.memory_space<vmem>>) dst(%dma_wait3A_308 : memref<10000x128xf32, #tpu.memory_space<vmem_shared>>)
        tpu.yield
      }) : () -> ()
      %add3A_270 = arith.constant 3 : i32
      %add3A_271 = arith.addi %add3A_143, %add3A_270 : i32
      %add3A_272 = arith.constant 4 : i32
      %add3A_273 = arith.addi %add3A_271, %add3A_272 : i32
      %dma_start3A_274 = arith.constant 3 : i32
      %dma_start3A_275 = arith.constant 3 : i32
      %dma_start3A_276 = arith.constant 0 : i32
      %dma_start3A_277 = arith.constant 0 : i32
      %dma_start3A_278 = tpu.memref_slice %arg9[%dma_start3A_274, %dma_start3A_276, %dma_start3A_277] : memref<4x50x128xf32, #tpu.memory_space<vmem>> -> memref<1x50x128xf32, #tpu.memory_space<vmem>>
      %dma_start3A_279 = tpu.memref_squeeze %dma_start3A_278 : memref<1x50x128xf32, #tpu.memory_space<vmem>> -> memref<50x128xf32, #tpu.memory_space<vmem>>
      %dma_start3A_280 = arith.constant 0 : i32
      %dma_start3A_281 = tpu.memref_slice %arg7[%add3A_273, %dma_start3A_280] : memref<200x50xi32, #tpu.memory_space<vmem>> -> memref<1x50xi32, #tpu.memory_space<vmem>>
      %dma_start3A_282 = tpu.memref_squeeze %dma_start3A_281 : memref<1x50xi32, #tpu.memory_space<vmem>> -> memref<50xi32, #tpu.memory_space<vmem>>
      %dma_start3A_283 = arith.constant 0 : i32
      %dma_start3A_284 = arith.constant 0 : i32
      %dma_start3A_285 = tpu.memref_slice %arg2[%dma_start3A_283, %dma_start3A_284] : memref<10000x128xf32, #tpu.memory_space<hbm>> -> memref<10000x128xf32, #tpu.memory_space<hbm>>
      %dma_start3A_286 = tpu.memref_slice %arg11[%dma_start3A_275] : memref<4x!tpu.dma_semaphore, #tpu.memory_space<semaphore_mem>> -> memref<1x!tpu.dma_semaphore, #tpu.memory_space<semaphore_mem>>
      %dma_start3A_287 = tpu.memref_squeeze %dma_start3A_286 : memref<1x!tpu.dma_semaphore, #tpu.memory_space<semaphore_mem>> -> memref<!tpu.dma_semaphore, #tpu.memory_space<semaphore_mem>>
      tpu.enqueue_indirect_dma source(%dma_start3A_285 : memref<10000x128xf32, #tpu.memory_space<hbm>>) target(%dma_start3A_279 : memref<50x128xf32, #tpu.memory_space<vmem>>) offsets(%dma_start3A_282 : memref<50xi32, #tpu.memory_space<vmem>>) semaphore(%dma_start3A_287 : memref<!tpu.dma_semaphore, #tpu.memory_space<semaphore_mem>>)
    }
    %scan3A_67 = arith.constant 49 : i32
    %dma_wait3A = arith.constant 0 : i32
    %dma_wait3A_68 = arith.constant 0 : i32
    %dma_wait3A_69 = arith.constant 0 : i32
    %dma_wait3A_70 = arith.constant 0 : i32
    %dma_wait3A_71 = arith.constant 0 : i32
    %dma_wait3A_72 = tpu.memref_slice %arg9[%dma_wait3A_68, %dma_wait3A_70, %dma_wait3A_71] : memref<4x50x128xf32, #tpu.memory_space<vmem>> -> memref<1x50x128xf32, #tpu.memory_space<vmem>>
    %dma_wait3A_73 = tpu.memref_squeeze %dma_wait3A_72 : memref<1x50x128xf32, #tpu.memory_space<vmem>> -> memref<50x128xf32, #tpu.memory_space<vmem>>
    %dma_wait3A_74 = arith.constant 0 : i32
    %dma_wait3A_75 = tpu.memref_slice %arg7[%dma_wait3A, %dma_wait3A_74] : memref<200x50xi32, #tpu.memory_space<vmem>> -> memref<1x50xi32, #tpu.memory_space<vmem>>
    %dma_wait3A_76 = tpu.memref_squeeze %dma_wait3A_75 : memref<1x50xi32, #tpu.memory_space<vmem>> -> memref<50xi32, #tpu.memory_space<vmem>>
    %dma_wait3A_77 = arith.constant 0 : i32
    %dma_wait3A_78 = arith.constant 0 : i32
    %dma_wait3A_79 = tpu.memref_slice %arg2[%dma_wait3A_77, %dma_wait3A_78] : memref<10000x128xf32, #tpu.memory_space<hbm>> -> memref<10000x128xf32, #tpu.memory_space<hbm>>
    %dma_wait3A_80 = tpu.memref_slice %arg11[%dma_wait3A_69] : memref<4x!tpu.dma_semaphore, #tpu.memory_space<semaphore_mem>> -> memref<1x!tpu.dma_semaphore, #tpu.memory_space<semaphore_mem>>
    %dma_wait3A_81 = tpu.memref_squeeze %dma_wait3A_80 : memref<1x!tpu.dma_semaphore, #tpu.memory_space<semaphore_mem>> -> memref<!tpu.dma_semaphore, #tpu.memory_space<semaphore_mem>>
    tpu.wait_indirect_dma semaphore(%dma_wait3A_81 : memref<!tpu.dma_semaphore, #tpu.memory_space<semaphore_mem>>) src(%dma_wait3A_79 : memref<10000x128xf32, #tpu.memory_space<hbm>>) dst(%dma_wait3A_73 : memref<50x128xf32, #tpu.memory_space<vmem>>)
    %run_scoped3A = arith.constant 0 : i32
    %run_scoped3A_82 = arith.constant 196 : i32
    "tpu.region"() ({
      %run_scoped3A_139 = tpu.sem_alloc : memref<!tpu.dma_semaphore, #tpu.memory_space<semaphore_mem>>
      %dma_start3A_140 = arith.constant 0 : i32
      %dma_start3A_141 = arith.constant 0 : i32
      %dma_start3A_142 = tpu.memref_slice %arg9[%run_scoped3A, %dma_start3A_140, %dma_start3A_141] : memref<4x50x128xf32, #tpu.memory_space<vmem>> -> memref<1x50x128xf32, #tpu.memory_space<vmem>>
      %dma_start3A_143 = tpu.memref_squeeze %dma_start3A_142 : memref<1x50x128xf32, #tpu.memory_space<vmem>> -> memref<50x128xf32, #tpu.memory_space<vmem>>
      %dma_start3A_144 = arith.constant 0 : i32
      %dma_start3A_145 = tpu.memref_slice %arg8[%run_scoped3A_82, %dma_start3A_144] : memref<200x50xi32, #tpu.memory_space<vmem>> -> memref<1x50xi32, #tpu.memory_space<vmem>>
      %dma_start3A_146 = tpu.memref_squeeze %dma_start3A_145 : memref<1x50xi32, #tpu.memory_space<vmem>> -> memref<50xi32, #tpu.memory_space<vmem>>
      %dma_start3A_147 = arith.constant 0 : i32
      %dma_start3A_148 = arith.constant 0 : i32
      %dma_start3A_149 = tpu.memref_slice %arg10[%dma_start3A_147, %dma_start3A_148] : memref<10000x128xf32, #tpu.memory_space<vmem_shared>> -> memref<10000x128xf32, #tpu.memory_space<vmem_shared>>
      tpu.enqueue_indirect_dma source(%dma_start3A_143 : memref<50x128xf32, #tpu.memory_space<vmem>>) target(%dma_start3A_149 : memref<10000x128xf32, #tpu.memory_space<vmem_shared>>) offsets(%dma_start3A_146 : memref<50xi32, #tpu.memory_space<vmem>>) semaphore(%run_scoped3A_139 : memref<!tpu.dma_semaphore, #tpu.memory_space<semaphore_mem>>) {add = true}
      %dma_wait3A_150 = arith.constant 0 : i32
      %dma_wait3A_151 = arith.constant 0 : i32
      %dma_wait3A_152 = tpu.memref_slice %arg9[%run_scoped3A, %dma_wait3A_150, %dma_wait3A_151] : memref<4x50x128xf32, #tpu.memory_space<vmem>> -> memref<1x50x128xf32, #tpu.memory_space<vmem>>
      %dma_wait3A_153 = tpu.memref_squeeze %dma_wait3A_152 : memref<1x50x128xf32, #tpu.memory_space<vmem>> -> memref<50x128xf32, #tpu.memory_space<vmem>>
      %dma_wait3A_154 = arith.constant 0 : i32
      %dma_wait3A_155 = tpu.memref_slice %arg8[%run_scoped3A_82, %dma_wait3A_154] : memref<200x50xi32, #tpu.memory_space<vmem>> -> memref<1x50xi32, #tpu.memory_space<vmem>>
      %dma_wait3A_156 = tpu.memref_squeeze %dma_wait3A_155 : memref<1x50xi32, #tpu.memory_space<vmem>> -> memref<50xi32, #tpu.memory_space<vmem>>
      %dma_wait3A_157 = arith.constant 0 : i32
      %dma_wait3A_158 = arith.constant 0 : i32
      %dma_wait3A_159 = tpu.memref_slice %arg10[%dma_wait3A_157, %dma_wait3A_158] : memref<10000x128xf32, #tpu.memory_space<vmem_shared>> -> memref<10000x128xf32, #tpu.memory_space<vmem_shared>>
      tpu.wait_indirect_dma semaphore(%run_scoped3A_139 : memref<!tpu.dma_semaphore, #tpu.memory_space<semaphore_mem>>) src(%dma_wait3A_153 : memref<50x128xf32, #tpu.memory_space<vmem>>) dst(%dma_wait3A_159 : memref<10000x128xf32, #tpu.memory_space<vmem_shared>>)
      tpu.yield
    }) : () -> ()
    %dma_wait3A_83 = arith.constant 0 : i32
    %dma_wait3A_84 = arith.constant 1 : i32
    %dma_wait3A_85 = arith.constant 1 : i32
    %dma_wait3A_86 = arith.constant 0 : i32
    %dma_wait3A_87 = arith.constant 0 : i32
    %dma_wait3A_88 = tpu.memref_slice %arg9[%dma_wait3A_84, %dma_wait3A_86, %dma_wait3A_87] : memref<4x50x128xf32, #tpu.memory_space<vmem>> -> memref<1x50x128xf32, #tpu.memory_space<vmem>>
    %dma_wait3A_89 = tpu.memref_squeeze %dma_wait3A_88 : memref<1x50x128xf32, #tpu.memory_space<vmem>> -> memref<50x128xf32, #tpu.memory_space<vmem>>
    %dma_wait3A_90 = arith.constant 0 : i32
    %dma_wait3A_91 = tpu.memref_slice %arg7[%dma_wait3A_83, %dma_wait3A_90] : memref<200x50xi32, #tpu.memory_space<vmem>> -> memref<1x50xi32, #tpu.memory_space<vmem>>
    %dma_wait3A_92 = tpu.memref_squeeze %dma_wait3A_91 : memref<1x50xi32, #tpu.memory_space<vmem>> -> memref<50xi32, #tpu.memory_space<vmem>>
    %dma_wait3A_93 = arith.constant 0 : i32
    %dma_wait3A_94 = arith.constant 0 : i32
    %dma_wait3A_95 = tpu.memref_slice %arg2[%dma_wait3A_93, %dma_wait3A_94] : memref<10000x128xf32, #tpu.memory_space<hbm>> -> memref<10000x128xf32, #tpu.memory_space<hbm>>
    %dma_wait3A_96 = tpu.memref_slice %arg11[%dma_wait3A_85] : memref<4x!tpu.dma_semaphore, #tpu.memory_space<semaphore_mem>> -> memref<1x!tpu.dma_semaphore, #tpu.memory_space<semaphore_mem>>
    %dma_wait3A_97 = tpu.memref_squeeze %dma_wait3A_96 : memref<1x!tpu.dma_semaphore, #tpu.memory_space<semaphore_mem>> -> memref<!tpu.dma_semaphore, #tpu.memory_space<semaphore_mem>>
    tpu.wait_indirect_dma semaphore(%dma_wait3A_97 : memref<!tpu.dma_semaphore, #tpu.memory_space<semaphore_mem>>) src(%dma_wait3A_95 : memref<10000x128xf32, #tpu.memory_space<hbm>>) dst(%dma_wait3A_89 : memref<50x128xf32, #tpu.memory_space<vmem>>)
    %run_scoped3A_98 = arith.constant 1 : i32
    %run_scoped3A_99 = arith.constant 197 : i32
    "tpu.region"() ({
      %run_scoped3A_139 = tpu.sem_alloc : memref<!tpu.dma_semaphore, #tpu.memory_space<semaphore_mem>>
      %dma_start3A_140 = arith.constant 0 : i32
      %dma_start3A_141 = arith.constant 0 : i32
      %dma_start3A_142 = tpu.memref_slice %arg9[%run_scoped3A_98, %dma_start3A_140, %dma_start3A_141] : memref<4x50x128xf32, #tpu.memory_space<vmem>> -> memref<1x50x128xf32, #tpu.memory_space<vmem>>
      %dma_start3A_143 = tpu.memref_squeeze %dma_start3A_142 : memref<1x50x128xf32, #tpu.memory_space<vmem>> -> memref<50x128xf32, #tpu.memory_space<vmem>>
      %dma_start3A_144 = arith.constant 0 : i32
      %dma_start3A_145 = tpu.memref_slice %arg8[%run_scoped3A_99, %dma_start3A_144] : memref<200x50xi32, #tpu.memory_space<vmem>> -> memref<1x50xi32, #tpu.memory_space<vmem>>
      %dma_start3A_146 = tpu.memref_squeeze %dma_start3A_145 : memref<1x50xi32, #tpu.memory_space<vmem>> -> memref<50xi32, #tpu.memory_space<vmem>>
      %dma_start3A_147 = arith.constant 0 : i32
      %dma_start3A_148 = arith.constant 0 : i32
      %dma_start3A_149 = tpu.memref_slice %arg10[%dma_start3A_147, %dma_start3A_148] : memref<10000x128xf32, #tpu.memory_space<vmem_shared>> -> memref<10000x128xf32, #tpu.memory_space<vmem_shared>>
      tpu.enqueue_indirect_dma source(%dma_start3A_143 : memref<50x128xf32, #tpu.memory_space<vmem>>) target(%dma_start3A_149 : memref<10000x128xf32, #tpu.memory_space<vmem_shared>>) offsets(%dma_start3A_146 : memref<50xi32, #tpu.memory_space<vmem>>) semaphore(%run_scoped3A_139 : memref<!tpu.dma_semaphore, #tpu.memory_space<semaphore_mem>>) {add = true}
      %dma_wait3A_150 = arith.constant 0 : i32
      %dma_wait3A_151 = arith.constant 0 : i32
      %dma_wait3A_152 = tpu.memref_slice %arg9[%run_scoped3A_98, %dma_wait3A_150, %dma_wait3A_151] : memref<4x50x128xf32, #tpu.memory_space<vmem>> -> memref<1x50x128xf32, #tpu.memory_space<vmem>>
      %dma_wait3A_153 = tpu.memref_squeeze %dma_wait3A_152 : memref<1x50x128xf32, #tpu.memory_space<vmem>> -> memref<50x128xf32, #tpu.memory_space<vmem>>
      %dma_wait3A_154 = arith.constant 0 : i32
      %dma_wait3A_155 = tpu.memref_slice %arg8[%run_scoped3A_99, %dma_wait3A_154] : memref<200x50xi32, #tpu.memory_space<vmem>> -> memref<1x50xi32, #tpu.memory_space<vmem>>
      %dma_wait3A_156 = tpu.memref_squeeze %dma_wait3A_155 : memref<1x50xi32, #tpu.memory_space<vmem>> -> memref<50xi32, #tpu.memory_space<vmem>>
      %dma_wait3A_157 = arith.constant 0 : i32
      %dma_wait3A_158 = arith.constant 0 : i32
      %dma_wait3A_159 = tpu.memref_slice %arg10[%dma_wait3A_157, %dma_wait3A_158] : memref<10000x128xf32, #tpu.memory_space<vmem_shared>> -> memref<10000x128xf32, #tpu.memory_space<vmem_shared>>
      tpu.wait_indirect_dma semaphore(%run_scoped3A_139 : memref<!tpu.dma_semaphore, #tpu.memory_space<semaphore_mem>>) src(%dma_wait3A_153 : memref<50x128xf32, #tpu.memory_space<vmem>>) dst(%dma_wait3A_159 : memref<10000x128xf32, #tpu.memory_space<vmem_shared>>)
      tpu.yield
    }) : () -> ()
    %dma_wait3A_100 = arith.constant 0 : i32
    %dma_wait3A_101 = arith.constant 2 : i32
    %dma_wait3A_102 = arith.constant 2 : i32
    %dma_wait3A_103 = arith.constant 0 : i32
    %dma_wait3A_104 = arith.constant 0 : i32
    %dma_wait3A_105 = tpu.memref_slice %arg9[%dma_wait3A_101, %dma_wait3A_103, %dma_wait3A_104] : memref<4x50x128xf32, #tpu.memory_space<vmem>> -> memref<1x50x128xf32, #tpu.memory_space<vmem>>
    %dma_wait3A_106 = tpu.memref_squeeze %dma_wait3A_105 : memref<1x50x128xf32, #tpu.memory_space<vmem>> -> memref<50x128xf32, #tpu.memory_space<vmem>>
    %dma_wait3A_107 = arith.constant 0 : i32
    %dma_wait3A_108 = tpu.memref_slice %arg7[%dma_wait3A_100, %dma_wait3A_107] : memref<200x50xi32, #tpu.memory_space<vmem>> -> memref<1x50xi32, #tpu.memory_space<vmem>>
    %dma_wait3A_109 = tpu.memref_squeeze %dma_wait3A_108 : memref<1x50xi32, #tpu.memory_space<vmem>> -> memref<50xi32, #tpu.memory_space<vmem>>
    %dma_wait3A_110 = arith.constant 0 : i32
    %dma_wait3A_111 = arith.constant 0 : i32
    %dma_wait3A_112 = tpu.memref_slice %arg2[%dma_wait3A_110, %dma_wait3A_111] : memref<10000x128xf32, #tpu.memory_space<hbm>> -> memref<10000x128xf32, #tpu.memory_space<hbm>>
    %dma_wait3A_113 = tpu.memref_slice %arg11[%dma_wait3A_102] : memref<4x!tpu.dma_semaphore, #tpu.memory_space<semaphore_mem>> -> memref<1x!tpu.dma_semaphore, #tpu.memory_space<semaphore_mem>>
    %dma_wait3A_114 = tpu.memref_squeeze %dma_wait3A_113 : memref<1x!tpu.dma_semaphore, #tpu.memory_space<semaphore_mem>> -> memref<!tpu.dma_semaphore, #tpu.memory_space<semaphore_mem>>
    tpu.wait_indirect_dma semaphore(%dma_wait3A_114 : memref<!tpu.dma_semaphore, #tpu.memory_space<semaphore_mem>>) src(%dma_wait3A_112 : memref<10000x128xf32, #tpu.memory_space<hbm>>) dst(%dma_wait3A_106 : memref<50x128xf32, #tpu.memory_space<vmem>>)
    %run_scoped3A_115 = arith.constant 2 : i32
    %run_scoped3A_116 = arith.constant 198 : i32
    "tpu.region"() ({
      %run_scoped3A_139 = tpu.sem_alloc : memref<!tpu.dma_semaphore, #tpu.memory_space<semaphore_mem>>
      %dma_start3A_140 = arith.constant 0 : i32
      %dma_start3A_141 = arith.constant 0 : i32
      %dma_start3A_142 = tpu.memref_slice %arg9[%run_scoped3A_115, %dma_start3A_140, %dma_start3A_141] : memref<4x50x128xf32, #tpu.memory_space<vmem>> -> memref<1x50x128xf32, #tpu.memory_space<vmem>>
      %dma_start3A_143 = tpu.memref_squeeze %dma_start3A_142 : memref<1x50x128xf32, #tpu.memory_space<vmem>> -> memref<50x128xf32, #tpu.memory_space<vmem>>
      %dma_start3A_144 = arith.constant 0 : i32
      %dma_start3A_145 = tpu.memref_slice %arg8[%run_scoped3A_116, %dma_start3A_144] : memref<200x50xi32, #tpu.memory_space<vmem>> -> memref<1x50xi32, #tpu.memory_space<vmem>>
      %dma_start3A_146 = tpu.memref_squeeze %dma_start3A_145 : memref<1x50xi32, #tpu.memory_space<vmem>> -> memref<50xi32, #tpu.memory_space<vmem>>
      %dma_start3A_147 = arith.constant 0 : i32
      %dma_start3A_148 = arith.constant 0 : i32
      %dma_start3A_149 = tpu.memref_slice %arg10[%dma_start3A_147, %dma_start3A_148] : memref<10000x128xf32, #tpu.memory_space<vmem_shared>> -> memref<10000x128xf32, #tpu.memory_space<vmem_shared>>
      tpu.enqueue_indirect_dma source(%dma_start3A_143 : memref<50x128xf32, #tpu.memory_space<vmem>>) target(%dma_start3A_149 : memref<10000x128xf32, #tpu.memory_space<vmem_shared>>) offsets(%dma_start3A_146 : memref<50xi32, #tpu.memory_space<vmem>>) semaphore(%run_scoped3A_139 : memref<!tpu.dma_semaphore, #tpu.memory_space<semaphore_mem>>) {add = true}
      %dma_wait3A_150 = arith.constant 0 : i32
      %dma_wait3A_151 = arith.constant 0 : i32
      %dma_wait3A_152 = tpu.memref_slice %arg9[%run_scoped3A_115, %dma_wait3A_150, %dma_wait3A_151] : memref<4x50x128xf32, #tpu.memory_space<vmem>> -> memref<1x50x128xf32, #tpu.memory_space<vmem>>
      %dma_wait3A_153 = tpu.memref_squeeze %dma_wait3A_152 : memref<1x50x128xf32, #tpu.memory_space<vmem>> -> memref<50x128xf32, #tpu.memory_space<vmem>>
      %dma_wait3A_154 = arith.constant 0 : i32
      %dma_wait3A_155 = tpu.memref_slice %arg8[%run_scoped3A_116, %dma_wait3A_154] : memref<200x50xi32, #tpu.memory_space<vmem>> -> memref<1x50xi32, #tpu.memory_space<vmem>>
      %dma_wait3A_156 = tpu.memref_squeeze %dma_wait3A_155 : memref<1x50xi32, #tpu.memory_space<vmem>> -> memref<50xi32, #tpu.memory_space<vmem>>
      %dma_wait3A_157 = arith.constant 0 : i32
      %dma_wait3A_158 = arith.constant 0 : i32
      %dma_wait3A_159 = tpu.memref_slice %arg10[%dma_wait3A_157, %dma_wait3A_158] : memref<10000x128xf32, #tpu.memory_space<vmem_shared>> -> memref<10000x128xf32, #tpu.memory_space<vmem_shared>>
      tpu.wait_indirect_dma semaphore(%run_scoped3A_139 : memref<!tpu.dma_semaphore, #tpu.memory_space<semaphore_mem>>) src(%dma_wait3A_153 : memref<50x128xf32, #tpu.memory_space<vmem>>) dst(%dma_wait3A_159 : memref<10000x128xf32, #tpu.memory_space<vmem_shared>>)
      tpu.yield
    }) : () -> ()
    %dma_wait3A_117 = arith.constant 0 : i32
    %dma_wait3A_118 = arith.constant 3 : i32
    %dma_wait3A_119 = arith.constant 3 : i32
    %dma_wait3A_120 = arith.constant 0 : i32
    %dma_wait3A_121 = arith.constant 0 : i32
    %dma_wait3A_122 = tpu.memref_slice %arg9[%dma_wait3A_118, %dma_wait3A_120, %dma_wait3A_121] : memref<4x50x128xf32, #tpu.memory_space<vmem>> -> memref<1x50x128xf32, #tpu.memory_space<vmem>>
    %dma_wait3A_123 = tpu.memref_squeeze %dma_wait3A_122 : memref<1x50x128xf32, #tpu.memory_space<vmem>> -> memref<50x128xf32, #tpu.memory_space<vmem>>
    %dma_wait3A_124 = arith.constant 0 : i32
    %dma_wait3A_125 = tpu.memref_slice %arg7[%dma_wait3A_117, %dma_wait3A_124] : memref<200x50xi32, #tpu.memory_space<vmem>> -> memref<1x50xi32, #tpu.memory_space<vmem>>
    %dma_wait3A_126 = tpu.memref_squeeze %dma_wait3A_125 : memref<1x50xi32, #tpu.memory_space<vmem>> -> memref<50xi32, #tpu.memory_space<vmem>>
    %dma_wait3A_127 = arith.constant 0 : i32
    %dma_wait3A_128 = arith.constant 0 : i32
    %dma_wait3A_129 = tpu.memref_slice %arg2[%dma_wait3A_127, %dma_wait3A_128] : memref<10000x128xf32, #tpu.memory_space<hbm>> -> memref<10000x128xf32, #tpu.memory_space<hbm>>
    %dma_wait3A_130 = tpu.memref_slice %arg11[%dma_wait3A_119] : memref<4x!tpu.dma_semaphore, #tpu.memory_space<semaphore_mem>> -> memref<1x!tpu.dma_semaphore, #tpu.memory_space<semaphore_mem>>
    %dma_wait3A_131 = tpu.memref_squeeze %dma_wait3A_130 : memref<1x!tpu.dma_semaphore, #tpu.memory_space<semaphore_mem>> -> memref<!tpu.dma_semaphore, #tpu.memory_space<semaphore_mem>>
    tpu.wait_indirect_dma semaphore(%dma_wait3A_131 : memref<!tpu.dma_semaphore, #tpu.memory_space<semaphore_mem>>) src(%dma_wait3A_129 : memref<10000x128xf32, #tpu.memory_space<hbm>>) dst(%dma_wait3A_123 : memref<50x128xf32, #tpu.memory_space<vmem>>)
    %run_scoped3A_132 = arith.constant 3 : i32
    %run_scoped3A_133 = arith.constant 199 : i32
    "tpu.region"() ({
      %run_scoped3A_139 = tpu.sem_alloc : memref<!tpu.dma_semaphore, #tpu.memory_space<semaphore_mem>>
      %dma_start3A_140 = arith.constant 0 : i32
      %dma_start3A_141 = arith.constant 0 : i32
      %dma_start3A_142 = tpu.memref_slice %arg9[%run_scoped3A_132, %dma_start3A_140, %dma_start3A_141] : memref<4x50x128xf32, #tpu.memory_space<vmem>> -> memref<1x50x128xf32, #tpu.memory_space<vmem>>
      %dma_start3A_143 = tpu.memref_squeeze %dma_start3A_142 : memref<1x50x128xf32, #tpu.memory_space<vmem>> -> memref<50x128xf32, #tpu.memory_space<vmem>>
      %dma_start3A_144 = arith.constant 0 : i32
      %dma_start3A_145 = tpu.memref_slice %arg8[%run_scoped3A_133, %dma_start3A_144] : memref<200x50xi32, #tpu.memory_space<vmem>> -> memref<1x50xi32, #tpu.memory_space<vmem>>
      %dma_start3A_146 = tpu.memref_squeeze %dma_start3A_145 : memref<1x50xi32, #tpu.memory_space<vmem>> -> memref<50xi32, #tpu.memory_space<vmem>>
      %dma_start3A_147 = arith.constant 0 : i32
      %dma_start3A_148 = arith.constant 0 : i32
      %dma_start3A_149 = tpu.memref_slice %arg10[%dma_start3A_147, %dma_start3A_148] : memref<10000x128xf32, #tpu.memory_space<vmem_shared>> -> memref<10000x128xf32, #tpu.memory_space<vmem_shared>>
      tpu.enqueue_indirect_dma source(%dma_start3A_143 : memref<50x128xf32, #tpu.memory_space<vmem>>) target(%dma_start3A_149 : memref<10000x128xf32, #tpu.memory_space<vmem_shared>>) offsets(%dma_start3A_146 : memref<50xi32, #tpu.memory_space<vmem>>) semaphore(%run_scoped3A_139 : memref<!tpu.dma_semaphore, #tpu.memory_space<semaphore_mem>>) {add = true}
      %dma_wait3A_150 = arith.constant 0 : i32
      %dma_wait3A_151 = arith.constant 0 : i32
      %dma_wait3A_152 = tpu.memref_slice %arg9[%run_scoped3A_132, %dma_wait3A_150, %dma_wait3A_151] : memref<4x50x128xf32, #tpu.memory_space<vmem>> -> memref<1x50x128xf32, #tpu.memory_space<vmem>>
      %dma_wait3A_153 = tpu.memref_squeeze %dma_wait3A_152 : memref<1x50x128xf32, #tpu.memory_space<vmem>> -> memref<50x128xf32, #tpu.memory_space<vmem>>
      %dma_wait3A_154 = arith.constant 0 : i32
      %dma_wait3A_155 = tpu.memref_slice %arg8[%run_scoped3A_133, %dma_wait3A_154] : memref<200x50xi32, #tpu.memory_space<vmem>> -> memref<1x50xi32, #tpu.memory_space<vmem>>
      %dma_wait3A_156 = tpu.memref_squeeze %dma_wait3A_155 : memref<1x50xi32, #tpu.memory_space<vmem>> -> memref<50xi32, #tpu.memory_space<vmem>>
      %dma_wait3A_157 = arith.constant 0 : i32
      %dma_wait3A_158 = arith.constant 0 : i32
      %dma_wait3A_159 = tpu.memref_slice %arg10[%dma_wait3A_157, %dma_wait3A_158] : memref<10000x128xf32, #tpu.memory_space<vmem_shared>> -> memref<10000x128xf32, #tpu.memory_space<vmem_shared>>
      tpu.wait_indirect_dma semaphore(%run_scoped3A_139 : memref<!tpu.dma_semaphore, #tpu.memory_space<semaphore_mem>>) src(%dma_wait3A_153 : memref<50x128xf32, #tpu.memory_space<vmem>>) dst(%dma_wait3A_159 : memref<10000x128xf32, #tpu.memory_space<vmem_shared>>)
      tpu.yield
    }) : () -> ()
    %barrier3A_134 = arith.constant 0 : index
    tpu.barrier barrier_id(%barrier3A_134)
    %mul3A_135 = arith.constant 625 : i32
    %mul3A_136 = arith.muli %arg1, %mul3A_135 : i32
    %mul3A_137 = arith.constant 625 : i32
    %mul3A_138 = arith.muli %arg1, %mul3A_137 : i32
    "tpu.region"() ({
      %run_scoped3A_139 = tpu.sem_alloc : memref<!tpu.dma_semaphore, #tpu.memory_space<semaphore_mem>>
      %dma_start3A_140 = arith.constant 0 : i32
      %dma_start3A_141 = tpu.memref_slice %arg6[%arg0, %mul3A_138, %dma_start3A_140] : memref<2x10000x128xf32, #tpu.memory_space<hbm>> -> memref<1x625x128xf32, #tpu.memory_space<hbm>>
      %dma_start3A_142 = tpu.memref_squeeze %dma_start3A_141 : memref<1x625x128xf32, #tpu.memory_space<hbm>> -> memref<625x128xf32, #tpu.memory_space<hbm>>
      %dma_start3A_143 = arith.constant 0 : i32
      %dma_start3A_144 = tpu.memref_slice %arg10[%mul3A_136, %dma_start3A_143] : memref<10000x128xf32, #tpu.memory_space<vmem_shared>> -> memref<625x128xf32, #tpu.memory_space<vmem_shared>>
      tpu.enqueue_dma source(%dma_start3A_144 : memref<625x128xf32, #tpu.memory_space<vmem_shared>>) target(%dma_start3A_142 : memref<625x128xf32, #tpu.memory_space<hbm>>) target_semaphore(%run_scoped3A_139 : memref<!tpu.dma_semaphore, #tpu.memory_space<semaphore_mem>>)
      %dma_wait3A_145 = arith.constant 0 : i32
      %dma_wait3A_146 = tpu.memref_slice %arg6[%arg0, %mul3A_138, %dma_wait3A_145] : memref<2x10000x128xf32, #tpu.memory_space<hbm>> -> memref<1x625x128xf32, #tpu.memory_space<hbm>>
      %dma_wait3A_147 = tpu.memref_squeeze %dma_wait3A_146 : memref<1x625x128xf32, #tpu.memory_space<hbm>> -> memref<625x128xf32, #tpu.memory_space<hbm>>
      %dma_wait3A_148 = arith.constant 0 : i32
      %dma_wait3A_149 = tpu.memref_slice %arg10[%mul3A_136, %dma_wait3A_148] : memref<10000x128xf32, #tpu.memory_space<vmem_shared>> -> memref<625x128xf32, #tpu.memory_space<vmem_shared>>
      tpu.wait_dma2 semaphore(%run_scoped3A_139 : memref<!tpu.dma_semaphore, #tpu.memory_space<semaphore_mem>>) src(%dma_wait3A_149 : memref<625x128xf32, #tpu.memory_space<vmem_shared>>) dst(%dma_wait3A_147 : memref<625x128xf32, #tpu.memory_space<hbm>>)
      tpu.yield
    }) : () -> ()
    return
  }
}

#map = affine_map<(d0, d1) -> (0, 0)>
#map1 = affine_map<(d0, d1) -> (0, 0, 0)>
module attributes {stable_mosaic.version = 14 : i64} {
  func.func @_sc_agg_body(%arg0: i32, %arg1: i32, %arg2: memref<10000x128xf32, #tpu.memory_space<hbm>>, %arg3: memref<32x200x50xi32, #tpu.memory_space<hbm>>, %arg4: memref<32x200x50xi32, #tpu.memory_space<hbm>>, %arg5: memref<10000x128xf32, #tpu.memory_space<hbm>>, %arg6: memref<2x10000x128xf32, #tpu.memory_space<hbm>>, %arg7: memref<200x50xi32, #tpu.memory_space<vmem>>, %arg8: memref<200x50xi32, #tpu.memory_space<vmem>>, %arg9: memref<4x50x128xf32, #tpu.memory_space<vmem>>, %arg10: memref<10000x128xf32, #tpu.memory_space<vmem_shared>>, %arg11: memref<4x!tpu.dma_semaphore, #tpu.memory_space<semaphore_mem>>) attributes {dimension_semantics = [#tpu.dimension_semantics<core_parallel>, #tpu.dimension_semantics<subcore_parallel>], iteration_bounds = array<i64: 2, 16>, scalar_prefetch = 0 : i64, scratch_operands = 5 : i64, tpu.core_type = #tpu.core_type<sc_vector_subcore>, window_params = [{transform_indices = #map}, {transform_indices = #map1}, {transform_indices = #map1}, {transform_indices = #map}, {transform_indices = #map1}]} {
    %mul3A = arith.constant 16 : i32
    %mul3A_0 = arith.muli %arg0, %mul3A : i32
    %add3A = arith.addi %mul3A_0, %arg1 : i32
    "tpu.region"() ({
      %run_scoped3A_139 = tpu.sem_alloc : memref<!tpu.dma_semaphore, #tpu.memory_space<semaphore_mem>>
      %dma_start3A_140 = arith.constant 0 : i32
      %dma_start3A_141 = arith.constant 0 : i32
      %dma_start3A_142 = tpu.memref_slice %arg3[%add3A, %dma_start3A_140, %dma_start3A_141] : memref<32x200x50xi32, #tpu.memory_space<hbm>> -> memref<1x200x50xi32, #tpu.memory_space<hbm>>
      %dma_start3A_143 = tpu.memref_squeeze %dma_start3A_142 : memref<1x200x50xi32, #tpu.memory_space<hbm>> -> memref<200x50xi32, #tpu.memory_space<hbm>>
      %dma_start3A_144 = arith.constant 0 : i32
      %dma_start3A_145 = arith.constant 0 : i32
      %dma_start3A_146 = tpu.memref_slice %arg3[%add3A, %dma_start3A_144, %dma_start3A_145] : memref<32x200x50xi32, #tpu.memory_space<hbm>> -> memref<1x200x50xi32, #tpu.memory_space<hbm>>
      %dma_start3A_147 = tpu.memref_squeeze %dma_start3A_146 : memref<1x200x50xi32, #tpu.memory_space<hbm>> -> memref<200x50xi32, #tpu.memory_space<hbm>>
      tpu.enqueue_dma source(%dma_start3A_147 : memref<200x50xi32, #tpu.memory_space<hbm>>) target(%arg7 : memref<200x50xi32, #tpu.memory_space<vmem>>) target_semaphore(%run_scoped3A_139 : memref<!tpu.dma_semaphore, #tpu.memory_space<semaphore_mem>>)
      %dma_wait3A_148 = arith.constant 0 : i32
      %dma_wait3A_149 = arith.constant 0 : i32
      %dma_wait3A_150 = tpu.memref_slice %arg3[%add3A, %dma_wait3A_148, %dma_wait3A_149] : memref<32x200x50xi32, #tpu.memory_space<hbm>> -> memref<1x200x50xi32, #tpu.memory_space<hbm>>
      %dma_wait3A_151 = tpu.memref_squeeze %dma_wait3A_150 : memref<1x200x50xi32, #tpu.memory_space<hbm>> -> memref<200x50xi32, #tpu.memory_space<hbm>>
      %dma_wait3A_152 = arith.constant 0 : i32
      %dma_wait3A_153 = arith.constant 0 : i32
      %dma_wait3A_154 = tpu.memref_slice %arg3[%add3A, %dma_wait3A_152, %dma_wait3A_153] : memref<32x200x50xi32, #tpu.memory_space<hbm>> -> memref<1x200x50xi32, #tpu.memory_space<hbm>>
      %dma_wait3A_155 = tpu.memref_squeeze %dma_wait3A_154 : memref<1x200x50xi32, #tpu.memory_space<hbm>> -> memref<200x50xi32, #tpu.memory_space<hbm>>
      tpu.wait_dma2 semaphore(%run_scoped3A_139 : memref<!tpu.dma_semaphore, #tpu.memory_space<semaphore_mem>>) src(%dma_wait3A_155 : memref<200x50xi32, #tpu.memory_space<hbm>>) dst(%arg7 : memref<200x50xi32, #tpu.memory_space<vmem>>)
      tpu.yield
    }) : () -> ()
    "tpu.region"() ({
      %run_scoped3A_139 = tpu.sem_alloc : memref<!tpu.dma_semaphore, #tpu.memory_space<semaphore_mem>>
      %dma_start3A_140 = arith.constant 0 : i32
      %dma_start3A_141 = arith.constant 0 : i32
      %dma_start3A_142 = tpu.memref_slice %arg4[%add3A, %dma_start3A_140, %dma_start3A_141] : memref<32x200x50xi32, #tpu.memory_space<hbm>> -> memref<1x200x50xi32, #tpu.memory_space<hbm>>
      %dma_start3A_143 = tpu.memref_squeeze %dma_start3A_142 : memref<1x200x50xi32, #tpu.memory_space<hbm>> -> memref<200x50xi32, #tpu.memory_space<hbm>>
      %dma_start3A_144 = arith.constant 0 : i32
      %dma_start3A_145 = arith.constant 0 : i32
      %dma_start3A_146 = tpu.memref_slice %arg4[%add3A, %dma_start3A_144, %dma_start3A_145] : memref<32x200x50xi32, #tpu.memory_space<hbm>> -> memref<1x200x50xi32, #tpu.memory_space<hbm>>
      %dma_start3A_147 = tpu.memref_squeeze %dma_start3A_146 : memref<1x200x50xi32, #tpu.memory_space<hbm>> -> memref<200x50xi32, #tpu.memory_space<hbm>>
      tpu.enqueue_dma source(%dma_start3A_147 : memref<200x50xi32, #tpu.memory_space<hbm>>) target(%arg8 : memref<200x50xi32, #tpu.memory_space<vmem>>) target_semaphore(%run_scoped3A_139 : memref<!tpu.dma_semaphore, #tpu.memory_space<semaphore_mem>>)
      %dma_wait3A_148 = arith.constant 0 : i32
      %dma_wait3A_149 = arith.constant 0 : i32
      %dma_wait3A_150 = tpu.memref_slice %arg4[%add3A, %dma_wait3A_148, %dma_wait3A_149] : memref<32x200x50xi32, #tpu.memory_space<hbm>> -> memref<1x200x50xi32, #tpu.memory_space<hbm>>
      %dma_wait3A_151 = tpu.memref_squeeze %dma_wait3A_150 : memref<1x200x50xi32, #tpu.memory_space<hbm>> -> memref<200x50xi32, #tpu.memory_space<hbm>>
      %dma_wait3A_152 = arith.constant 0 : i32
      %dma_wait3A_153 = arith.constant 0 : i32
      %dma_wait3A_154 = tpu.memref_slice %arg4[%add3A, %dma_wait3A_152, %dma_wait3A_153] : memref<32x200x50xi32, #tpu.memory_space<hbm>> -> memref<1x200x50xi32, #tpu.memory_space<hbm>>
      %dma_wait3A_155 = tpu.memref_squeeze %dma_wait3A_154 : memref<1x200x50xi32, #tpu.memory_space<hbm>> -> memref<200x50xi32, #tpu.memory_space<hbm>>
      tpu.wait_dma2 semaphore(%run_scoped3A_139 : memref<!tpu.dma_semaphore, #tpu.memory_space<semaphore_mem>>) src(%dma_wait3A_155 : memref<200x50xi32, #tpu.memory_space<hbm>>) dst(%arg8 : memref<200x50xi32, #tpu.memory_space<vmem>>)
      tpu.yield
    }) : () -> ()
    %dma_start3A = arith.constant 0 : i32
    %dma_start3A_1 = arith.constant 0 : i32
    %dma_start3A_2 = arith.constant 0 : i32
    %dma_start3A_3 = arith.constant 0 : i32
    %dma_start3A_4 = arith.constant 0 : i32
    %dma_start3A_5 = tpu.memref_slice %arg9[%dma_start3A_1, %dma_start3A_3, %dma_start3A_4] : memref<4x50x128xf32, #tpu.memory_space<vmem>> -> memref<1x50x128xf32, #tpu.memory_space<vmem>>
    %dma_start3A_6 = tpu.memref_squeeze %dma_start3A_5 : memref<1x50x128xf32, #tpu.memory_space<vmem>> -> memref<50x128xf32, #tpu.memory_space<vmem>>
    %dma_start3A_7 = arith.constant 0 : i32
    %dma_start3A_8 = tpu.memref_slice %arg7[%dma_start3A, %dma_start3A_7] : memref<200x50xi32, #tpu.memory_space<vmem>> -> memref<1x50xi32, #tpu.memory_space<vmem>>
    %dma_start3A_9 = tpu.memref_squeeze %dma_start3A_8 : memref<1x50xi32, #tpu.memory_space<vmem>> -> memref<50xi32, #tpu.memory_space<vmem>>
    %dma_start3A_10 = arith.constant 0 : i32
    %dma_start3A_11 = arith.constant 0 : i32
    %dma_start3A_12 = tpu.memref_slice %arg2[%dma_start3A_10, %dma_start3A_11] : memref<10000x128xf32, #tpu.memory_space<hbm>> -> memref<10000x128xf32, #tpu.memory_space<hbm>>
    %dma_start3A_13 = tpu.memref_slice %arg11[%dma_start3A_2] : memref<4x!tpu.dma_semaphore, #tpu.memory_space<semaphore_mem>> -> memref<1x!tpu.dma_semaphore, #tpu.memory_space<semaphore_mem>>
    %dma_start3A_14 = tpu.memref_squeeze %dma_start3A_13 : memref<1x!tpu.dma_semaphore, #tpu.memory_space<semaphore_mem>> -> memref<!tpu.dma_semaphore, #tpu.memory_space<semaphore_mem>>
    tpu.enqueue_indirect_dma source(%dma_start3A_12 : memref<10000x128xf32, #tpu.memory_space<hbm>>) target(%dma_start3A_6 : memref<50x128xf32, #tpu.memory_space<vmem>>) offsets(%dma_start3A_9 : memref<50xi32, #tpu.memory_space<vmem>>) semaphore(%dma_start3A_14 : memref<!tpu.dma_semaphore, #tpu.memory_space<semaphore_mem>>)
    %dma_start3A_15 = arith.constant 1 : i32
    %dma_start3A_16 = arith.constant 1 : i32
    %dma_start3A_17 = arith.constant 1 : i32
    %dma_start3A_18 = arith.constant 0 : i32
    %dma_start3A_19 = arith.constant 0 : i32
    %dma_start3A_20 = tpu.memref_slice %arg9[%dma_start3A_16, %dma_start3A_18, %dma_start3A_19] : memref<4x50x128xf32, #tpu.memory_space<vmem>> -> memref<1x50x128xf32, #tpu.memory_space<vmem>>
    %dma_start3A_21 = tpu.memref_squeeze %dma_start3A_20 : memref<1x50x128xf32, #tpu.memory_space<vmem>> -> memref<50x128xf32, #tpu.memory_space<vmem>>
    %dma_start3A_22 = arith.constant 0 : i32
    %dma_start3A_23 = tpu.memref_slice %arg7[%dma_start3A_15, %dma_start3A_22] : memref<200x50xi32, #tpu.memory_space<vmem>> -> memref<1x50xi32, #tpu.memory_space<vmem>>
    %dma_start3A_24 = tpu.memref_squeeze %dma_start3A_23 : memref<1x50xi32, #tpu.memory_space<vmem>> -> memref<50xi32, #tpu.memory_space<vmem>>
    %dma_start3A_25 = arith.constant 0 : i32
    %dma_start3A_26 = arith.constant 0 : i32
    %dma_start3A_27 = tpu.memref_slice %arg2[%dma_start3A_25, %dma_start3A_26] : memref<10000x128xf32, #tpu.memory_space<hbm>> -> memref<10000x128xf32, #tpu.memory_space<hbm>>
    %dma_start3A_28 = tpu.memref_slice %arg11[%dma_start3A_17] : memref<4x!tpu.dma_semaphore, #tpu.memory_space<semaphore_mem>> -> memref<1x!tpu.dma_semaphore, #tpu.memory_space<semaphore_mem>>
    %dma_start3A_29 = tpu.memref_squeeze %dma_start3A_28 : memref<1x!tpu.dma_semaphore, #tpu.memory_space<semaphore_mem>> -> memref<!tpu.dma_semaphore, #tpu.memory_space<semaphore_mem>>
    tpu.enqueue_indirect_dma source(%dma_start3A_27 : memref<10000x128xf32, #tpu.memory_space<hbm>>) target(%dma_start3A_21 : memref<50x128xf32, #tpu.memory_space<vmem>>) offsets(%dma_start3A_24 : memref<50xi32, #tpu.memory_space<vmem>>) semaphore(%dma_start3A_29 : memref<!tpu.dma_semaphore, #tpu.memory_space<semaphore_mem>>)
    %dma_start3A_30 = arith.constant 2 : i32
    %dma_start3A_31 = arith.constant 2 : i32
    %dma_start3A_32 = arith.constant 2 : i32
    %dma_start3A_33 = arith.constant 0 : i32
    %dma_start3A_34 = arith.constant 0 : i32
    %dma_start3A_35 = tpu.memref_slice %arg9[%dma_start3A_31, %dma_start3A_33, %dma_start3A_34] : memref<4x50x128xf32, #tpu.memory_space<vmem>> -> memref<1x50x128xf32, #tpu.memory_space<vmem>>
    %dma_start3A_36 = tpu.memref_squeeze %dma_start3A_35 : memref<1x50x128xf32, #tpu.memory_space<vmem>> -> memref<50x128xf32, #tpu.memory_space<vmem>>
    %dma_start3A_37 = arith.constant 0 : i32
    %dma_start3A_38 = tpu.memref_slice %arg7[%dma_start3A_30, %dma_start3A_37] : memref<200x50xi32, #tpu.memory_space<vmem>> -> memref<1x50xi32, #tpu.memory_space<vmem>>
    %dma_start3A_39 = tpu.memref_squeeze %dma_start3A_38 : memref<1x50xi32, #tpu.memory_space<vmem>> -> memref<50xi32, #tpu.memory_space<vmem>>
    %dma_start3A_40 = arith.constant 0 : i32
    %dma_start3A_41 = arith.constant 0 : i32
    %dma_start3A_42 = tpu.memref_slice %arg2[%dma_start3A_40, %dma_start3A_41] : memref<10000x128xf32, #tpu.memory_space<hbm>> -> memref<10000x128xf32, #tpu.memory_space<hbm>>
    %dma_start3A_43 = tpu.memref_slice %arg11[%dma_start3A_32] : memref<4x!tpu.dma_semaphore, #tpu.memory_space<semaphore_mem>> -> memref<1x!tpu.dma_semaphore, #tpu.memory_space<semaphore_mem>>
    %dma_start3A_44 = tpu.memref_squeeze %dma_start3A_43 : memref<1x!tpu.dma_semaphore, #tpu.memory_space<semaphore_mem>> -> memref<!tpu.dma_semaphore, #tpu.memory_space<semaphore_mem>>
    tpu.enqueue_indirect_dma source(%dma_start3A_42 : memref<10000x128xf32, #tpu.memory_space<hbm>>) target(%dma_start3A_36 : memref<50x128xf32, #tpu.memory_space<vmem>>) offsets(%dma_start3A_39 : memref<50xi32, #tpu.memory_space<vmem>>) semaphore(%dma_start3A_44 : memref<!tpu.dma_semaphore, #tpu.memory_space<semaphore_mem>>)
    %dma_start3A_45 = arith.constant 3 : i32
    %dma_start3A_46 = arith.constant 3 : i32
    %dma_start3A_47 = arith.constant 3 : i32
    %dma_start3A_48 = arith.constant 0 : i32
    %dma_start3A_49 = arith.constant 0 : i32
    %dma_start3A_50 = tpu.memref_slice %arg9[%dma_start3A_46, %dma_start3A_48, %dma_start3A_49] : memref<4x50x128xf32, #tpu.memory_space<vmem>> -> memref<1x50x128xf32, #tpu.memory_space<vmem>>
    %dma_start3A_51 = tpu.memref_squeeze %dma_start3A_50 : memref<1x50x128xf32, #tpu.memory_space<vmem>> -> memref<50x128xf32, #tpu.memory_space<vmem>>
    %dma_start3A_52 = arith.constant 0 : i32
    %dma_start3A_53 = tpu.memref_slice %arg7[%dma_start3A_45, %dma_start3A_52] : memref<200x50xi32, #tpu.memory_space<vmem>> -> memref<1x50xi32, #tpu.memory_space<vmem>>
    %dma_start3A_54 = tpu.memref_squeeze %dma_start3A_53 : memref<1x50xi32, #tpu.memory_space<vmem>> -> memref<50xi32, #tpu.memory_space<vmem>>
    %dma_start3A_55 = arith.constant 0 : i32
    %dma_start3A_56 = arith.constant 0 : i32
    %dma_start3A_57 = tpu.memref_slice %arg2[%dma_start3A_55, %dma_start3A_56] : memref<10000x128xf32, #tpu.memory_space<hbm>> -> memref<10000x128xf32, #tpu.memory_space<hbm>>
    %dma_start3A_58 = tpu.memref_slice %arg11[%dma_start3A_47] : memref<4x!tpu.dma_semaphore, #tpu.memory_space<semaphore_mem>> -> memref<1x!tpu.dma_semaphore, #tpu.memory_space<semaphore_mem>>
    %dma_start3A_59 = tpu.memref_squeeze %dma_start3A_58 : memref<1x!tpu.dma_semaphore, #tpu.memory_space<semaphore_mem>> -> memref<!tpu.dma_semaphore, #tpu.memory_space<semaphore_mem>>
    tpu.enqueue_indirect_dma source(%dma_start3A_57 : memref<10000x128xf32, #tpu.memory_space<hbm>>) target(%dma_start3A_51 : memref<50x128xf32, #tpu.memory_space<vmem>>) offsets(%dma_start3A_54 : memref<50xi32, #tpu.memory_space<vmem>>) semaphore(%dma_start3A_59 : memref<!tpu.dma_semaphore, #tpu.memory_space<semaphore_mem>>)
    %mul3A_60 = arith.constant 625 : i32
    %mul3A_61 = arith.muli %arg1, %mul3A_60 : i32
    %mul3A_62 = arith.constant 625 : i32
    %mul3A_63 = arith.muli %arg1, %mul3A_62 : i32
    "tpu.region"() ({
      %run_scoped3A_139 = tpu.sem_alloc : memref<!tpu.dma_semaphore, #tpu.memory_space<semaphore_mem>>
      %dma_start3A_140 = arith.constant 0 : i32
      %dma_start3A_141 = tpu.memref_slice %arg10[%mul3A_63, %dma_start3A_140] : memref<10000x128xf32, #tpu.memory_space<vmem_shared>> -> memref<625x128xf32, #tpu.memory_space<vmem_shared>>
      %dma_start3A_142 = arith.constant 0 : i32
      %dma_start3A_143 = tpu.memref_slice %arg5[%mul3A_61, %dma_start3A_142] : memref<10000x128xf32, #tpu.memory_space<hbm>> -> memref<625x128xf32, #tpu.memory_space<hbm>>
      tpu.enqueue_dma source(%dma_start3A_143 : memref<625x128xf32, #tpu.memory_space<hbm>>) target(%dma_start3A_141 : memref<625x128xf32, #tpu.memory_space<vmem_shared>>) target_semaphore(%run_scoped3A_139 : memref<!tpu.dma_semaphore, #tpu.memory_space<semaphore_mem>>)
      %dma_wait3A_144 = arith.constant 0 : i32
      %dma_wait3A_145 = tpu.memref_slice %arg10[%mul3A_63, %dma_wait3A_144] : memref<10000x128xf32, #tpu.memory_space<vmem_shared>> -> memref<625x128xf32, #tpu.memory_space<vmem_shared>>
      %dma_wait3A_146 = arith.constant 0 : i32
      %dma_wait3A_147 = tpu.memref_slice %arg5[%mul3A_61, %dma_wait3A_146] : memref<10000x128xf32, #tpu.memory_space<hbm>> -> memref<625x128xf32, #tpu.memory_space<hbm>>
      tpu.wait_dma2 semaphore(%run_scoped3A_139 : memref<!tpu.dma_semaphore, #tpu.memory_space<semaphore_mem>>) src(%dma_wait3A_147 : memref<625x128xf32, #tpu.memory_space<hbm>>) dst(%dma_wait3A_145 : memref<625x128xf32, #tpu.memory_space<vmem_shared>>)
      tpu.yield
    }) : () -> ()
    %barrier3A = arith.constant 0 : index
    tpu.barrier barrier_id(%barrier3A)
    %scan3A = arith.constant 0 : i32
    %scan3A_64 = arith.constant 49 : i32
    %scan3A_65 = arith.addi %scan3A, %scan3A_64 : i32
    %scan3A_66 = arith.constant 1 : i32
    scf.for %scan3A_139 = %scan3A to %scan3A_65 step %scan3A_66  : i32 {
      %mul3A_140 = arith.constant 4 : i32
      %mul3A_141 = arith.muli %scan3A_139, %mul3A_140 : i32
      %add3A_142 = arith.constant 0 : i32
      %add3A_143 = arith.addi %add3A_142, %mul3A_141 : i32
      %dma_wait3A_144 = arith.constant 0 : i32
      %dma_wait3A_145 = arith.constant 0 : i32
      %dma_wait3A_146 = arith.constant 0 : i32
      %dma_wait3A_147 = arith.constant 0 : i32
      %dma_wait3A_148 = arith.constant 0 : i32
      %dma_wait3A_149 = tpu.memref_slice %arg9[%dma_wait3A_145, %dma_wait3A_147, %dma_wait3A_148] : memref<4x50x128xf32, #tpu.memory_space<vmem>> -> memref<1x50x128xf32, #tpu.memory_space<vmem>>
      %dma_wait3A_150 = tpu.memref_squeeze %dma_wait3A_149 : memref<1x50x128xf32, #tpu.memory_space<vmem>> -> memref<50x128xf32, #tpu.memory_space<vmem>>
      %dma_wait3A_151 = arith.constant 0 : i32
      %dma_wait3A_152 = tpu.memref_slice %arg7[%dma_wait3A_144, %dma_wait3A_151] : memref<200x50xi32, #tpu.memory_space<vmem>> -> memref<1x50xi32, #tpu.memory_space<vmem>>
      %dma_wait3A_153 = tpu.memref_squeeze %dma_wait3A_152 : memref<1x50xi32, #tpu.memory_space<vmem>> -> memref<50xi32, #tpu.memory_space<vmem>>
      %dma_wait3A_154 = arith.constant 0 : i32
      %dma_wait3A_155 = arith.constant 0 : i32
      %dma_wait3A_156 = tpu.memref_slice %arg2[%dma_wait3A_154, %dma_wait3A_155] : memref<10000x128xf32, #tpu.memory_space<hbm>> -> memref<10000x128xf32, #tpu.memory_space<hbm>>
      %dma_wait3A_157 = tpu.memref_slice %arg11[%dma_wait3A_146] : memref<4x!tpu.dma_semaphore, #tpu.memory_space<semaphore_mem>> -> memref<1x!tpu.dma_semaphore, #tpu.memory_space<semaphore_mem>>
      %dma_wait3A_158 = tpu.memref_squeeze %dma_wait3A_157 : memref<1x!tpu.dma_semaphore, #tpu.memory_space<semaphore_mem>> -> memref<!tpu.dma_semaphore, #tpu.memory_space<semaphore_mem>>
      tpu.wait_indirect_dma semaphore(%dma_wait3A_158 : memref<!tpu.dma_semaphore, #tpu.memory_space<semaphore_mem>>) src(%dma_wait3A_156 : memref<10000x128xf32, #tpu.memory_space<hbm>>) dst(%dma_wait3A_150 : memref<50x128xf32, #tpu.memory_space<vmem>>)
      %add3A_159 = arith.constant 0 : i32
      %add3A_160 = arith.addi %add3A_143, %add3A_159 : i32
      %run_scoped3A_161 = arith.constant 0 : i32
      "tpu.region"() ({
        %run_scoped3A_288 = tpu.sem_alloc : memref<!tpu.dma_semaphore, #tpu.memory_space<semaphore_mem>>
        %dma_start3A_289 = arith.constant 0 : i32
        %dma_start3A_290 = arith.constant 0 : i32
        %dma_start3A_291 = tpu.memref_slice %arg9[%run_scoped3A_161, %dma_start3A_289, %dma_start3A_290] : memref<4x50x128xf32, #tpu.memory_space<vmem>> -> memref<1x50x128xf32, #tpu.memory_space<vmem>>
        %dma_start3A_292 = tpu.memref_squeeze %dma_start3A_291 : memref<1x50x128xf32, #tpu.memory_space<vmem>> -> memref<50x128xf32, #tpu.memory_space<vmem>>
        %dma_start3A_293 = arith.constant 0 : i32
        %dma_start3A_294 = tpu.memref_slice %arg8[%add3A_160, %dma_start3A_293] : memref<200x50xi32, #tpu.memory_space<vmem>> -> memref<1x50xi32, #tpu.memory_space<vmem>>
        %dma_start3A_295 = tpu.memref_squeeze %dma_start3A_294 : memref<1x50xi32, #tpu.memory_space<vmem>> -> memref<50xi32, #tpu.memory_space<vmem>>
        %dma_start3A_296 = arith.constant 0 : i32
        %dma_start3A_297 = arith.constant 0 : i32
        %dma_start3A_298 = tpu.memref_slice %arg10[%dma_start3A_296, %dma_start3A_297] : memref<10000x128xf32, #tpu.memory_space<vmem_shared>> -> memref<10000x128xf32, #tpu.memory_space<vmem_shared>>
        tpu.enqueue_indirect_dma source(%dma_start3A_292 : memref<50x128xf32, #tpu.memory_space<vmem>>) target(%dma_start3A_298 : memref<10000x128xf32, #tpu.memory_space<vmem_shared>>) offsets(%dma_start3A_295 : memref<50xi32, #tpu.memory_space<vmem>>) semaphore(%run_scoped3A_288 : memref<!tpu.dma_semaphore, #tpu.memory_space<semaphore_mem>>) {add = true}
        %dma_wait3A_299 = arith.constant 0 : i32
        %dma_wait3A_300 = arith.constant 0 : i32
        %dma_wait3A_301 = tpu.memref_slice %arg9[%run_scoped3A_161, %dma_wait3A_299, %dma_wait3A_300] : memref<4x50x128xf32, #tpu.memory_space<vmem>> -> memref<1x50x128xf32, #tpu.memory_space<vmem>>
        %dma_wait3A_302 = tpu.memref_squeeze %dma_wait3A_301 : memref<1x50x128xf32, #tpu.memory_space<vmem>> -> memref<50x128xf32, #tpu.memory_space<vmem>>
        %dma_wait3A_303 = arith.constant 0 : i32
        %dma_wait3A_304 = tpu.memref_slice %arg8[%add3A_160, %dma_wait3A_303] : memref<200x50xi32, #tpu.memory_space<vmem>> -> memref<1x50xi32, #tpu.memory_space<vmem>>
        %dma_wait3A_305 = tpu.memref_squeeze %dma_wait3A_304 : memref<1x50xi32, #tpu.memory_space<vmem>> -> memref<50xi32, #tpu.memory_space<vmem>>
        %dma_wait3A_306 = arith.constant 0 : i32
        %dma_wait3A_307 = arith.constant 0 : i32
        %dma_wait3A_308 = tpu.memref_slice %arg10[%dma_wait3A_306, %dma_wait3A_307] : memref<10000x128xf32, #tpu.memory_space<vmem_shared>> -> memref<10000x128xf32, #tpu.memory_space<vmem_shared>>
        tpu.wait_indirect_dma semaphore(%run_scoped3A_288 : memref<!tpu.dma_semaphore, #tpu.memory_space<semaphore_mem>>) src(%dma_wait3A_302 : memref<50x128xf32, #tpu.memory_space<vmem>>) dst(%dma_wait3A_308 : memref<10000x128xf32, #tpu.memory_space<vmem_shared>>)
        tpu.yield
      }) : () -> ()
      %add3A_162 = arith.constant 0 : i32
      %add3A_163 = arith.addi %add3A_143, %add3A_162 : i32
      %add3A_164 = arith.constant 4 : i32
      %add3A_165 = arith.addi %add3A_163, %add3A_164 : i32
      %dma_start3A_166 = arith.constant 0 : i32
      %dma_start3A_167 = arith.constant 0 : i32
      %dma_start3A_168 = arith.constant 0 : i32
      %dma_start3A_169 = arith.constant 0 : i32
      %dma_start3A_170 = tpu.memref_slice %arg9[%dma_start3A_166, %dma_start3A_168, %dma_start3A_169] : memref<4x50x128xf32, #tpu.memory_space<vmem>> -> memref<1x50x128xf32, #tpu.memory_space<vmem>>
      %dma_start3A_171 = tpu.memref_squeeze %dma_start3A_170 : memref<1x50x128xf32, #tpu.memory_space<vmem>> -> memref<50x128xf32, #tpu.memory_space<vmem>>
      %dma_start3A_172 = arith.constant 0 : i32
      %dma_start3A_173 = tpu.memref_slice %arg7[%add3A_165, %dma_start3A_172] : memref<200x50xi32, #tpu.memory_space<vmem>> -> memref<1x50xi32, #tpu.memory_space<vmem>>
      %dma_start3A_174 = tpu.memref_squeeze %dma_start3A_173 : memref<1x50xi32, #tpu.memory_space<vmem>> -> memref<50xi32, #tpu.memory_space<vmem>>
      %dma_start3A_175 = arith.constant 0 : i32
      %dma_start3A_176 = arith.constant 0 : i32
      %dma_start3A_177 = tpu.memref_slice %arg2[%dma_start3A_175, %dma_start3A_176] : memref<10000x128xf32, #tpu.memory_space<hbm>> -> memref<10000x128xf32, #tpu.memory_space<hbm>>
      %dma_start3A_178 = tpu.memref_slice %arg11[%dma_start3A_167] : memref<4x!tpu.dma_semaphore, #tpu.memory_space<semaphore_mem>> -> memref<1x!tpu.dma_semaphore, #tpu.memory_space<semaphore_mem>>
      %dma_start3A_179 = tpu.memref_squeeze %dma_start3A_178 : memref<1x!tpu.dma_semaphore, #tpu.memory_space<semaphore_mem>> -> memref<!tpu.dma_semaphore, #tpu.memory_space<semaphore_mem>>
      tpu.enqueue_indirect_dma source(%dma_start3A_177 : memref<10000x128xf32, #tpu.memory_space<hbm>>) target(%dma_start3A_171 : memref<50x128xf32, #tpu.memory_space<vmem>>) offsets(%dma_start3A_174 : memref<50xi32, #tpu.memory_space<vmem>>) semaphore(%dma_start3A_179 : memref<!tpu.dma_semaphore, #tpu.memory_space<semaphore_mem>>)
      %dma_wait3A_180 = arith.constant 0 : i32
      %dma_wait3A_181 = arith.constant 1 : i32
      %dma_wait3A_182 = arith.constant 1 : i32
      %dma_wait3A_183 = arith.constant 0 : i32
      %dma_wait3A_184 = arith.constant 0 : i32
      %dma_wait3A_185 = tpu.memref_slice %arg9[%dma_wait3A_181, %dma_wait3A_183, %dma_wait3A_184] : memref<4x50x128xf32, #tpu.memory_space<vmem>> -> memref<1x50x128xf32, #tpu.memory_space<vmem>>
      %dma_wait3A_186 = tpu.memref_squeeze %dma_wait3A_185 : memref<1x50x128xf32, #tpu.memory_space<vmem>> -> memref<50x128xf32, #tpu.memory_space<vmem>>
      %dma_wait3A_187 = arith.constant 0 : i32
      %dma_wait3A_188 = tpu.memref_slice %arg7[%dma_wait3A_180, %dma_wait3A_187] : memref<200x50xi32, #tpu.memory_space<vmem>> -> memref<1x50xi32, #tpu.memory_space<vmem>>
      %dma_wait3A_189 = tpu.memref_squeeze %dma_wait3A_188 : memref<1x50xi32, #tpu.memory_space<vmem>> -> memref<50xi32, #tpu.memory_space<vmem>>
      %dma_wait3A_190 = arith.constant 0 : i32
      %dma_wait3A_191 = arith.constant 0 : i32
      %dma_wait3A_192 = tpu.memref_slice %arg2[%dma_wait3A_190, %dma_wait3A_191] : memref<10000x128xf32, #tpu.memory_space<hbm>> -> memref<10000x128xf32, #tpu.memory_space<hbm>>
      %dma_wait3A_193 = tpu.memref_slice %arg11[%dma_wait3A_182] : memref<4x!tpu.dma_semaphore, #tpu.memory_space<semaphore_mem>> -> memref<1x!tpu.dma_semaphore, #tpu.memory_space<semaphore_mem>>
      %dma_wait3A_194 = tpu.memref_squeeze %dma_wait3A_193 : memref<1x!tpu.dma_semaphore, #tpu.memory_space<semaphore_mem>> -> memref<!tpu.dma_semaphore, #tpu.memory_space<semaphore_mem>>
      tpu.wait_indirect_dma semaphore(%dma_wait3A_194 : memref<!tpu.dma_semaphore, #tpu.memory_space<semaphore_mem>>) src(%dma_wait3A_192 : memref<10000x128xf32, #tpu.memory_space<hbm>>) dst(%dma_wait3A_186 : memref<50x128xf32, #tpu.memory_space<vmem>>)
      %add3A_195 = arith.constant 1 : i32
      %add3A_196 = arith.addi %add3A_143, %add3A_195 : i32
      %run_scoped3A_197 = arith.constant 1 : i32
      "tpu.region"() ({
        %run_scoped3A_288 = tpu.sem_alloc : memref<!tpu.dma_semaphore, #tpu.memory_space<semaphore_mem>>
        %dma_start3A_289 = arith.constant 0 : i32
        %dma_start3A_290 = arith.constant 0 : i32
        %dma_start3A_291 = tpu.memref_slice %arg9[%run_scoped3A_197, %dma_start3A_289, %dma_start3A_290] : memref<4x50x128xf32, #tpu.memory_space<vmem>> -> memref<1x50x128xf32, #tpu.memory_space<vmem>>
        %dma_start3A_292 = tpu.memref_squeeze %dma_start3A_291 : memref<1x50x128xf32, #tpu.memory_space<vmem>> -> memref<50x128xf32, #tpu.memory_space<vmem>>
        %dma_start3A_293 = arith.constant 0 : i32
        %dma_start3A_294 = tpu.memref_slice %arg8[%add3A_196, %dma_start3A_293] : memref<200x50xi32, #tpu.memory_space<vmem>> -> memref<1x50xi32, #tpu.memory_space<vmem>>
        %dma_start3A_295 = tpu.memref_squeeze %dma_start3A_294 : memref<1x50xi32, #tpu.memory_space<vmem>> -> memref<50xi32, #tpu.memory_space<vmem>>
        %dma_start3A_296 = arith.constant 0 : i32
        %dma_start3A_297 = arith.constant 0 : i32
        %dma_start3A_298 = tpu.memref_slice %arg10[%dma_start3A_296, %dma_start3A_297] : memref<10000x128xf32, #tpu.memory_space<vmem_shared>> -> memref<10000x128xf32, #tpu.memory_space<vmem_shared>>
        tpu.enqueue_indirect_dma source(%dma_start3A_292 : memref<50x128xf32, #tpu.memory_space<vmem>>) target(%dma_start3A_298 : memref<10000x128xf32, #tpu.memory_space<vmem_shared>>) offsets(%dma_start3A_295 : memref<50xi32, #tpu.memory_space<vmem>>) semaphore(%run_scoped3A_288 : memref<!tpu.dma_semaphore, #tpu.memory_space<semaphore_mem>>) {add = true}
        %dma_wait3A_299 = arith.constant 0 : i32
        %dma_wait3A_300 = arith.constant 0 : i32
        %dma_wait3A_301 = tpu.memref_slice %arg9[%run_scoped3A_197, %dma_wait3A_299, %dma_wait3A_300] : memref<4x50x128xf32, #tpu.memory_space<vmem>> -> memref<1x50x128xf32, #tpu.memory_space<vmem>>
        %dma_wait3A_302 = tpu.memref_squeeze %dma_wait3A_301 : memref<1x50x128xf32, #tpu.memory_space<vmem>> -> memref<50x128xf32, #tpu.memory_space<vmem>>
        %dma_wait3A_303 = arith.constant 0 : i32
        %dma_wait3A_304 = tpu.memref_slice %arg8[%add3A_196, %dma_wait3A_303] : memref<200x50xi32, #tpu.memory_space<vmem>> -> memref<1x50xi32, #tpu.memory_space<vmem>>
        %dma_wait3A_305 = tpu.memref_squeeze %dma_wait3A_304 : memref<1x50xi32, #tpu.memory_space<vmem>> -> memref<50xi32, #tpu.memory_space<vmem>>
        %dma_wait3A_306 = arith.constant 0 : i32
        %dma_wait3A_307 = arith.constant 0 : i32
        %dma_wait3A_308 = tpu.memref_slice %arg10[%dma_wait3A_306, %dma_wait3A_307] : memref<10000x128xf32, #tpu.memory_space<vmem_shared>> -> memref<10000x128xf32, #tpu.memory_space<vmem_shared>>
        tpu.wait_indirect_dma semaphore(%run_scoped3A_288 : memref<!tpu.dma_semaphore, #tpu.memory_space<semaphore_mem>>) src(%dma_wait3A_302 : memref<50x128xf32, #tpu.memory_space<vmem>>) dst(%dma_wait3A_308 : memref<10000x128xf32, #tpu.memory_space<vmem_shared>>)
        tpu.yield
      }) : () -> ()
      %add3A_198 = arith.constant 1 : i32
      %add3A_199 = arith.addi %add3A_143, %add3A_198 : i32
      %add3A_200 = arith.constant 4 : i32
      %add3A_201 = arith.addi %add3A_199, %add3A_200 : i32
      %dma_start3A_202 = arith.constant 1 : i32
      %dma_start3A_203 = arith.constant 1 : i32
      %dma_start3A_204 = arith.constant 0 : i32
      %dma_start3A_205 = arith.constant 0 : i32
      %dma_start3A_206 = tpu.memref_slice %arg9[%dma_start3A_202, %dma_start3A_204, %dma_start3A_205] : memref<4x50x128xf32, #tpu.memory_space<vmem>> -> memref<1x50x128xf32, #tpu.memory_space<vmem>>
      %dma_start3A_207 = tpu.memref_squeeze %dma_start3A_206 : memref<1x50x128xf32, #tpu.memory_space<vmem>> -> memref<50x128xf32, #tpu.memory_space<vmem>>
      %dma_start3A_208 = arith.constant 0 : i32
      %dma_start3A_209 = tpu.memref_slice %arg7[%add3A_201, %dma_start3A_208] : memref<200x50xi32, #tpu.memory_space<vmem>> -> memref<1x50xi32, #tpu.memory_space<vmem>>
      %dma_start3A_210 = tpu.memref_squeeze %dma_start3A_209 : memref<1x50xi32, #tpu.memory_space<vmem>> -> memref<50xi32, #tpu.memory_space<vmem>>
      %dma_start3A_211 = arith.constant 0 : i32
      %dma_start3A_212 = arith.constant 0 : i32
      %dma_start3A_213 = tpu.memref_slice %arg2[%dma_start3A_211, %dma_start3A_212] : memref<10000x128xf32, #tpu.memory_space<hbm>> -> memref<10000x128xf32, #tpu.memory_space<hbm>>
      %dma_start3A_214 = tpu.memref_slice %arg11[%dma_start3A_203] : memref<4x!tpu.dma_semaphore, #tpu.memory_space<semaphore_mem>> -> memref<1x!tpu.dma_semaphore, #tpu.memory_space<semaphore_mem>>
      %dma_start3A_215 = tpu.memref_squeeze %dma_start3A_214 : memref<1x!tpu.dma_semaphore, #tpu.memory_space<semaphore_mem>> -> memref<!tpu.dma_semaphore, #tpu.memory_space<semaphore_mem>>
      tpu.enqueue_indirect_dma source(%dma_start3A_213 : memref<10000x128xf32, #tpu.memory_space<hbm>>) target(%dma_start3A_207 : memref<50x128xf32, #tpu.memory_space<vmem>>) offsets(%dma_start3A_210 : memref<50xi32, #tpu.memory_space<vmem>>) semaphore(%dma_start3A_215 : memref<!tpu.dma_semaphore, #tpu.memory_space<semaphore_mem>>)
      %dma_wait3A_216 = arith.constant 0 : i32
      %dma_wait3A_217 = arith.constant 2 : i32
      %dma_wait3A_218 = arith.constant 2 : i32
      %dma_wait3A_219 = arith.constant 0 : i32
      %dma_wait3A_220 = arith.constant 0 : i32
      %dma_wait3A_221 = tpu.memref_slice %arg9[%dma_wait3A_217, %dma_wait3A_219, %dma_wait3A_220] : memref<4x50x128xf32, #tpu.memory_space<vmem>> -> memref<1x50x128xf32, #tpu.memory_space<vmem>>
      %dma_wait3A_222 = tpu.memref_squeeze %dma_wait3A_221 : memref<1x50x128xf32, #tpu.memory_space<vmem>> -> memref<50x128xf32, #tpu.memory_space<vmem>>
      %dma_wait3A_223 = arith.constant 0 : i32
      %dma_wait3A_224 = tpu.memref_slice %arg7[%dma_wait3A_216, %dma_wait3A_223] : memref<200x50xi32, #tpu.memory_space<vmem>> -> memref<1x50xi32, #tpu.memory_space<vmem>>
      %dma_wait3A_225 = tpu.memref_squeeze %dma_wait3A_224 : memref<1x50xi32, #tpu.memory_space<vmem>> -> memref<50xi32, #tpu.memory_space<vmem>>
      %dma_wait3A_226 = arith.constant 0 : i32
      %dma_wait3A_227 = arith.constant 0 : i32
      %dma_wait3A_228 = tpu.memref_slice %arg2[%dma_wait3A_226, %dma_wait3A_227] : memref<10000x128xf32, #tpu.memory_space<hbm>> -> memref<10000x128xf32, #tpu.memory_space<hbm>>
      %dma_wait3A_229 = tpu.memref_slice %arg11[%dma_wait3A_218] : memref<4x!tpu.dma_semaphore, #tpu.memory_space<semaphore_mem>> -> memref<1x!tpu.dma_semaphore, #tpu.memory_space<semaphore_mem>>
      %dma_wait3A_230 = tpu.memref_squeeze %dma_wait3A_229 : memref<1x!tpu.dma_semaphore, #tpu.memory_space<semaphore_mem>> -> memref<!tpu.dma_semaphore, #tpu.memory_space<semaphore_mem>>
      tpu.wait_indirect_dma semaphore(%dma_wait3A_230 : memref<!tpu.dma_semaphore, #tpu.memory_space<semaphore_mem>>) src(%dma_wait3A_228 : memref<10000x128xf32, #tpu.memory_space<hbm>>) dst(%dma_wait3A_222 : memref<50x128xf32, #tpu.memory_space<vmem>>)
      %add3A_231 = arith.constant 2 : i32
      %add3A_232 = arith.addi %add3A_143, %add3A_231 : i32
      %run_scoped3A_233 = arith.constant 2 : i32
      "tpu.region"() ({
        %run_scoped3A_288 = tpu.sem_alloc : memref<!tpu.dma_semaphore, #tpu.memory_space<semaphore_mem>>
        %dma_start3A_289 = arith.constant 0 : i32
        %dma_start3A_290 = arith.constant 0 : i32
        %dma_start3A_291 = tpu.memref_slice %arg9[%run_scoped3A_233, %dma_start3A_289, %dma_start3A_290] : memref<4x50x128xf32, #tpu.memory_space<vmem>> -> memref<1x50x128xf32, #tpu.memory_space<vmem>>
        %dma_start3A_292 = tpu.memref_squeeze %dma_start3A_291 : memref<1x50x128xf32, #tpu.memory_space<vmem>> -> memref<50x128xf32, #tpu.memory_space<vmem>>
        %dma_start3A_293 = arith.constant 0 : i32
        %dma_start3A_294 = tpu.memref_slice %arg8[%add3A_232, %dma_start3A_293] : memref<200x50xi32, #tpu.memory_space<vmem>> -> memref<1x50xi32, #tpu.memory_space<vmem>>
        %dma_start3A_295 = tpu.memref_squeeze %dma_start3A_294 : memref<1x50xi32, #tpu.memory_space<vmem>> -> memref<50xi32, #tpu.memory_space<vmem>>
        %dma_start3A_296 = arith.constant 0 : i32
        %dma_start3A_297 = arith.constant 0 : i32
        %dma_start3A_298 = tpu.memref_slice %arg10[%dma_start3A_296, %dma_start3A_297] : memref<10000x128xf32, #tpu.memory_space<vmem_shared>> -> memref<10000x128xf32, #tpu.memory_space<vmem_shared>>
        tpu.enqueue_indirect_dma source(%dma_start3A_292 : memref<50x128xf32, #tpu.memory_space<vmem>>) target(%dma_start3A_298 : memref<10000x128xf32, #tpu.memory_space<vmem_shared>>) offsets(%dma_start3A_295 : memref<50xi32, #tpu.memory_space<vmem>>) semaphore(%run_scoped3A_288 : memref<!tpu.dma_semaphore, #tpu.memory_space<semaphore_mem>>) {add = true}
        %dma_wait3A_299 = arith.constant 0 : i32
        %dma_wait3A_300 = arith.constant 0 : i32
        %dma_wait3A_301 = tpu.memref_slice %arg9[%run_scoped3A_233, %dma_wait3A_299, %dma_wait3A_300] : memref<4x50x128xf32, #tpu.memory_space<vmem>> -> memref<1x50x128xf32, #tpu.memory_space<vmem>>
        %dma_wait3A_302 = tpu.memref_squeeze %dma_wait3A_301 : memref<1x50x128xf32, #tpu.memory_space<vmem>> -> memref<50x128xf32, #tpu.memory_space<vmem>>
        %dma_wait3A_303 = arith.constant 0 : i32
        %dma_wait3A_304 = tpu.memref_slice %arg8[%add3A_232, %dma_wait3A_303] : memref<200x50xi32, #tpu.memory_space<vmem>> -> memref<1x50xi32, #tpu.memory_space<vmem>>
        %dma_wait3A_305 = tpu.memref_squeeze %dma_wait3A_304 : memref<1x50xi32, #tpu.memory_space<vmem>> -> memref<50xi32, #tpu.memory_space<vmem>>
        %dma_wait3A_306 = arith.constant 0 : i32
        %dma_wait3A_307 = arith.constant 0 : i32
        %dma_wait3A_308 = tpu.memref_slice %arg10[%dma_wait3A_306, %dma_wait3A_307] : memref<10000x128xf32, #tpu.memory_space<vmem_shared>> -> memref<10000x128xf32, #tpu.memory_space<vmem_shared>>
        tpu.wait_indirect_dma semaphore(%run_scoped3A_288 : memref<!tpu.dma_semaphore, #tpu.memory_space<semaphore_mem>>) src(%dma_wait3A_302 : memref<50x128xf32, #tpu.memory_space<vmem>>) dst(%dma_wait3A_308 : memref<10000x128xf32, #tpu.memory_space<vmem_shared>>)
        tpu.yield
      }) : () -> ()
      %add3A_234 = arith.constant 2 : i32
      %add3A_235 = arith.addi %add3A_143, %add3A_234 : i32
      %add3A_236 = arith.constant 4 : i32
      %add3A_237 = arith.addi %add3A_235, %add3A_236 : i32
      %dma_start3A_238 = arith.constant 2 : i32
      %dma_start3A_239 = arith.constant 2 : i32
      %dma_start3A_240 = arith.constant 0 : i32
      %dma_start3A_241 = arith.constant 0 : i32
      %dma_start3A_242 = tpu.memref_slice %arg9[%dma_start3A_238, %dma_start3A_240, %dma_start3A_241] : memref<4x50x128xf32, #tpu.memory_space<vmem>> -> memref<1x50x128xf32, #tpu.memory_space<vmem>>
      %dma_start3A_243 = tpu.memref_squeeze %dma_start3A_242 : memref<1x50x128xf32, #tpu.memory_space<vmem>> -> memref<50x128xf32, #tpu.memory_space<vmem>>
      %dma_start3A_244 = arith.constant 0 : i32
      %dma_start3A_245 = tpu.memref_slice %arg7[%add3A_237, %dma_start3A_244] : memref<200x50xi32, #tpu.memory_space<vmem>> -> memref<1x50xi32, #tpu.memory_space<vmem>>
      %dma_start3A_246 = tpu.memref_squeeze %dma_start3A_245 : memref<1x50xi32, #tpu.memory_space<vmem>> -> memref<50xi32, #tpu.memory_space<vmem>>
      %dma_start3A_247 = arith.constant 0 : i32
      %dma_start3A_248 = arith.constant 0 : i32
      %dma_start3A_249 = tpu.memref_slice %arg2[%dma_start3A_247, %dma_start3A_248] : memref<10000x128xf32, #tpu.memory_space<hbm>> -> memref<10000x128xf32, #tpu.memory_space<hbm>>
      %dma_start3A_250 = tpu.memref_slice %arg11[%dma_start3A_239] : memref<4x!tpu.dma_semaphore, #tpu.memory_space<semaphore_mem>> -> memref<1x!tpu.dma_semaphore, #tpu.memory_space<semaphore_mem>>
      %dma_start3A_251 = tpu.memref_squeeze %dma_start3A_250 : memref<1x!tpu.dma_semaphore, #tpu.memory_space<semaphore_mem>> -> memref<!tpu.dma_semaphore, #tpu.memory_space<semaphore_mem>>
      tpu.enqueue_indirect_dma source(%dma_start3A_249 : memref<10000x128xf32, #tpu.memory_space<hbm>>) target(%dma_start3A_243 : memref<50x128xf32, #tpu.memory_space<vmem>>) offsets(%dma_start3A_246 : memref<50xi32, #tpu.memory_space<vmem>>) semaphore(%dma_start3A_251 : memref<!tpu.dma_semaphore, #tpu.memory_space<semaphore_mem>>)
      %dma_wait3A_252 = arith.constant 0 : i32
      %dma_wait3A_253 = arith.constant 3 : i32
      %dma_wait3A_254 = arith.constant 3 : i32
      %dma_wait3A_255 = arith.constant 0 : i32
      %dma_wait3A_256 = arith.constant 0 : i32
      %dma_wait3A_257 = tpu.memref_slice %arg9[%dma_wait3A_253, %dma_wait3A_255, %dma_wait3A_256] : memref<4x50x128xf32, #tpu.memory_space<vmem>> -> memref<1x50x128xf32, #tpu.memory_space<vmem>>
      %dma_wait3A_258 = tpu.memref_squeeze %dma_wait3A_257 : memref<1x50x128xf32, #tpu.memory_space<vmem>> -> memref<50x128xf32, #tpu.memory_space<vmem>>
      %dma_wait3A_259 = arith.constant 0 : i32
      %dma_wait3A_260 = tpu.memref_slice %arg7[%dma_wait3A_252, %dma_wait3A_259] : memref<200x50xi32, #tpu.memory_space<vmem>> -> memref<1x50xi32, #tpu.memory_space<vmem>>
      %dma_wait3A_261 = tpu.memref_squeeze %dma_wait3A_260 : memref<1x50xi32, #tpu.memory_space<vmem>> -> memref<50xi32, #tpu.memory_space<vmem>>
      %dma_wait3A_262 = arith.constant 0 : i32
      %dma_wait3A_263 = arith.constant 0 : i32
      %dma_wait3A_264 = tpu.memref_slice %arg2[%dma_wait3A_262, %dma_wait3A_263] : memref<10000x128xf32, #tpu.memory_space<hbm>> -> memref<10000x128xf32, #tpu.memory_space<hbm>>
      %dma_wait3A_265 = tpu.memref_slice %arg11[%dma_wait3A_254] : memref<4x!tpu.dma_semaphore, #tpu.memory_space<semaphore_mem>> -> memref<1x!tpu.dma_semaphore, #tpu.memory_space<semaphore_mem>>
      %dma_wait3A_266 = tpu.memref_squeeze %dma_wait3A_265 : memref<1x!tpu.dma_semaphore, #tpu.memory_space<semaphore_mem>> -> memref<!tpu.dma_semaphore, #tpu.memory_space<semaphore_mem>>
      tpu.wait_indirect_dma semaphore(%dma_wait3A_266 : memref<!tpu.dma_semaphore, #tpu.memory_space<semaphore_mem>>) src(%dma_wait3A_264 : memref<10000x128xf32, #tpu.memory_space<hbm>>) dst(%dma_wait3A_258 : memref<50x128xf32, #tpu.memory_space<vmem>>)
      %add3A_267 = arith.constant 3 : i32
      %add3A_268 = arith.addi %add3A_143, %add3A_267 : i32
      %run_scoped3A_269 = arith.constant 3 : i32
      "tpu.region"() ({
        %run_scoped3A_288 = tpu.sem_alloc : memref<!tpu.dma_semaphore, #tpu.memory_space<semaphore_mem>>
        %dma_start3A_289 = arith.constant 0 : i32
        %dma_start3A_290 = arith.constant 0 : i32
        %dma_start3A_291 = tpu.memref_slice %arg9[%run_scoped3A_269, %dma_start3A_289, %dma_start3A_290] : memref<4x50x128xf32, #tpu.memory_space<vmem>> -> memref<1x50x128xf32, #tpu.memory_space<vmem>>
        %dma_start3A_292 = tpu.memref_squeeze %dma_start3A_291 : memref<1x50x128xf32, #tpu.memory_space<vmem>> -> memref<50x128xf32, #tpu.memory_space<vmem>>
        %dma_start3A_293 = arith.constant 0 : i32
        %dma_start3A_294 = tpu.memref_slice %arg8[%add3A_268, %dma_start3A_293] : memref<200x50xi32, #tpu.memory_space<vmem>> -> memref<1x50xi32, #tpu.memory_space<vmem>>
        %dma_start3A_295 = tpu.memref_squeeze %dma_start3A_294 : memref<1x50xi32, #tpu.memory_space<vmem>> -> memref<50xi32, #tpu.memory_space<vmem>>
        %dma_start3A_296 = arith.constant 0 : i32
        %dma_start3A_297 = arith.constant 0 : i32
        %dma_start3A_298 = tpu.memref_slice %arg10[%dma_start3A_296, %dma_start3A_297] : memref<10000x128xf32, #tpu.memory_space<vmem_shared>> -> memref<10000x128xf32, #tpu.memory_space<vmem_shared>>
        tpu.enqueue_indirect_dma source(%dma_start3A_292 : memref<50x128xf32, #tpu.memory_space<vmem>>) target(%dma_start3A_298 : memref<10000x128xf32, #tpu.memory_space<vmem_shared>>) offsets(%dma_start3A_295 : memref<50xi32, #tpu.memory_space<vmem>>) semaphore(%run_scoped3A_288 : memref<!tpu.dma_semaphore, #tpu.memory_space<semaphore_mem>>) {add = true}
        %dma_wait3A_299 = arith.constant 0 : i32
        %dma_wait3A_300 = arith.constant 0 : i32
        %dma_wait3A_301 = tpu.memref_slice %arg9[%run_scoped3A_269, %dma_wait3A_299, %dma_wait3A_300] : memref<4x50x128xf32, #tpu.memory_space<vmem>> -> memref<1x50x128xf32, #tpu.memory_space<vmem>>
        %dma_wait3A_302 = tpu.memref_squeeze %dma_wait3A_301 : memref<1x50x128xf32, #tpu.memory_space<vmem>> -> memref<50x128xf32, #tpu.memory_space<vmem>>
        %dma_wait3A_303 = arith.constant 0 : i32
        %dma_wait3A_304 = tpu.memref_slice %arg8[%add3A_268, %dma_wait3A_303] : memref<200x50xi32, #tpu.memory_space<vmem>> -> memref<1x50xi32, #tpu.memory_space<vmem>>
        %dma_wait3A_305 = tpu.memref_squeeze %dma_wait3A_304 : memref<1x50xi32, #tpu.memory_space<vmem>> -> memref<50xi32, #tpu.memory_space<vmem>>
        %dma_wait3A_306 = arith.constant 0 : i32
        %dma_wait3A_307 = arith.constant 0 : i32
        %dma_wait3A_308 = tpu.memref_slice %arg10[%dma_wait3A_306, %dma_wait3A_307] : memref<10000x128xf32, #tpu.memory_space<vmem_shared>> -> memref<10000x128xf32, #tpu.memory_space<vmem_shared>>
        tpu.wait_indirect_dma semaphore(%run_scoped3A_288 : memref<!tpu.dma_semaphore, #tpu.memory_space<semaphore_mem>>) src(%dma_wait3A_302 : memref<50x128xf32, #tpu.memory_space<vmem>>) dst(%dma_wait3A_308 : memref<10000x128xf32, #tpu.memory_space<vmem_shared>>)
        tpu.yield
      }) : () -> ()
      %add3A_270 = arith.constant 3 : i32
      %add3A_271 = arith.addi %add3A_143, %add3A_270 : i32
      %add3A_272 = arith.constant 4 : i32
      %add3A_273 = arith.addi %add3A_271, %add3A_272 : i32
      %dma_start3A_274 = arith.constant 3 : i32
      %dma_start3A_275 = arith.constant 3 : i32
      %dma_start3A_276 = arith.constant 0 : i32
      %dma_start3A_277 = arith.constant 0 : i32
      %dma_start3A_278 = tpu.memref_slice %arg9[%dma_start3A_274, %dma_start3A_276, %dma_start3A_277] : memref<4x50x128xf32, #tpu.memory_space<vmem>> -> memref<1x50x128xf32, #tpu.memory_space<vmem>>
      %dma_start3A_279 = tpu.memref_squeeze %dma_start3A_278 : memref<1x50x128xf32, #tpu.memory_space<vmem>> -> memref<50x128xf32, #tpu.memory_space<vmem>>
      %dma_start3A_280 = arith.constant 0 : i32
      %dma_start3A_281 = tpu.memref_slice %arg7[%add3A_273, %dma_start3A_280] : memref<200x50xi32, #tpu.memory_space<vmem>> -> memref<1x50xi32, #tpu.memory_space<vmem>>
      %dma_start3A_282 = tpu.memref_squeeze %dma_start3A_281 : memref<1x50xi32, #tpu.memory_space<vmem>> -> memref<50xi32, #tpu.memory_space<vmem>>
      %dma_start3A_283 = arith.constant 0 : i32
      %dma_start3A_284 = arith.constant 0 : i32
      %dma_start3A_285 = tpu.memref_slice %arg2[%dma_start3A_283, %dma_start3A_284] : memref<10000x128xf32, #tpu.memory_space<hbm>> -> memref<10000x128xf32, #tpu.memory_space<hbm>>
      %dma_start3A_286 = tpu.memref_slice %arg11[%dma_start3A_275] : memref<4x!tpu.dma_semaphore, #tpu.memory_space<semaphore_mem>> -> memref<1x!tpu.dma_semaphore, #tpu.memory_space<semaphore_mem>>
      %dma_start3A_287 = tpu.memref_squeeze %dma_start3A_286 : memref<1x!tpu.dma_semaphore, #tpu.memory_space<semaphore_mem>> -> memref<!tpu.dma_semaphore, #tpu.memory_space<semaphore_mem>>
      tpu.enqueue_indirect_dma source(%dma_start3A_285 : memref<10000x128xf32, #tpu.memory_space<hbm>>) target(%dma_start3A_279 : memref<50x128xf32, #tpu.memory_space<vmem>>) offsets(%dma_start3A_282 : memref<50xi32, #tpu.memory_space<vmem>>) semaphore(%dma_start3A_287 : memref<!tpu.dma_semaphore, #tpu.memory_space<semaphore_mem>>)
    }
    %scan3A_67 = arith.constant 49 : i32
    %dma_wait3A = arith.constant 0 : i32
    %dma_wait3A_68 = arith.constant 0 : i32
    %dma_wait3A_69 = arith.constant 0 : i32
    %dma_wait3A_70 = arith.constant 0 : i32
    %dma_wait3A_71 = arith.constant 0 : i32
    %dma_wait3A_72 = tpu.memref_slice %arg9[%dma_wait3A_68, %dma_wait3A_70, %dma_wait3A_71] : memref<4x50x128xf32, #tpu.memory_space<vmem>> -> memref<1x50x128xf32, #tpu.memory_space<vmem>>
    %dma_wait3A_73 = tpu.memref_squeeze %dma_wait3A_72 : memref<1x50x128xf32, #tpu.memory_space<vmem>> -> memref<50x128xf32, #tpu.memory_space<vmem>>
    %dma_wait3A_74 = arith.constant 0 : i32
    %dma_wait3A_75 = tpu.memref_slice %arg7[%dma_wait3A, %dma_wait3A_74] : memref<200x50xi32, #tpu.memory_space<vmem>> -> memref<1x50xi32, #tpu.memory_space<vmem>>
    %dma_wait3A_76 = tpu.memref_squeeze %dma_wait3A_75 : memref<1x50xi32, #tpu.memory_space<vmem>> -> memref<50xi32, #tpu.memory_space<vmem>>
    %dma_wait3A_77 = arith.constant 0 : i32
    %dma_wait3A_78 = arith.constant 0 : i32
    %dma_wait3A_79 = tpu.memref_slice %arg2[%dma_wait3A_77, %dma_wait3A_78] : memref<10000x128xf32, #tpu.memory_space<hbm>> -> memref<10000x128xf32, #tpu.memory_space<hbm>>
    %dma_wait3A_80 = tpu.memref_slice %arg11[%dma_wait3A_69] : memref<4x!tpu.dma_semaphore, #tpu.memory_space<semaphore_mem>> -> memref<1x!tpu.dma_semaphore, #tpu.memory_space<semaphore_mem>>
    %dma_wait3A_81 = tpu.memref_squeeze %dma_wait3A_80 : memref<1x!tpu.dma_semaphore, #tpu.memory_space<semaphore_mem>> -> memref<!tpu.dma_semaphore, #tpu.memory_space<semaphore_mem>>
    tpu.wait_indirect_dma semaphore(%dma_wait3A_81 : memref<!tpu.dma_semaphore, #tpu.memory_space<semaphore_mem>>) src(%dma_wait3A_79 : memref<10000x128xf32, #tpu.memory_space<hbm>>) dst(%dma_wait3A_73 : memref<50x128xf32, #tpu.memory_space<vmem>>)
    %run_scoped3A = arith.constant 0 : i32
    %run_scoped3A_82 = arith.constant 196 : i32
    "tpu.region"() ({
      %run_scoped3A_139 = tpu.sem_alloc : memref<!tpu.dma_semaphore, #tpu.memory_space<semaphore_mem>>
      %dma_start3A_140 = arith.constant 0 : i32
      %dma_start3A_141 = arith.constant 0 : i32
      %dma_start3A_142 = tpu.memref_slice %arg9[%run_scoped3A, %dma_start3A_140, %dma_start3A_141] : memref<4x50x128xf32, #tpu.memory_space<vmem>> -> memref<1x50x128xf32, #tpu.memory_space<vmem>>
      %dma_start3A_143 = tpu.memref_squeeze %dma_start3A_142 : memref<1x50x128xf32, #tpu.memory_space<vmem>> -> memref<50x128xf32, #tpu.memory_space<vmem>>
      %dma_start3A_144 = arith.constant 0 : i32
      %dma_start3A_145 = tpu.memref_slice %arg8[%run_scoped3A_82, %dma_start3A_144] : memref<200x50xi32, #tpu.memory_space<vmem>> -> memref<1x50xi32, #tpu.memory_space<vmem>>
      %dma_start3A_146 = tpu.memref_squeeze %dma_start3A_145 : memref<1x50xi32, #tpu.memory_space<vmem>> -> memref<50xi32, #tpu.memory_space<vmem>>
      %dma_start3A_147 = arith.constant 0 : i32
      %dma_start3A_148 = arith.constant 0 : i32
      %dma_start3A_149 = tpu.memref_slice %arg10[%dma_start3A_147, %dma_start3A_148] : memref<10000x128xf32, #tpu.memory_space<vmem_shared>> -> memref<10000x128xf32, #tpu.memory_space<vmem_shared>>
      tpu.enqueue_indirect_dma source(%dma_start3A_143 : memref<50x128xf32, #tpu.memory_space<vmem>>) target(%dma_start3A_149 : memref<10000x128xf32, #tpu.memory_space<vmem_shared>>) offsets(%dma_start3A_146 : memref<50xi32, #tpu.memory_space<vmem>>) semaphore(%run_scoped3A_139 : memref<!tpu.dma_semaphore, #tpu.memory_space<semaphore_mem>>) {add = true}
      %dma_wait3A_150 = arith.constant 0 : i32
      %dma_wait3A_151 = arith.constant 0 : i32
      %dma_wait3A_152 = tpu.memref_slice %arg9[%run_scoped3A, %dma_wait3A_150, %dma_wait3A_151] : memref<4x50x128xf32, #tpu.memory_space<vmem>> -> memref<1x50x128xf32, #tpu.memory_space<vmem>>
      %dma_wait3A_153 = tpu.memref_squeeze %dma_wait3A_152 : memref<1x50x128xf32, #tpu.memory_space<vmem>> -> memref<50x128xf32, #tpu.memory_space<vmem>>
      %dma_wait3A_154 = arith.constant 0 : i32
      %dma_wait3A_155 = tpu.memref_slice %arg8[%run_scoped3A_82, %dma_wait3A_154] : memref<200x50xi32, #tpu.memory_space<vmem>> -> memref<1x50xi32, #tpu.memory_space<vmem>>
      %dma_wait3A_156 = tpu.memref_squeeze %dma_wait3A_155 : memref<1x50xi32, #tpu.memory_space<vmem>> -> memref<50xi32, #tpu.memory_space<vmem>>
      %dma_wait3A_157 = arith.constant 0 : i32
      %dma_wait3A_158 = arith.constant 0 : i32
      %dma_wait3A_159 = tpu.memref_slice %arg10[%dma_wait3A_157, %dma_wait3A_158] : memref<10000x128xf32, #tpu.memory_space<vmem_shared>> -> memref<10000x128xf32, #tpu.memory_space<vmem_shared>>
      tpu.wait_indirect_dma semaphore(%run_scoped3A_139 : memref<!tpu.dma_semaphore, #tpu.memory_space<semaphore_mem>>) src(%dma_wait3A_153 : memref<50x128xf32, #tpu.memory_space<vmem>>) dst(%dma_wait3A_159 : memref<10000x128xf32, #tpu.memory_space<vmem_shared>>)
      tpu.yield
    }) : () -> ()
    %dma_wait3A_83 = arith.constant 0 : i32
    %dma_wait3A_84 = arith.constant 1 : i32
    %dma_wait3A_85 = arith.constant 1 : i32
    %dma_wait3A_86 = arith.constant 0 : i32
    %dma_wait3A_87 = arith.constant 0 : i32
    %dma_wait3A_88 = tpu.memref_slice %arg9[%dma_wait3A_84, %dma_wait3A_86, %dma_wait3A_87] : memref<4x50x128xf32, #tpu.memory_space<vmem>> -> memref<1x50x128xf32, #tpu.memory_space<vmem>>
    %dma_wait3A_89 = tpu.memref_squeeze %dma_wait3A_88 : memref<1x50x128xf32, #tpu.memory_space<vmem>> -> memref<50x128xf32, #tpu.memory_space<vmem>>
    %dma_wait3A_90 = arith.constant 0 : i32
    %dma_wait3A_91 = tpu.memref_slice %arg7[%dma_wait3A_83, %dma_wait3A_90] : memref<200x50xi32, #tpu.memory_space<vmem>> -> memref<1x50xi32, #tpu.memory_space<vmem>>
    %dma_wait3A_92 = tpu.memref_squeeze %dma_wait3A_91 : memref<1x50xi32, #tpu.memory_space<vmem>> -> memref<50xi32, #tpu.memory_space<vmem>>
    %dma_wait3A_93 = arith.constant 0 : i32
    %dma_wait3A_94 = arith.constant 0 : i32
    %dma_wait3A_95 = tpu.memref_slice %arg2[%dma_wait3A_93, %dma_wait3A_94] : memref<10000x128xf32, #tpu.memory_space<hbm>> -> memref<10000x128xf32, #tpu.memory_space<hbm>>
    %dma_wait3A_96 = tpu.memref_slice %arg11[%dma_wait3A_85] : memref<4x!tpu.dma_semaphore, #tpu.memory_space<semaphore_mem>> -> memref<1x!tpu.dma_semaphore, #tpu.memory_space<semaphore_mem>>
    %dma_wait3A_97 = tpu.memref_squeeze %dma_wait3A_96 : memref<1x!tpu.dma_semaphore, #tpu.memory_space<semaphore_mem>> -> memref<!tpu.dma_semaphore, #tpu.memory_space<semaphore_mem>>
    tpu.wait_indirect_dma semaphore(%dma_wait3A_97 : memref<!tpu.dma_semaphore, #tpu.memory_space<semaphore_mem>>) src(%dma_wait3A_95 : memref<10000x128xf32, #tpu.memory_space<hbm>>) dst(%dma_wait3A_89 : memref<50x128xf32, #tpu.memory_space<vmem>>)
    %run_scoped3A_98 = arith.constant 1 : i32
    %run_scoped3A_99 = arith.constant 197 : i32
    "tpu.region"() ({
      %run_scoped3A_139 = tpu.sem_alloc : memref<!tpu.dma_semaphore, #tpu.memory_space<semaphore_mem>>
      %dma_start3A_140 = arith.constant 0 : i32
      %dma_start3A_141 = arith.constant 0 : i32
      %dma_start3A_142 = tpu.memref_slice %arg9[%run_scoped3A_98, %dma_start3A_140, %dma_start3A_141] : memref<4x50x128xf32, #tpu.memory_space<vmem>> -> memref<1x50x128xf32, #tpu.memory_space<vmem>>
      %dma_start3A_143 = tpu.memref_squeeze %dma_start3A_142 : memref<1x50x128xf32, #tpu.memory_space<vmem>> -> memref<50x128xf32, #tpu.memory_space<vmem>>
      %dma_start3A_144 = arith.constant 0 : i32
      %dma_start3A_145 = tpu.memref_slice %arg8[%run_scoped3A_99, %dma_start3A_144] : memref<200x50xi32, #tpu.memory_space<vmem>> -> memref<1x50xi32, #tpu.memory_space<vmem>>
      %dma_start3A_146 = tpu.memref_squeeze %dma_start3A_145 : memref<1x50xi32, #tpu.memory_space<vmem>> -> memref<50xi32, #tpu.memory_space<vmem>>
      %dma_start3A_147 = arith.constant 0 : i32
      %dma_start3A_148 = arith.constant 0 : i32
      %dma_start3A_149 = tpu.memref_slice %arg10[%dma_start3A_147, %dma_start3A_148] : memref<10000x128xf32, #tpu.memory_space<vmem_shared>> -> memref<10000x128xf32, #tpu.memory_space<vmem_shared>>
      tpu.enqueue_indirect_dma source(%dma_start3A_143 : memref<50x128xf32, #tpu.memory_space<vmem>>) target(%dma_start3A_149 : memref<10000x128xf32, #tpu.memory_space<vmem_shared>>) offsets(%dma_start3A_146 : memref<50xi32, #tpu.memory_space<vmem>>) semaphore(%run_scoped3A_139 : memref<!tpu.dma_semaphore, #tpu.memory_space<semaphore_mem>>) {add = true}
      %dma_wait3A_150 = arith.constant 0 : i32
      %dma_wait3A_151 = arith.constant 0 : i32
      %dma_wait3A_152 = tpu.memref_slice %arg9[%run_scoped3A_98, %dma_wait3A_150, %dma_wait3A_151] : memref<4x50x128xf32, #tpu.memory_space<vmem>> -> memref<1x50x128xf32, #tpu.memory_space<vmem>>
      %dma_wait3A_153 = tpu.memref_squeeze %dma_wait3A_152 : memref<1x50x128xf32, #tpu.memory_space<vmem>> -> memref<50x128xf32, #tpu.memory_space<vmem>>
      %dma_wait3A_154 = arith.constant 0 : i32
      %dma_wait3A_155 = tpu.memref_slice %arg8[%run_scoped3A_99, %dma_wait3A_154] : memref<200x50xi32, #tpu.memory_space<vmem>> -> memref<1x50xi32, #tpu.memory_space<vmem>>
      %dma_wait3A_156 = tpu.memref_squeeze %dma_wait3A_155 : memref<1x50xi32, #tpu.memory_space<vmem>> -> memref<50xi32, #tpu.memory_space<vmem>>
      %dma_wait3A_157 = arith.constant 0 : i32
      %dma_wait3A_158 = arith.constant 0 : i32
      %dma_wait3A_159 = tpu.memref_slice %arg10[%dma_wait3A_157, %dma_wait3A_158] : memref<10000x128xf32, #tpu.memory_space<vmem_shared>> -> memref<10000x128xf32, #tpu.memory_space<vmem_shared>>
      tpu.wait_indirect_dma semaphore(%run_scoped3A_139 : memref<!tpu.dma_semaphore, #tpu.memory_space<semaphore_mem>>) src(%dma_wait3A_153 : memref<50x128xf32, #tpu.memory_space<vmem>>) dst(%dma_wait3A_159 : memref<10000x128xf32, #tpu.memory_space<vmem_shared>>)
      tpu.yield
    }) : () -> ()
    %dma_wait3A_100 = arith.constant 0 : i32
    %dma_wait3A_101 = arith.constant 2 : i32
    %dma_wait3A_102 = arith.constant 2 : i32
    %dma_wait3A_103 = arith.constant 0 : i32
    %dma_wait3A_104 = arith.constant 0 : i32
    %dma_wait3A_105 = tpu.memref_slice %arg9[%dma_wait3A_101, %dma_wait3A_103, %dma_wait3A_104] : memref<4x50x128xf32, #tpu.memory_space<vmem>> -> memref<1x50x128xf32, #tpu.memory_space<vmem>>
    %dma_wait3A_106 = tpu.memref_squeeze %dma_wait3A_105 : memref<1x50x128xf32, #tpu.memory_space<vmem>> -> memref<50x128xf32, #tpu.memory_space<vmem>>
    %dma_wait3A_107 = arith.constant 0 : i32
    %dma_wait3A_108 = tpu.memref_slice %arg7[%dma_wait3A_100, %dma_wait3A_107] : memref<200x50xi32, #tpu.memory_space<vmem>> -> memref<1x50xi32, #tpu.memory_space<vmem>>
    %dma_wait3A_109 = tpu.memref_squeeze %dma_wait3A_108 : memref<1x50xi32, #tpu.memory_space<vmem>> -> memref<50xi32, #tpu.memory_space<vmem>>
    %dma_wait3A_110 = arith.constant 0 : i32
    %dma_wait3A_111 = arith.constant 0 : i32
    %dma_wait3A_112 = tpu.memref_slice %arg2[%dma_wait3A_110, %dma_wait3A_111] : memref<10000x128xf32, #tpu.memory_space<hbm>> -> memref<10000x128xf32, #tpu.memory_space<hbm>>
    %dma_wait3A_113 = tpu.memref_slice %arg11[%dma_wait3A_102] : memref<4x!tpu.dma_semaphore, #tpu.memory_space<semaphore_mem>> -> memref<1x!tpu.dma_semaphore, #tpu.memory_space<semaphore_mem>>
    %dma_wait3A_114 = tpu.memref_squeeze %dma_wait3A_113 : memref<1x!tpu.dma_semaphore, #tpu.memory_space<semaphore_mem>> -> memref<!tpu.dma_semaphore, #tpu.memory_space<semaphore_mem>>
    tpu.wait_indirect_dma semaphore(%dma_wait3A_114 : memref<!tpu.dma_semaphore, #tpu.memory_space<semaphore_mem>>) src(%dma_wait3A_112 : memref<10000x128xf32, #tpu.memory_space<hbm>>) dst(%dma_wait3A_106 : memref<50x128xf32, #tpu.memory_space<vmem>>)
    %run_scoped3A_115 = arith.constant 2 : i32
    %run_scoped3A_116 = arith.constant 198 : i32
    "tpu.region"() ({
      %run_scoped3A_139 = tpu.sem_alloc : memref<!tpu.dma_semaphore, #tpu.memory_space<semaphore_mem>>
      %dma_start3A_140 = arith.constant 0 : i32
      %dma_start3A_141 = arith.constant 0 : i32
      %dma_start3A_142 = tpu.memref_slice %arg9[%run_scoped3A_115, %dma_start3A_140, %dma_start3A_141] : memref<4x50x128xf32, #tpu.memory_space<vmem>> -> memref<1x50x128xf32, #tpu.memory_space<vmem>>
      %dma_start3A_143 = tpu.memref_squeeze %dma_start3A_142 : memref<1x50x128xf32, #tpu.memory_space<vmem>> -> memref<50x128xf32, #tpu.memory_space<vmem>>
      %dma_start3A_144 = arith.constant 0 : i32
      %dma_start3A_145 = tpu.memref_slice %arg8[%run_scoped3A_116, %dma_start3A_144] : memref<200x50xi32, #tpu.memory_space<vmem>> -> memref<1x50xi32, #tpu.memory_space<vmem>>
      %dma_start3A_146 = tpu.memref_squeeze %dma_start3A_145 : memref<1x50xi32, #tpu.memory_space<vmem>> -> memref<50xi32, #tpu.memory_space<vmem>>
      %dma_start3A_147 = arith.constant 0 : i32
      %dma_start3A_148 = arith.constant 0 : i32
      %dma_start3A_149 = tpu.memref_slice %arg10[%dma_start3A_147, %dma_start3A_148] : memref<10000x128xf32, #tpu.memory_space<vmem_shared>> -> memref<10000x128xf32, #tpu.memory_space<vmem_shared>>
      tpu.enqueue_indirect_dma source(%dma_start3A_143 : memref<50x128xf32, #tpu.memory_space<vmem>>) target(%dma_start3A_149 : memref<10000x128xf32, #tpu.memory_space<vmem_shared>>) offsets(%dma_start3A_146 : memref<50xi32, #tpu.memory_space<vmem>>) semaphore(%run_scoped3A_139 : memref<!tpu.dma_semaphore, #tpu.memory_space<semaphore_mem>>) {add = true}
      %dma_wait3A_150 = arith.constant 0 : i32
      %dma_wait3A_151 = arith.constant 0 : i32
      %dma_wait3A_152 = tpu.memref_slice %arg9[%run_scoped3A_115, %dma_wait3A_150, %dma_wait3A_151] : memref<4x50x128xf32, #tpu.memory_space<vmem>> -> memref<1x50x128xf32, #tpu.memory_space<vmem>>
      %dma_wait3A_153 = tpu.memref_squeeze %dma_wait3A_152 : memref<1x50x128xf32, #tpu.memory_space<vmem>> -> memref<50x128xf32, #tpu.memory_space<vmem>>
      %dma_wait3A_154 = arith.constant 0 : i32
      %dma_wait3A_155 = tpu.memref_slice %arg8[%run_scoped3A_116, %dma_wait3A_154] : memref<200x50xi32, #tpu.memory_space<vmem>> -> memref<1x50xi32, #tpu.memory_space<vmem>>
      %dma_wait3A_156 = tpu.memref_squeeze %dma_wait3A_155 : memref<1x50xi32, #tpu.memory_space<vmem>> -> memref<50xi32, #tpu.memory_space<vmem>>
      %dma_wait3A_157 = arith.constant 0 : i32
      %dma_wait3A_158 = arith.constant 0 : i32
      %dma_wait3A_159 = tpu.memref_slice %arg10[%dma_wait3A_157, %dma_wait3A_158] : memref<10000x128xf32, #tpu.memory_space<vmem_shared>> -> memref<10000x128xf32, #tpu.memory_space<vmem_shared>>
      tpu.wait_indirect_dma semaphore(%run_scoped3A_139 : memref<!tpu.dma_semaphore, #tpu.memory_space<semaphore_mem>>) src(%dma_wait3A_153 : memref<50x128xf32, #tpu.memory_space<vmem>>) dst(%dma_wait3A_159 : memref<10000x128xf32, #tpu.memory_space<vmem_shared>>)
      tpu.yield
    }) : () -> ()
    %dma_wait3A_117 = arith.constant 0 : i32
    %dma_wait3A_118 = arith.constant 3 : i32
    %dma_wait3A_119 = arith.constant 3 : i32
    %dma_wait3A_120 = arith.constant 0 : i32
    %dma_wait3A_121 = arith.constant 0 : i32
    %dma_wait3A_122 = tpu.memref_slice %arg9[%dma_wait3A_118, %dma_wait3A_120, %dma_wait3A_121] : memref<4x50x128xf32, #tpu.memory_space<vmem>> -> memref<1x50x128xf32, #tpu.memory_space<vmem>>
    %dma_wait3A_123 = tpu.memref_squeeze %dma_wait3A_122 : memref<1x50x128xf32, #tpu.memory_space<vmem>> -> memref<50x128xf32, #tpu.memory_space<vmem>>
    %dma_wait3A_124 = arith.constant 0 : i32
    %dma_wait3A_125 = tpu.memref_slice %arg7[%dma_wait3A_117, %dma_wait3A_124] : memref<200x50xi32, #tpu.memory_space<vmem>> -> memref<1x50xi32, #tpu.memory_space<vmem>>
    %dma_wait3A_126 = tpu.memref_squeeze %dma_wait3A_125 : memref<1x50xi32, #tpu.memory_space<vmem>> -> memref<50xi32, #tpu.memory_space<vmem>>
    %dma_wait3A_127 = arith.constant 0 : i32
    %dma_wait3A_128 = arith.constant 0 : i32
    %dma_wait3A_129 = tpu.memref_slice %arg2[%dma_wait3A_127, %dma_wait3A_128] : memref<10000x128xf32, #tpu.memory_space<hbm>> -> memref<10000x128xf32, #tpu.memory_space<hbm>>
    %dma_wait3A_130 = tpu.memref_slice %arg11[%dma_wait3A_119] : memref<4x!tpu.dma_semaphore, #tpu.memory_space<semaphore_mem>> -> memref<1x!tpu.dma_semaphore, #tpu.memory_space<semaphore_mem>>
    %dma_wait3A_131 = tpu.memref_squeeze %dma_wait3A_130 : memref<1x!tpu.dma_semaphore, #tpu.memory_space<semaphore_mem>> -> memref<!tpu.dma_semaphore, #tpu.memory_space<semaphore_mem>>
    tpu.wait_indirect_dma semaphore(%dma_wait3A_131 : memref<!tpu.dma_semaphore, #tpu.memory_space<semaphore_mem>>) src(%dma_wait3A_129 : memref<10000x128xf32, #tpu.memory_space<hbm>>) dst(%dma_wait3A_123 : memref<50x128xf32, #tpu.memory_space<vmem>>)
    %run_scoped3A_132 = arith.constant 3 : i32
    %run_scoped3A_133 = arith.constant 199 : i32
    "tpu.region"() ({
      %run_scoped3A_139 = tpu.sem_alloc : memref<!tpu.dma_semaphore, #tpu.memory_space<semaphore_mem>>
      %dma_start3A_140 = arith.constant 0 : i32
      %dma_start3A_141 = arith.constant 0 : i32
      %dma_start3A_142 = tpu.memref_slice %arg9[%run_scoped3A_132, %dma_start3A_140, %dma_start3A_141] : memref<4x50x128xf32, #tpu.memory_space<vmem>> -> memref<1x50x128xf32, #tpu.memory_space<vmem>>
      %dma_start3A_143 = tpu.memref_squeeze %dma_start3A_142 : memref<1x50x128xf32, #tpu.memory_space<vmem>> -> memref<50x128xf32, #tpu.memory_space<vmem>>
      %dma_start3A_144 = arith.constant 0 : i32
      %dma_start3A_145 = tpu.memref_slice %arg8[%run_scoped3A_133, %dma_start3A_144] : memref<200x50xi32, #tpu.memory_space<vmem>> -> memref<1x50xi32, #tpu.memory_space<vmem>>
      %dma_start3A_146 = tpu.memref_squeeze %dma_start3A_145 : memref<1x50xi32, #tpu.memory_space<vmem>> -> memref<50xi32, #tpu.memory_space<vmem>>
      %dma_start3A_147 = arith.constant 0 : i32
      %dma_start3A_148 = arith.constant 0 : i32
      %dma_start3A_149 = tpu.memref_slice %arg10[%dma_start3A_147, %dma_start3A_148] : memref<10000x128xf32, #tpu.memory_space<vmem_shared>> -> memref<10000x128xf32, #tpu.memory_space<vmem_shared>>
      tpu.enqueue_indirect_dma source(%dma_start3A_143 : memref<50x128xf32, #tpu.memory_space<vmem>>) target(%dma_start3A_149 : memref<10000x128xf32, #tpu.memory_space<vmem_shared>>) offsets(%dma_start3A_146 : memref<50xi32, #tpu.memory_space<vmem>>) semaphore(%run_scoped3A_139 : memref<!tpu.dma_semaphore, #tpu.memory_space<semaphore_mem>>) {add = true}
      %dma_wait3A_150 = arith.constant 0 : i32
      %dma_wait3A_151 = arith.constant 0 : i32
      %dma_wait3A_152 = tpu.memref_slice %arg9[%run_scoped3A_132, %dma_wait3A_150, %dma_wait3A_151] : memref<4x50x128xf32, #tpu.memory_space<vmem>> -> memref<1x50x128xf32, #tpu.memory_space<vmem>>
      %dma_wait3A_153 = tpu.memref_squeeze %dma_wait3A_152 : memref<1x50x128xf32, #tpu.memory_space<vmem>> -> memref<50x128xf32, #tpu.memory_space<vmem>>
      %dma_wait3A_154 = arith.constant 0 : i32
      %dma_wait3A_155 = tpu.memref_slice %arg8[%run_scoped3A_133, %dma_wait3A_154] : memref<200x50xi32, #tpu.memory_space<vmem>> -> memref<1x50xi32, #tpu.memory_space<vmem>>
      %dma_wait3A_156 = tpu.memref_squeeze %dma_wait3A_155 : memref<1x50xi32, #tpu.memory_space<vmem>> -> memref<50xi32, #tpu.memory_space<vmem>>
      %dma_wait3A_157 = arith.constant 0 : i32
      %dma_wait3A_158 = arith.constant 0 : i32
      %dma_wait3A_159 = tpu.memref_slice %arg10[%dma_wait3A_157, %dma_wait3A_158] : memref<10000x128xf32, #tpu.memory_space<vmem_shared>> -> memref<10000x128xf32, #tpu.memory_space<vmem_shared>>
      tpu.wait_indirect_dma semaphore(%run_scoped3A_139 : memref<!tpu.dma_semaphore, #tpu.memory_space<semaphore_mem>>) src(%dma_wait3A_153 : memref<50x128xf32, #tpu.memory_space<vmem>>) dst(%dma_wait3A_159 : memref<10000x128xf32, #tpu.memory_space<vmem_shared>>)
      tpu.yield
    }) : () -> ()
    %barrier3A_134 = arith.constant 0 : index
    tpu.barrier barrier_id(%barrier3A_134)
    %mul3A_135 = arith.constant 625 : i32
    %mul3A_136 = arith.muli %arg1, %mul3A_135 : i32
    %mul3A_137 = arith.constant 625 : i32
    %mul3A_138 = arith.muli %arg1, %mul3A_137 : i32
    "tpu.region"() ({
      %run_scoped3A_139 = tpu.sem_alloc : memref<!tpu.dma_semaphore, #tpu.memory_space<semaphore_mem>>
      %dma_start3A_140 = arith.constant 0 : i32
      %dma_start3A_141 = tpu.memref_slice %arg6[%arg0, %mul3A_138, %dma_start3A_140] : memref<2x10000x128xf32, #tpu.memory_space<hbm>> -> memref<1x625x128xf32, #tpu.memory_space<hbm>>
      %dma_start3A_142 = tpu.memref_squeeze %dma_start3A_141 : memref<1x625x128xf32, #tpu.memory_space<hbm>> -> memref<625x128xf32, #tpu.memory_space<hbm>>
      %dma_start3A_143 = arith.constant 0 : i32
      %dma_start3A_144 = tpu.memref_slice %arg10[%mul3A_136, %dma_start3A_143] : memref<10000x128xf32, #tpu.memory_space<vmem_shared>> -> memref<625x128xf32, #tpu.memory_space<vmem_shared>>
      tpu.enqueue_dma source(%dma_start3A_144 : memref<625x128xf32, #tpu.memory_space<vmem_shared>>) target(%dma_start3A_142 : memref<625x128xf32, #tpu.memory_space<hbm>>) target_semaphore(%run_scoped3A_139 : memref<!tpu.dma_semaphore, #tpu.memory_space<semaphore_mem>>)
      %dma_wait3A_145 = arith.constant 0 : i32
      %dma_wait3A_146 = tpu.memref_slice %arg6[%arg0, %mul3A_138, %dma_wait3A_145] : memref<2x10000x128xf32, #tpu.memory_space<hbm>> -> memref<1x625x128xf32, #tpu.memory_space<hbm>>
      %dma_wait3A_147 = tpu.memref_squeeze %dma_wait3A_146 : memref<1x625x128xf32, #tpu.memory_space<hbm>> -> memref<625x128xf32, #tpu.memory_space<hbm>>
      %dma_wait3A_148 = arith.constant 0 : i32
      %dma_wait3A_149 = tpu.memref_slice %arg10[%mul3A_136, %dma_wait3A_148] : memref<10000x128xf32, #tpu.memory_space<vmem_shared>> -> memref<625x128xf32, #tpu.memory_space<vmem_shared>>
      tpu.wait_dma2 semaphore(%run_scoped3A_139 : memref<!tpu.dma_semaphore, #tpu.memory_space<semaphore_mem>>) src(%dma_wait3A_149 : memref<625x128xf32, #tpu.memory_space<vmem_shared>>) dst(%dma_wait3A_147 : memref<625x128xf32, #tpu.memory_space<hbm>>)
      tpu.yield
    }) : () -> ()
    return
  }
}

#map = affine_map<(d0, d1) -> (0, 0)>
#map1 = affine_map<(d0, d1) -> (0, 0, 0)>
module attributes {stable_mosaic.version = 14 : i64} {
  func.func @_sc_agg_body(%arg0: i32, %arg1: i32, %arg2: memref<10000x128xf32, #tpu.memory_space<hbm>>, %arg3: memref<32x200x50xi32, #tpu.memory_space<hbm>>, %arg4: memref<32x200x50xi32, #tpu.memory_space<hbm>>, %arg5: memref<10000x128xf32, #tpu.memory_space<hbm>>, %arg6: memref<2x10000x128xf32, #tpu.memory_space<hbm>>, %arg7: memref<200x50xi32, #tpu.memory_space<vmem>>, %arg8: memref<200x50xi32, #tpu.memory_space<vmem>>, %arg9: memref<4x50x128xf32, #tpu.memory_space<vmem>>, %arg10: memref<10000x128xf32, #tpu.memory_space<vmem_shared>>, %arg11: memref<4x!tpu.dma_semaphore, #tpu.memory_space<semaphore_mem>>) attributes {dimension_semantics = [#tpu.dimension_semantics<core_parallel>, #tpu.dimension_semantics<subcore_parallel>], iteration_bounds = array<i64: 2, 16>, scalar_prefetch = 0 : i64, scratch_operands = 5 : i64, tpu.core_type = #tpu.core_type<sc_vector_subcore>, window_params = [{transform_indices = #map}, {transform_indices = #map1}, {transform_indices = #map1}, {transform_indices = #map}, {transform_indices = #map1}]} {
    %mul3A = arith.constant 16 : i32
    %mul3A_0 = arith.muli %arg0, %mul3A : i32
    %add3A = arith.addi %mul3A_0, %arg1 : i32
    "tpu.region"() ({
      %run_scoped3A_139 = tpu.sem_alloc : memref<!tpu.dma_semaphore, #tpu.memory_space<semaphore_mem>>
      %dma_start3A_140 = arith.constant 0 : i32
      %dma_start3A_141 = arith.constant 0 : i32
      %dma_start3A_142 = tpu.memref_slice %arg3[%add3A, %dma_start3A_140, %dma_start3A_141] : memref<32x200x50xi32, #tpu.memory_space<hbm>> -> memref<1x200x50xi32, #tpu.memory_space<hbm>>
      %dma_start3A_143 = tpu.memref_squeeze %dma_start3A_142 : memref<1x200x50xi32, #tpu.memory_space<hbm>> -> memref<200x50xi32, #tpu.memory_space<hbm>>
      %dma_start3A_144 = arith.constant 0 : i32
      %dma_start3A_145 = arith.constant 0 : i32
      %dma_start3A_146 = tpu.memref_slice %arg3[%add3A, %dma_start3A_144, %dma_start3A_145] : memref<32x200x50xi32, #tpu.memory_space<hbm>> -> memref<1x200x50xi32, #tpu.memory_space<hbm>>
      %dma_start3A_147 = tpu.memref_squeeze %dma_start3A_146 : memref<1x200x50xi32, #tpu.memory_space<hbm>> -> memref<200x50xi32, #tpu.memory_space<hbm>>
      tpu.enqueue_dma source(%dma_start3A_147 : memref<200x50xi32, #tpu.memory_space<hbm>>) target(%arg7 : memref<200x50xi32, #tpu.memory_space<vmem>>) target_semaphore(%run_scoped3A_139 : memref<!tpu.dma_semaphore, #tpu.memory_space<semaphore_mem>>)
      %dma_wait3A_148 = arith.constant 0 : i32
      %dma_wait3A_149 = arith.constant 0 : i32
      %dma_wait3A_150 = tpu.memref_slice %arg3[%add3A, %dma_wait3A_148, %dma_wait3A_149] : memref<32x200x50xi32, #tpu.memory_space<hbm>> -> memref<1x200x50xi32, #tpu.memory_space<hbm>>
      %dma_wait3A_151 = tpu.memref_squeeze %dma_wait3A_150 : memref<1x200x50xi32, #tpu.memory_space<hbm>> -> memref<200x50xi32, #tpu.memory_space<hbm>>
      %dma_wait3A_152 = arith.constant 0 : i32
      %dma_wait3A_153 = arith.constant 0 : i32
      %dma_wait3A_154 = tpu.memref_slice %arg3[%add3A, %dma_wait3A_152, %dma_wait3A_153] : memref<32x200x50xi32, #tpu.memory_space<hbm>> -> memref<1x200x50xi32, #tpu.memory_space<hbm>>
      %dma_wait3A_155 = tpu.memref_squeeze %dma_wait3A_154 : memref<1x200x50xi32, #tpu.memory_space<hbm>> -> memref<200x50xi32, #tpu.memory_space<hbm>>
      tpu.wait_dma2 semaphore(%run_scoped3A_139 : memref<!tpu.dma_semaphore, #tpu.memory_space<semaphore_mem>>) src(%dma_wait3A_155 : memref<200x50xi32, #tpu.memory_space<hbm>>) dst(%arg7 : memref<200x50xi32, #tpu.memory_space<vmem>>)
      tpu.yield
    }) : () -> ()
    "tpu.region"() ({
      %run_scoped3A_139 = tpu.sem_alloc : memref<!tpu.dma_semaphore, #tpu.memory_space<semaphore_mem>>
      %dma_start3A_140 = arith.constant 0 : i32
      %dma_start3A_141 = arith.constant 0 : i32
      %dma_start3A_142 = tpu.memref_slice %arg4[%add3A, %dma_start3A_140, %dma_start3A_141] : memref<32x200x50xi32, #tpu.memory_space<hbm>> -> memref<1x200x50xi32, #tpu.memory_space<hbm>>
      %dma_start3A_143 = tpu.memref_squeeze %dma_start3A_142 : memref<1x200x50xi32, #tpu.memory_space<hbm>> -> memref<200x50xi32, #tpu.memory_space<hbm>>
      %dma_start3A_144 = arith.constant 0 : i32
      %dma_start3A_145 = arith.constant 0 : i32
      %dma_start3A_146 = tpu.memref_slice %arg4[%add3A, %dma_start3A_144, %dma_start3A_145] : memref<32x200x50xi32, #tpu.memory_space<hbm>> -> memref<1x200x50xi32, #tpu.memory_space<hbm>>
      %dma_start3A_147 = tpu.memref_squeeze %dma_start3A_146 : memref<1x200x50xi32, #tpu.memory_space<hbm>> -> memref<200x50xi32, #tpu.memory_space<hbm>>
      tpu.enqueue_dma source(%dma_start3A_147 : memref<200x50xi32, #tpu.memory_space<hbm>>) target(%arg8 : memref<200x50xi32, #tpu.memory_space<vmem>>) target_semaphore(%run_scoped3A_139 : memref<!tpu.dma_semaphore, #tpu.memory_space<semaphore_mem>>)
      %dma_wait3A_148 = arith.constant 0 : i32
      %dma_wait3A_149 = arith.constant 0 : i32
      %dma_wait3A_150 = tpu.memref_slice %arg4[%add3A, %dma_wait3A_148, %dma_wait3A_149] : memref<32x200x50xi32, #tpu.memory_space<hbm>> -> memref<1x200x50xi32, #tpu.memory_space<hbm>>
      %dma_wait3A_151 = tpu.memref_squeeze %dma_wait3A_150 : memref<1x200x50xi32, #tpu.memory_space<hbm>> -> memref<200x50xi32, #tpu.memory_space<hbm>>
      %dma_wait3A_152 = arith.constant 0 : i32
      %dma_wait3A_153 = arith.constant 0 : i32
      %dma_wait3A_154 = tpu.memref_slice %arg4[%add3A, %dma_wait3A_152, %dma_wait3A_153] : memref<32x200x50xi32, #tpu.memory_space<hbm>> -> memref<1x200x50xi32, #tpu.memory_space<hbm>>
      %dma_wait3A_155 = tpu.memref_squeeze %dma_wait3A_154 : memref<1x200x50xi32, #tpu.memory_space<hbm>> -> memref<200x50xi32, #tpu.memory_space<hbm>>
      tpu.wait_dma2 semaphore(%run_scoped3A_139 : memref<!tpu.dma_semaphore, #tpu.memory_space<semaphore_mem>>) src(%dma_wait3A_155 : memref<200x50xi32, #tpu.memory_space<hbm>>) dst(%arg8 : memref<200x50xi32, #tpu.memory_space<vmem>>)
      tpu.yield
    }) : () -> ()
    %dma_start3A = arith.constant 0 : i32
    %dma_start3A_1 = arith.constant 0 : i32
    %dma_start3A_2 = arith.constant 0 : i32
    %dma_start3A_3 = arith.constant 0 : i32
    %dma_start3A_4 = arith.constant 0 : i32
    %dma_start3A_5 = tpu.memref_slice %arg9[%dma_start3A_1, %dma_start3A_3, %dma_start3A_4] : memref<4x50x128xf32, #tpu.memory_space<vmem>> -> memref<1x50x128xf32, #tpu.memory_space<vmem>>
    %dma_start3A_6 = tpu.memref_squeeze %dma_start3A_5 : memref<1x50x128xf32, #tpu.memory_space<vmem>> -> memref<50x128xf32, #tpu.memory_space<vmem>>
    %dma_start3A_7 = arith.constant 0 : i32
    %dma_start3A_8 = tpu.memref_slice %arg7[%dma_start3A, %dma_start3A_7] : memref<200x50xi32, #tpu.memory_space<vmem>> -> memref<1x50xi32, #tpu.memory_space<vmem>>
    %dma_start3A_9 = tpu.memref_squeeze %dma_start3A_8 : memref<1x50xi32, #tpu.memory_space<vmem>> -> memref<50xi32, #tpu.memory_space<vmem>>
    %dma_start3A_10 = arith.constant 0 : i32
    %dma_start3A_11 = arith.constant 0 : i32
    %dma_start3A_12 = tpu.memref_slice %arg2[%dma_start3A_10, %dma_start3A_11] : memref<10000x128xf32, #tpu.memory_space<hbm>> -> memref<10000x128xf32, #tpu.memory_space<hbm>>
    %dma_start3A_13 = tpu.memref_slice %arg11[%dma_start3A_2] : memref<4x!tpu.dma_semaphore, #tpu.memory_space<semaphore_mem>> -> memref<1x!tpu.dma_semaphore, #tpu.memory_space<semaphore_mem>>
    %dma_start3A_14 = tpu.memref_squeeze %dma_start3A_13 : memref<1x!tpu.dma_semaphore, #tpu.memory_space<semaphore_mem>> -> memref<!tpu.dma_semaphore, #tpu.memory_space<semaphore_mem>>
    tpu.enqueue_indirect_dma source(%dma_start3A_12 : memref<10000x128xf32, #tpu.memory_space<hbm>>) target(%dma_start3A_6 : memref<50x128xf32, #tpu.memory_space<vmem>>) offsets(%dma_start3A_9 : memref<50xi32, #tpu.memory_space<vmem>>) semaphore(%dma_start3A_14 : memref<!tpu.dma_semaphore, #tpu.memory_space<semaphore_mem>>)
    %dma_start3A_15 = arith.constant 1 : i32
    %dma_start3A_16 = arith.constant 1 : i32
    %dma_start3A_17 = arith.constant 1 : i32
    %dma_start3A_18 = arith.constant 0 : i32
    %dma_start3A_19 = arith.constant 0 : i32
    %dma_start3A_20 = tpu.memref_slice %arg9[%dma_start3A_16, %dma_start3A_18, %dma_start3A_19] : memref<4x50x128xf32, #tpu.memory_space<vmem>> -> memref<1x50x128xf32, #tpu.memory_space<vmem>>
    %dma_start3A_21 = tpu.memref_squeeze %dma_start3A_20 : memref<1x50x128xf32, #tpu.memory_space<vmem>> -> memref<50x128xf32, #tpu.memory_space<vmem>>
    %dma_start3A_22 = arith.constant 0 : i32
    %dma_start3A_23 = tpu.memref_slice %arg7[%dma_start3A_15, %dma_start3A_22] : memref<200x50xi32, #tpu.memory_space<vmem>> -> memref<1x50xi32, #tpu.memory_space<vmem>>
    %dma_start3A_24 = tpu.memref_squeeze %dma_start3A_23 : memref<1x50xi32, #tpu.memory_space<vmem>> -> memref<50xi32, #tpu.memory_space<vmem>>
    %dma_start3A_25 = arith.constant 0 : i32
    %dma_start3A_26 = arith.constant 0 : i32
    %dma_start3A_27 = tpu.memref_slice %arg2[%dma_start3A_25, %dma_start3A_26] : memref<10000x128xf32, #tpu.memory_space<hbm>> -> memref<10000x128xf32, #tpu.memory_space<hbm>>
    %dma_start3A_28 = tpu.memref_slice %arg11[%dma_start3A_17] : memref<4x!tpu.dma_semaphore, #tpu.memory_space<semaphore_mem>> -> memref<1x!tpu.dma_semaphore, #tpu.memory_space<semaphore_mem>>
    %dma_start3A_29 = tpu.memref_squeeze %dma_start3A_28 : memref<1x!tpu.dma_semaphore, #tpu.memory_space<semaphore_mem>> -> memref<!tpu.dma_semaphore, #tpu.memory_space<semaphore_mem>>
    tpu.enqueue_indirect_dma source(%dma_start3A_27 : memref<10000x128xf32, #tpu.memory_space<hbm>>) target(%dma_start3A_21 : memref<50x128xf32, #tpu.memory_space<vmem>>) offsets(%dma_start3A_24 : memref<50xi32, #tpu.memory_space<vmem>>) semaphore(%dma_start3A_29 : memref<!tpu.dma_semaphore, #tpu.memory_space<semaphore_mem>>)
    %dma_start3A_30 = arith.constant 2 : i32
    %dma_start3A_31 = arith.constant 2 : i32
    %dma_start3A_32 = arith.constant 2 : i32
    %dma_start3A_33 = arith.constant 0 : i32
    %dma_start3A_34 = arith.constant 0 : i32
    %dma_start3A_35 = tpu.memref_slice %arg9[%dma_start3A_31, %dma_start3A_33, %dma_start3A_34] : memref<4x50x128xf32, #tpu.memory_space<vmem>> -> memref<1x50x128xf32, #tpu.memory_space<vmem>>
    %dma_start3A_36 = tpu.memref_squeeze %dma_start3A_35 : memref<1x50x128xf32, #tpu.memory_space<vmem>> -> memref<50x128xf32, #tpu.memory_space<vmem>>
    %dma_start3A_37 = arith.constant 0 : i32
    %dma_start3A_38 = tpu.memref_slice %arg7[%dma_start3A_30, %dma_start3A_37] : memref<200x50xi32, #tpu.memory_space<vmem>> -> memref<1x50xi32, #tpu.memory_space<vmem>>
    %dma_start3A_39 = tpu.memref_squeeze %dma_start3A_38 : memref<1x50xi32, #tpu.memory_space<vmem>> -> memref<50xi32, #tpu.memory_space<vmem>>
    %dma_start3A_40 = arith.constant 0 : i32
    %dma_start3A_41 = arith.constant 0 : i32
    %dma_start3A_42 = tpu.memref_slice %arg2[%dma_start3A_40, %dma_start3A_41] : memref<10000x128xf32, #tpu.memory_space<hbm>> -> memref<10000x128xf32, #tpu.memory_space<hbm>>
    %dma_start3A_43 = tpu.memref_slice %arg11[%dma_start3A_32] : memref<4x!tpu.dma_semaphore, #tpu.memory_space<semaphore_mem>> -> memref<1x!tpu.dma_semaphore, #tpu.memory_space<semaphore_mem>>
    %dma_start3A_44 = tpu.memref_squeeze %dma_start3A_43 : memref<1x!tpu.dma_semaphore, #tpu.memory_space<semaphore_mem>> -> memref<!tpu.dma_semaphore, #tpu.memory_space<semaphore_mem>>
    tpu.enqueue_indirect_dma source(%dma_start3A_42 : memref<10000x128xf32, #tpu.memory_space<hbm>>) target(%dma_start3A_36 : memref<50x128xf32, #tpu.memory_space<vmem>>) offsets(%dma_start3A_39 : memref<50xi32, #tpu.memory_space<vmem>>) semaphore(%dma_start3A_44 : memref<!tpu.dma_semaphore, #tpu.memory_space<semaphore_mem>>)
    %dma_start3A_45 = arith.constant 3 : i32
    %dma_start3A_46 = arith.constant 3 : i32
    %dma_start3A_47 = arith.constant 3 : i32
    %dma_start3A_48 = arith.constant 0 : i32
    %dma_start3A_49 = arith.constant 0 : i32
    %dma_start3A_50 = tpu.memref_slice %arg9[%dma_start3A_46, %dma_start3A_48, %dma_start3A_49] : memref<4x50x128xf32, #tpu.memory_space<vmem>> -> memref<1x50x128xf32, #tpu.memory_space<vmem>>
    %dma_start3A_51 = tpu.memref_squeeze %dma_start3A_50 : memref<1x50x128xf32, #tpu.memory_space<vmem>> -> memref<50x128xf32, #tpu.memory_space<vmem>>
    %dma_start3A_52 = arith.constant 0 : i32
    %dma_start3A_53 = tpu.memref_slice %arg7[%dma_start3A_45, %dma_start3A_52] : memref<200x50xi32, #tpu.memory_space<vmem>> -> memref<1x50xi32, #tpu.memory_space<vmem>>
    %dma_start3A_54 = tpu.memref_squeeze %dma_start3A_53 : memref<1x50xi32, #tpu.memory_space<vmem>> -> memref<50xi32, #tpu.memory_space<vmem>>
    %dma_start3A_55 = arith.constant 0 : i32
    %dma_start3A_56 = arith.constant 0 : i32
    %dma_start3A_57 = tpu.memref_slice %arg2[%dma_start3A_55, %dma_start3A_56] : memref<10000x128xf32, #tpu.memory_space<hbm>> -> memref<10000x128xf32, #tpu.memory_space<hbm>>
    %dma_start3A_58 = tpu.memref_slice %arg11[%dma_start3A_47] : memref<4x!tpu.dma_semaphore, #tpu.memory_space<semaphore_mem>> -> memref<1x!tpu.dma_semaphore, #tpu.memory_space<semaphore_mem>>
    %dma_start3A_59 = tpu.memref_squeeze %dma_start3A_58 : memref<1x!tpu.dma_semaphore, #tpu.memory_space<semaphore_mem>> -> memref<!tpu.dma_semaphore, #tpu.memory_space<semaphore_mem>>
    tpu.enqueue_indirect_dma source(%dma_start3A_57 : memref<10000x128xf32, #tpu.memory_space<hbm>>) target(%dma_start3A_51 : memref<50x128xf32, #tpu.memory_space<vmem>>) offsets(%dma_start3A_54 : memref<50xi32, #tpu.memory_space<vmem>>) semaphore(%dma_start3A_59 : memref<!tpu.dma_semaphore, #tpu.memory_space<semaphore_mem>>)
    %mul3A_60 = arith.constant 625 : i32
    %mul3A_61 = arith.muli %arg1, %mul3A_60 : i32
    %mul3A_62 = arith.constant 625 : i32
    %mul3A_63 = arith.muli %arg1, %mul3A_62 : i32
    "tpu.region"() ({
      %run_scoped3A_139 = tpu.sem_alloc : memref<!tpu.dma_semaphore, #tpu.memory_space<semaphore_mem>>
      %dma_start3A_140 = arith.constant 0 : i32
      %dma_start3A_141 = tpu.memref_slice %arg10[%mul3A_63, %dma_start3A_140] : memref<10000x128xf32, #tpu.memory_space<vmem_shared>> -> memref<625x128xf32, #tpu.memory_space<vmem_shared>>
      %dma_start3A_142 = arith.constant 0 : i32
      %dma_start3A_143 = tpu.memref_slice %arg5[%mul3A_61, %dma_start3A_142] : memref<10000x128xf32, #tpu.memory_space<hbm>> -> memref<625x128xf32, #tpu.memory_space<hbm>>
      tpu.enqueue_dma source(%dma_start3A_143 : memref<625x128xf32, #tpu.memory_space<hbm>>) target(%dma_start3A_141 : memref<625x128xf32, #tpu.memory_space<vmem_shared>>) target_semaphore(%run_scoped3A_139 : memref<!tpu.dma_semaphore, #tpu.memory_space<semaphore_mem>>)
      %dma_wait3A_144 = arith.constant 0 : i32
      %dma_wait3A_145 = tpu.memref_slice %arg10[%mul3A_63, %dma_wait3A_144] : memref<10000x128xf32, #tpu.memory_space<vmem_shared>> -> memref<625x128xf32, #tpu.memory_space<vmem_shared>>
      %dma_wait3A_146 = arith.constant 0 : i32
      %dma_wait3A_147 = tpu.memref_slice %arg5[%mul3A_61, %dma_wait3A_146] : memref<10000x128xf32, #tpu.memory_space<hbm>> -> memref<625x128xf32, #tpu.memory_space<hbm>>
      tpu.wait_dma2 semaphore(%run_scoped3A_139 : memref<!tpu.dma_semaphore, #tpu.memory_space<semaphore_mem>>) src(%dma_wait3A_147 : memref<625x128xf32, #tpu.memory_space<hbm>>) dst(%dma_wait3A_145 : memref<625x128xf32, #tpu.memory_space<vmem_shared>>)
      tpu.yield
    }) : () -> ()
    %barrier3A = arith.constant 0 : index
    tpu.barrier barrier_id(%barrier3A)
    %scan3A = arith.constant 0 : i32
    %scan3A_64 = arith.constant 49 : i32
    %scan3A_65 = arith.addi %scan3A, %scan3A_64 : i32
    %scan3A_66 = arith.constant 1 : i32
    scf.for %scan3A_139 = %scan3A to %scan3A_65 step %scan3A_66  : i32 {
      %mul3A_140 = arith.constant 4 : i32
      %mul3A_141 = arith.muli %scan3A_139, %mul3A_140 : i32
      %add3A_142 = arith.constant 0 : i32
      %add3A_143 = arith.addi %add3A_142, %mul3A_141 : i32
      %dma_wait3A_144 = arith.constant 0 : i32
      %dma_wait3A_145 = arith.constant 0 : i32
      %dma_wait3A_146 = arith.constant 0 : i32
      %dma_wait3A_147 = arith.constant 0 : i32
      %dma_wait3A_148 = arith.constant 0 : i32
      %dma_wait3A_149 = tpu.memref_slice %arg9[%dma_wait3A_145, %dma_wait3A_147, %dma_wait3A_148] : memref<4x50x128xf32, #tpu.memory_space<vmem>> -> memref<1x50x128xf32, #tpu.memory_space<vmem>>
      %dma_wait3A_150 = tpu.memref_squeeze %dma_wait3A_149 : memref<1x50x128xf32, #tpu.memory_space<vmem>> -> memref<50x128xf32, #tpu.memory_space<vmem>>
      %dma_wait3A_151 = arith.constant 0 : i32
      %dma_wait3A_152 = tpu.memref_slice %arg7[%dma_wait3A_144, %dma_wait3A_151] : memref<200x50xi32, #tpu.memory_space<vmem>> -> memref<1x50xi32, #tpu.memory_space<vmem>>
      %dma_wait3A_153 = tpu.memref_squeeze %dma_wait3A_152 : memref<1x50xi32, #tpu.memory_space<vmem>> -> memref<50xi32, #tpu.memory_space<vmem>>
      %dma_wait3A_154 = arith.constant 0 : i32
      %dma_wait3A_155 = arith.constant 0 : i32
      %dma_wait3A_156 = tpu.memref_slice %arg2[%dma_wait3A_154, %dma_wait3A_155] : memref<10000x128xf32, #tpu.memory_space<hbm>> -> memref<10000x128xf32, #tpu.memory_space<hbm>>
      %dma_wait3A_157 = tpu.memref_slice %arg11[%dma_wait3A_146] : memref<4x!tpu.dma_semaphore, #tpu.memory_space<semaphore_mem>> -> memref<1x!tpu.dma_semaphore, #tpu.memory_space<semaphore_mem>>
      %dma_wait3A_158 = tpu.memref_squeeze %dma_wait3A_157 : memref<1x!tpu.dma_semaphore, #tpu.memory_space<semaphore_mem>> -> memref<!tpu.dma_semaphore, #tpu.memory_space<semaphore_mem>>
      tpu.wait_indirect_dma semaphore(%dma_wait3A_158 : memref<!tpu.dma_semaphore, #tpu.memory_space<semaphore_mem>>) src(%dma_wait3A_156 : memref<10000x128xf32, #tpu.memory_space<hbm>>) dst(%dma_wait3A_150 : memref<50x128xf32, #tpu.memory_space<vmem>>)
      %add3A_159 = arith.constant 0 : i32
      %add3A_160 = arith.addi %add3A_143, %add3A_159 : i32
      %run_scoped3A_161 = arith.constant 0 : i32
      "tpu.region"() ({
        %run_scoped3A_288 = tpu.sem_alloc : memref<!tpu.dma_semaphore, #tpu.memory_space<semaphore_mem>>
        %dma_start3A_289 = arith.constant 0 : i32
        %dma_start3A_290 = arith.constant 0 : i32
        %dma_start3A_291 = tpu.memref_slice %arg9[%run_scoped3A_161, %dma_start3A_289, %dma_start3A_290] : memref<4x50x128xf32, #tpu.memory_space<vmem>> -> memref<1x50x128xf32, #tpu.memory_space<vmem>>
        %dma_start3A_292 = tpu.memref_squeeze %dma_start3A_291 : memref<1x50x128xf32, #tpu.memory_space<vmem>> -> memref<50x128xf32, #tpu.memory_space<vmem>>
        %dma_start3A_293 = arith.constant 0 : i32
        %dma_start3A_294 = tpu.memref_slice %arg8[%add3A_160, %dma_start3A_293] : memref<200x50xi32, #tpu.memory_space<vmem>> -> memref<1x50xi32, #tpu.memory_space<vmem>>
        %dma_start3A_295 = tpu.memref_squeeze %dma_start3A_294 : memref<1x50xi32, #tpu.memory_space<vmem>> -> memref<50xi32, #tpu.memory_space<vmem>>
        %dma_start3A_296 = arith.constant 0 : i32
        %dma_start3A_297 = arith.constant 0 : i32
        %dma_start3A_298 = tpu.memref_slice %arg10[%dma_start3A_296, %dma_start3A_297] : memref<10000x128xf32, #tpu.memory_space<vmem_shared>> -> memref<10000x128xf32, #tpu.memory_space<vmem_shared>>
        tpu.enqueue_indirect_dma source(%dma_start3A_292 : memref<50x128xf32, #tpu.memory_space<vmem>>) target(%dma_start3A_298 : memref<10000x128xf32, #tpu.memory_space<vmem_shared>>) offsets(%dma_start3A_295 : memref<50xi32, #tpu.memory_space<vmem>>) semaphore(%run_scoped3A_288 : memref<!tpu.dma_semaphore, #tpu.memory_space<semaphore_mem>>) {add = true}
        %dma_wait3A_299 = arith.constant 0 : i32
        %dma_wait3A_300 = arith.constant 0 : i32
        %dma_wait3A_301 = tpu.memref_slice %arg9[%run_scoped3A_161, %dma_wait3A_299, %dma_wait3A_300] : memref<4x50x128xf32, #tpu.memory_space<vmem>> -> memref<1x50x128xf32, #tpu.memory_space<vmem>>
        %dma_wait3A_302 = tpu.memref_squeeze %dma_wait3A_301 : memref<1x50x128xf32, #tpu.memory_space<vmem>> -> memref<50x128xf32, #tpu.memory_space<vmem>>
        %dma_wait3A_303 = arith.constant 0 : i32
        %dma_wait3A_304 = tpu.memref_slice %arg8[%add3A_160, %dma_wait3A_303] : memref<200x50xi32, #tpu.memory_space<vmem>> -> memref<1x50xi32, #tpu.memory_space<vmem>>
        %dma_wait3A_305 = tpu.memref_squeeze %dma_wait3A_304 : memref<1x50xi32, #tpu.memory_space<vmem>> -> memref<50xi32, #tpu.memory_space<vmem>>
        %dma_wait3A_306 = arith.constant 0 : i32
        %dma_wait3A_307 = arith.constant 0 : i32
        %dma_wait3A_308 = tpu.memref_slice %arg10[%dma_wait3A_306, %dma_wait3A_307] : memref<10000x128xf32, #tpu.memory_space<vmem_shared>> -> memref<10000x128xf32, #tpu.memory_space<vmem_shared>>
        tpu.wait_indirect_dma semaphore(%run_scoped3A_288 : memref<!tpu.dma_semaphore, #tpu.memory_space<semaphore_mem>>) src(%dma_wait3A_302 : memref<50x128xf32, #tpu.memory_space<vmem>>) dst(%dma_wait3A_308 : memref<10000x128xf32, #tpu.memory_space<vmem_shared>>)
        tpu.yield
      }) : () -> ()
      %add3A_162 = arith.constant 0 : i32
      %add3A_163 = arith.addi %add3A_143, %add3A_162 : i32
      %add3A_164 = arith.constant 4 : i32
      %add3A_165 = arith.addi %add3A_163, %add3A_164 : i32
      %dma_start3A_166 = arith.constant 0 : i32
      %dma_start3A_167 = arith.constant 0 : i32
      %dma_start3A_168 = arith.constant 0 : i32
      %dma_start3A_169 = arith.constant 0 : i32
      %dma_start3A_170 = tpu.memref_slice %arg9[%dma_start3A_166, %dma_start3A_168, %dma_start3A_169] : memref<4x50x128xf32, #tpu.memory_space<vmem>> -> memref<1x50x128xf32, #tpu.memory_space<vmem>>
      %dma_start3A_171 = tpu.memref_squeeze %dma_start3A_170 : memref<1x50x128xf32, #tpu.memory_space<vmem>> -> memref<50x128xf32, #tpu.memory_space<vmem>>
      %dma_start3A_172 = arith.constant 0 : i32
      %dma_start3A_173 = tpu.memref_slice %arg7[%add3A_165, %dma_start3A_172] : memref<200x50xi32, #tpu.memory_space<vmem>> -> memref<1x50xi32, #tpu.memory_space<vmem>>
      %dma_start3A_174 = tpu.memref_squeeze %dma_start3A_173 : memref<1x50xi32, #tpu.memory_space<vmem>> -> memref<50xi32, #tpu.memory_space<vmem>>
      %dma_start3A_175 = arith.constant 0 : i32
      %dma_start3A_176 = arith.constant 0 : i32
      %dma_start3A_177 = tpu.memref_slice %arg2[%dma_start3A_175, %dma_start3A_176] : memref<10000x128xf32, #tpu.memory_space<hbm>> -> memref<10000x128xf32, #tpu.memory_space<hbm>>
      %dma_start3A_178 = tpu.memref_slice %arg11[%dma_start3A_167] : memref<4x!tpu.dma_semaphore, #tpu.memory_space<semaphore_mem>> -> memref<1x!tpu.dma_semaphore, #tpu.memory_space<semaphore_mem>>
      %dma_start3A_179 = tpu.memref_squeeze %dma_start3A_178 : memref<1x!tpu.dma_semaphore, #tpu.memory_space<semaphore_mem>> -> memref<!tpu.dma_semaphore, #tpu.memory_space<semaphore_mem>>
      tpu.enqueue_indirect_dma source(%dma_start3A_177 : memref<10000x128xf32, #tpu.memory_space<hbm>>) target(%dma_start3A_171 : memref<50x128xf32, #tpu.memory_space<vmem>>) offsets(%dma_start3A_174 : memref<50xi32, #tpu.memory_space<vmem>>) semaphore(%dma_start3A_179 : memref<!tpu.dma_semaphore, #tpu.memory_space<semaphore_mem>>)
      %dma_wait3A_180 = arith.constant 0 : i32
      %dma_wait3A_181 = arith.constant 1 : i32
      %dma_wait3A_182 = arith.constant 1 : i32
      %dma_wait3A_183 = arith.constant 0 : i32
      %dma_wait3A_184 = arith.constant 0 : i32
      %dma_wait3A_185 = tpu.memref_slice %arg9[%dma_wait3A_181, %dma_wait3A_183, %dma_wait3A_184] : memref<4x50x128xf32, #tpu.memory_space<vmem>> -> memref<1x50x128xf32, #tpu.memory_space<vmem>>
      %dma_wait3A_186 = tpu.memref_squeeze %dma_wait3A_185 : memref<1x50x128xf32, #tpu.memory_space<vmem>> -> memref<50x128xf32, #tpu.memory_space<vmem>>
      %dma_wait3A_187 = arith.constant 0 : i32
      %dma_wait3A_188 = tpu.memref_slice %arg7[%dma_wait3A_180, %dma_wait3A_187] : memref<200x50xi32, #tpu.memory_space<vmem>> -> memref<1x50xi32, #tpu.memory_space<vmem>>
      %dma_wait3A_189 = tpu.memref_squeeze %dma_wait3A_188 : memref<1x50xi32, #tpu.memory_space<vmem>> -> memref<50xi32, #tpu.memory_space<vmem>>
      %dma_wait3A_190 = arith.constant 0 : i32
      %dma_wait3A_191 = arith.constant 0 : i32
      %dma_wait3A_192 = tpu.memref_slice %arg2[%dma_wait3A_190, %dma_wait3A_191] : memref<10000x128xf32, #tpu.memory_space<hbm>> -> memref<10000x128xf32, #tpu.memory_space<hbm>>
      %dma_wait3A_193 = tpu.memref_slice %arg11[%dma_wait3A_182] : memref<4x!tpu.dma_semaphore, #tpu.memory_space<semaphore_mem>> -> memref<1x!tpu.dma_semaphore, #tpu.memory_space<semaphore_mem>>
      %dma_wait3A_194 = tpu.memref_squeeze %dma_wait3A_193 : memref<1x!tpu.dma_semaphore, #tpu.memory_space<semaphore_mem>> -> memref<!tpu.dma_semaphore, #tpu.memory_space<semaphore_mem>>
      tpu.wait_indirect_dma semaphore(%dma_wait3A_194 : memref<!tpu.dma_semaphore, #tpu.memory_space<semaphore_mem>>) src(%dma_wait3A_192 : memref<10000x128xf32, #tpu.memory_space<hbm>>) dst(%dma_wait3A_186 : memref<50x128xf32, #tpu.memory_space<vmem>>)
      %add3A_195 = arith.constant 1 : i32
      %add3A_196 = arith.addi %add3A_143, %add3A_195 : i32
      %run_scoped3A_197 = arith.constant 1 : i32
      "tpu.region"() ({
        %run_scoped3A_288 = tpu.sem_alloc : memref<!tpu.dma_semaphore, #tpu.memory_space<semaphore_mem>>
        %dma_start3A_289 = arith.constant 0 : i32
        %dma_start3A_290 = arith.constant 0 : i32
        %dma_start3A_291 = tpu.memref_slice %arg9[%run_scoped3A_197, %dma_start3A_289, %dma_start3A_290] : memref<4x50x128xf32, #tpu.memory_space<vmem>> -> memref<1x50x128xf32, #tpu.memory_space<vmem>>
        %dma_start3A_292 = tpu.memref_squeeze %dma_start3A_291 : memref<1x50x128xf32, #tpu.memory_space<vmem>> -> memref<50x128xf32, #tpu.memory_space<vmem>>
        %dma_start3A_293 = arith.constant 0 : i32
        %dma_start3A_294 = tpu.memref_slice %arg8[%add3A_196, %dma_start3A_293] : memref<200x50xi32, #tpu.memory_space<vmem>> -> memref<1x50xi32, #tpu.memory_space<vmem>>
        %dma_start3A_295 = tpu.memref_squeeze %dma_start3A_294 : memref<1x50xi32, #tpu.memory_space<vmem>> -> memref<50xi32, #tpu.memory_space<vmem>>
        %dma_start3A_296 = arith.constant 0 : i32
        %dma_start3A_297 = arith.constant 0 : i32
        %dma_start3A_298 = tpu.memref_slice %arg10[%dma_start3A_296, %dma_start3A_297] : memref<10000x128xf32, #tpu.memory_space<vmem_shared>> -> memref<10000x128xf32, #tpu.memory_space<vmem_shared>>
        tpu.enqueue_indirect_dma source(%dma_start3A_292 : memref<50x128xf32, #tpu.memory_space<vmem>>) target(%dma_start3A_298 : memref<10000x128xf32, #tpu.memory_space<vmem_shared>>) offsets(%dma_start3A_295 : memref<50xi32, #tpu.memory_space<vmem>>) semaphore(%run_scoped3A_288 : memref<!tpu.dma_semaphore, #tpu.memory_space<semaphore_mem>>) {add = true}
        %dma_wait3A_299 = arith.constant 0 : i32
        %dma_wait3A_300 = arith.constant 0 : i32
        %dma_wait3A_301 = tpu.memref_slice %arg9[%run_scoped3A_197, %dma_wait3A_299, %dma_wait3A_300] : memref<4x50x128xf32, #tpu.memory_space<vmem>> -> memref<1x50x128xf32, #tpu.memory_space<vmem>>
        %dma_wait3A_302 = tpu.memref_squeeze %dma_wait3A_301 : memref<1x50x128xf32, #tpu.memory_space<vmem>> -> memref<50x128xf32, #tpu.memory_space<vmem>>
        %dma_wait3A_303 = arith.constant 0 : i32
        %dma_wait3A_304 = tpu.memref_slice %arg8[%add3A_196, %dma_wait3A_303] : memref<200x50xi32, #tpu.memory_space<vmem>> -> memref<1x50xi32, #tpu.memory_space<vmem>>
        %dma_wait3A_305 = tpu.memref_squeeze %dma_wait3A_304 : memref<1x50xi32, #tpu.memory_space<vmem>> -> memref<50xi32, #tpu.memory_space<vmem>>
        %dma_wait3A_306 = arith.constant 0 : i32
        %dma_wait3A_307 = arith.constant 0 : i32
        %dma_wait3A_308 = tpu.memref_slice %arg10[%dma_wait3A_306, %dma_wait3A_307] : memref<10000x128xf32, #tpu.memory_space<vmem_shared>> -> memref<10000x128xf32, #tpu.memory_space<vmem_shared>>
        tpu.wait_indirect_dma semaphore(%run_scoped3A_288 : memref<!tpu.dma_semaphore, #tpu.memory_space<semaphore_mem>>) src(%dma_wait3A_302 : memref<50x128xf32, #tpu.memory_space<vmem>>) dst(%dma_wait3A_308 : memref<10000x128xf32, #tpu.memory_space<vmem_shared>>)
        tpu.yield
      }) : () -> ()
      %add3A_198 = arith.constant 1 : i32
      %add3A_199 = arith.addi %add3A_143, %add3A_198 : i32
      %add3A_200 = arith.constant 4 : i32
      %add3A_201 = arith.addi %add3A_199, %add3A_200 : i32
      %dma_start3A_202 = arith.constant 1 : i32
      %dma_start3A_203 = arith.constant 1 : i32
      %dma_start3A_204 = arith.constant 0 : i32
      %dma_start3A_205 = arith.constant 0 : i32
      %dma_start3A_206 = tpu.memref_slice %arg9[%dma_start3A_202, %dma_start3A_204, %dma_start3A_205] : memref<4x50x128xf32, #tpu.memory_space<vmem>> -> memref<1x50x128xf32, #tpu.memory_space<vmem>>
      %dma_start3A_207 = tpu.memref_squeeze %dma_start3A_206 : memref<1x50x128xf32, #tpu.memory_space<vmem>> -> memref<50x128xf32, #tpu.memory_space<vmem>>
      %dma_start3A_208 = arith.constant 0 : i32
      %dma_start3A_209 = tpu.memref_slice %arg7[%add3A_201, %dma_start3A_208] : memref<200x50xi32, #tpu.memory_space<vmem>> -> memref<1x50xi32, #tpu.memory_space<vmem>>
      %dma_start3A_210 = tpu.memref_squeeze %dma_start3A_209 : memref<1x50xi32, #tpu.memory_space<vmem>> -> memref<50xi32, #tpu.memory_space<vmem>>
      %dma_start3A_211 = arith.constant 0 : i32
      %dma_start3A_212 = arith.constant 0 : i32
      %dma_start3A_213 = tpu.memref_slice %arg2[%dma_start3A_211, %dma_start3A_212] : memref<10000x128xf32, #tpu.memory_space<hbm>> -> memref<10000x128xf32, #tpu.memory_space<hbm>>
      %dma_start3A_214 = tpu.memref_slice %arg11[%dma_start3A_203] : memref<4x!tpu.dma_semaphore, #tpu.memory_space<semaphore_mem>> -> memref<1x!tpu.dma_semaphore, #tpu.memory_space<semaphore_mem>>
      %dma_start3A_215 = tpu.memref_squeeze %dma_start3A_214 : memref<1x!tpu.dma_semaphore, #tpu.memory_space<semaphore_mem>> -> memref<!tpu.dma_semaphore, #tpu.memory_space<semaphore_mem>>
      tpu.enqueue_indirect_dma source(%dma_start3A_213 : memref<10000x128xf32, #tpu.memory_space<hbm>>) target(%dma_start3A_207 : memref<50x128xf32, #tpu.memory_space<vmem>>) offsets(%dma_start3A_210 : memref<50xi32, #tpu.memory_space<vmem>>) semaphore(%dma_start3A_215 : memref<!tpu.dma_semaphore, #tpu.memory_space<semaphore_mem>>)
      %dma_wait3A_216 = arith.constant 0 : i32
      %dma_wait3A_217 = arith.constant 2 : i32
      %dma_wait3A_218 = arith.constant 2 : i32
      %dma_wait3A_219 = arith.constant 0 : i32
      %dma_wait3A_220 = arith.constant 0 : i32
      %dma_wait3A_221 = tpu.memref_slice %arg9[%dma_wait3A_217, %dma_wait3A_219, %dma_wait3A_220] : memref<4x50x128xf32, #tpu.memory_space<vmem>> -> memref<1x50x128xf32, #tpu.memory_space<vmem>>
      %dma_wait3A_222 = tpu.memref_squeeze %dma_wait3A_221 : memref<1x50x128xf32, #tpu.memory_space<vmem>> -> memref<50x128xf32, #tpu.memory_space<vmem>>
      %dma_wait3A_223 = arith.constant 0 : i32
      %dma_wait3A_224 = tpu.memref_slice %arg7[%dma_wait3A_216, %dma_wait3A_223] : memref<200x50xi32, #tpu.memory_space<vmem>> -> memref<1x50xi32, #tpu.memory_space<vmem>>
      %dma_wait3A_225 = tpu.memref_squeeze %dma_wait3A_224 : memref<1x50xi32, #tpu.memory_space<vmem>> -> memref<50xi32, #tpu.memory_space<vmem>>
      %dma_wait3A_226 = arith.constant 0 : i32
      %dma_wait3A_227 = arith.constant 0 : i32
      %dma_wait3A_228 = tpu.memref_slice %arg2[%dma_wait3A_226, %dma_wait3A_227] : memref<10000x128xf32, #tpu.memory_space<hbm>> -> memref<10000x128xf32, #tpu.memory_space<hbm>>
      %dma_wait3A_229 = tpu.memref_slice %arg11[%dma_wait3A_218] : memref<4x!tpu.dma_semaphore, #tpu.memory_space<semaphore_mem>> -> memref<1x!tpu.dma_semaphore, #tpu.memory_space<semaphore_mem>>
      %dma_wait3A_230 = tpu.memref_squeeze %dma_wait3A_229 : memref<1x!tpu.dma_semaphore, #tpu.memory_space<semaphore_mem>> -> memref<!tpu.dma_semaphore, #tpu.memory_space<semaphore_mem>>
      tpu.wait_indirect_dma semaphore(%dma_wait3A_230 : memref<!tpu.dma_semaphore, #tpu.memory_space<semaphore_mem>>) src(%dma_wait3A_228 : memref<10000x128xf32, #tpu.memory_space<hbm>>) dst(%dma_wait3A_222 : memref<50x128xf32, #tpu.memory_space<vmem>>)
      %add3A_231 = arith.constant 2 : i32
      %add3A_232 = arith.addi %add3A_143, %add3A_231 : i32
      %run_scoped3A_233 = arith.constant 2 : i32
      "tpu.region"() ({
        %run_scoped3A_288 = tpu.sem_alloc : memref<!tpu.dma_semaphore, #tpu.memory_space<semaphore_mem>>
        %dma_start3A_289 = arith.constant 0 : i32
        %dma_start3A_290 = arith.constant 0 : i32
        %dma_start3A_291 = tpu.memref_slice %arg9[%run_scoped3A_233, %dma_start3A_289, %dma_start3A_290] : memref<4x50x128xf32, #tpu.memory_space<vmem>> -> memref<1x50x128xf32, #tpu.memory_space<vmem>>
        %dma_start3A_292 = tpu.memref_squeeze %dma_start3A_291 : memref<1x50x128xf32, #tpu.memory_space<vmem>> -> memref<50x128xf32, #tpu.memory_space<vmem>>
        %dma_start3A_293 = arith.constant 0 : i32
        %dma_start3A_294 = tpu.memref_slice %arg8[%add3A_232, %dma_start3A_293] : memref<200x50xi32, #tpu.memory_space<vmem>> -> memref<1x50xi32, #tpu.memory_space<vmem>>
        %dma_start3A_295 = tpu.memref_squeeze %dma_start3A_294 : memref<1x50xi32, #tpu.memory_space<vmem>> -> memref<50xi32, #tpu.memory_space<vmem>>
        %dma_start3A_296 = arith.constant 0 : i32
        %dma_start3A_297 = arith.constant 0 : i32
        %dma_start3A_298 = tpu.memref_slice %arg10[%dma_start3A_296, %dma_start3A_297] : memref<10000x128xf32, #tpu.memory_space<vmem_shared>> -> memref<10000x128xf32, #tpu.memory_space<vmem_shared>>
        tpu.enqueue_indirect_dma source(%dma_start3A_292 : memref<50x128xf32, #tpu.memory_space<vmem>>) target(%dma_start3A_298 : memref<10000x128xf32, #tpu.memory_space<vmem_shared>>) offsets(%dma_start3A_295 : memref<50xi32, #tpu.memory_space<vmem>>) semaphore(%run_scoped3A_288 : memref<!tpu.dma_semaphore, #tpu.memory_space<semaphore_mem>>) {add = true}
        %dma_wait3A_299 = arith.constant 0 : i32
        %dma_wait3A_300 = arith.constant 0 : i32
        %dma_wait3A_301 = tpu.memref_slice %arg9[%run_scoped3A_233, %dma_wait3A_299, %dma_wait3A_300] : memref<4x50x128xf32, #tpu.memory_space<vmem>> -> memref<1x50x128xf32, #tpu.memory_space<vmem>>
        %dma_wait3A_302 = tpu.memref_squeeze %dma_wait3A_301 : memref<1x50x128xf32, #tpu.memory_space<vmem>> -> memref<50x128xf32, #tpu.memory_space<vmem>>
        %dma_wait3A_303 = arith.constant 0 : i32
        %dma_wait3A_304 = tpu.memref_slice %arg8[%add3A_232, %dma_wait3A_303] : memref<200x50xi32, #tpu.memory_space<vmem>> -> memref<1x50xi32, #tpu.memory_space<vmem>>
        %dma_wait3A_305 = tpu.memref_squeeze %dma_wait3A_304 : memref<1x50xi32, #tpu.memory_space<vmem>> -> memref<50xi32, #tpu.memory_space<vmem>>
        %dma_wait3A_306 = arith.constant 0 : i32
        %dma_wait3A_307 = arith.constant 0 : i32
        %dma_wait3A_308 = tpu.memref_slice %arg10[%dma_wait3A_306, %dma_wait3A_307] : memref<10000x128xf32, #tpu.memory_space<vmem_shared>> -> memref<10000x128xf32, #tpu.memory_space<vmem_shared>>
        tpu.wait_indirect_dma semaphore(%run_scoped3A_288 : memref<!tpu.dma_semaphore, #tpu.memory_space<semaphore_mem>>) src(%dma_wait3A_302 : memref<50x128xf32, #tpu.memory_space<vmem>>) dst(%dma_wait3A_308 : memref<10000x128xf32, #tpu.memory_space<vmem_shared>>)
        tpu.yield
      }) : () -> ()
      %add3A_234 = arith.constant 2 : i32
      %add3A_235 = arith.addi %add3A_143, %add3A_234 : i32
      %add3A_236 = arith.constant 4 : i32
      %add3A_237 = arith.addi %add3A_235, %add3A_236 : i32
      %dma_start3A_238 = arith.constant 2 : i32
      %dma_start3A_239 = arith.constant 2 : i32
      %dma_start3A_240 = arith.constant 0 : i32
      %dma_start3A_241 = arith.constant 0 : i32
      %dma_start3A_242 = tpu.memref_slice %arg9[%dma_start3A_238, %dma_start3A_240, %dma_start3A_241] : memref<4x50x128xf32, #tpu.memory_space<vmem>> -> memref<1x50x128xf32, #tpu.memory_space<vmem>>
      %dma_start3A_243 = tpu.memref_squeeze %dma_start3A_242 : memref<1x50x128xf32, #tpu.memory_space<vmem>> -> memref<50x128xf32, #tpu.memory_space<vmem>>
      %dma_start3A_244 = arith.constant 0 : i32
      %dma_start3A_245 = tpu.memref_slice %arg7[%add3A_237, %dma_start3A_244] : memref<200x50xi32, #tpu.memory_space<vmem>> -> memref<1x50xi32, #tpu.memory_space<vmem>>
      %dma_start3A_246 = tpu.memref_squeeze %dma_start3A_245 : memref<1x50xi32, #tpu.memory_space<vmem>> -> memref<50xi32, #tpu.memory_space<vmem>>
      %dma_start3A_247 = arith.constant 0 : i32
      %dma_start3A_248 = arith.constant 0 : i32
      %dma_start3A_249 = tpu.memref_slice %arg2[%dma_start3A_247, %dma_start3A_248] : memref<10000x128xf32, #tpu.memory_space<hbm>> -> memref<10000x128xf32, #tpu.memory_space<hbm>>
      %dma_start3A_250 = tpu.memref_slice %arg11[%dma_start3A_239] : memref<4x!tpu.dma_semaphore, #tpu.memory_space<semaphore_mem>> -> memref<1x!tpu.dma_semaphore, #tpu.memory_space<semaphore_mem>>
      %dma_start3A_251 = tpu.memref_squeeze %dma_start3A_250 : memref<1x!tpu.dma_semaphore, #tpu.memory_space<semaphore_mem>> -> memref<!tpu.dma_semaphore, #tpu.memory_space<semaphore_mem>>
      tpu.enqueue_indirect_dma source(%dma_start3A_249 : memref<10000x128xf32, #tpu.memory_space<hbm>>) target(%dma_start3A_243 : memref<50x128xf32, #tpu.memory_space<vmem>>) offsets(%dma_start3A_246 : memref<50xi32, #tpu.memory_space<vmem>>) semaphore(%dma_start3A_251 : memref<!tpu.dma_semaphore, #tpu.memory_space<semaphore_mem>>)
      %dma_wait3A_252 = arith.constant 0 : i32
      %dma_wait3A_253 = arith.constant 3 : i32
      %dma_wait3A_254 = arith.constant 3 : i32
      %dma_wait3A_255 = arith.constant 0 : i32
      %dma_wait3A_256 = arith.constant 0 : i32
      %dma_wait3A_257 = tpu.memref_slice %arg9[%dma_wait3A_253, %dma_wait3A_255, %dma_wait3A_256] : memref<4x50x128xf32, #tpu.memory_space<vmem>> -> memref<1x50x128xf32, #tpu.memory_space<vmem>>
      %dma_wait3A_258 = tpu.memref_squeeze %dma_wait3A_257 : memref<1x50x128xf32, #tpu.memory_space<vmem>> -> memref<50x128xf32, #tpu.memory_space<vmem>>
      %dma_wait3A_259 = arith.constant 0 : i32
      %dma_wait3A_260 = tpu.memref_slice %arg7[%dma_wait3A_252, %dma_wait3A_259] : memref<200x50xi32, #tpu.memory_space<vmem>> -> memref<1x50xi32, #tpu.memory_space<vmem>>
      %dma_wait3A_261 = tpu.memref_squeeze %dma_wait3A_260 : memref<1x50xi32, #tpu.memory_space<vmem>> -> memref<50xi32, #tpu.memory_space<vmem>>
      %dma_wait3A_262 = arith.constant 0 : i32
      %dma_wait3A_263 = arith.constant 0 : i32
      %dma_wait3A_264 = tpu.memref_slice %arg2[%dma_wait3A_262, %dma_wait3A_263] : memref<10000x128xf32, #tpu.memory_space<hbm>> -> memref<10000x128xf32, #tpu.memory_space<hbm>>
      %dma_wait3A_265 = tpu.memref_slice %arg11[%dma_wait3A_254] : memref<4x!tpu.dma_semaphore, #tpu.memory_space<semaphore_mem>> -> memref<1x!tpu.dma_semaphore, #tpu.memory_space<semaphore_mem>>
      %dma_wait3A_266 = tpu.memref_squeeze %dma_wait3A_265 : memref<1x!tpu.dma_semaphore, #tpu.memory_space<semaphore_mem>> -> memref<!tpu.dma_semaphore, #tpu.memory_space<semaphore_mem>>
      tpu.wait_indirect_dma semaphore(%dma_wait3A_266 : memref<!tpu.dma_semaphore, #tpu.memory_space<semaphore_mem>>) src(%dma_wait3A_264 : memref<10000x128xf32, #tpu.memory_space<hbm>>) dst(%dma_wait3A_258 : memref<50x128xf32, #tpu.memory_space<vmem>>)
      %add3A_267 = arith.constant 3 : i32
      %add3A_268 = arith.addi %add3A_143, %add3A_267 : i32
      %run_scoped3A_269 = arith.constant 3 : i32
      "tpu.region"() ({
        %run_scoped3A_288 = tpu.sem_alloc : memref<!tpu.dma_semaphore, #tpu.memory_space<semaphore_mem>>
        %dma_start3A_289 = arith.constant 0 : i32
        %dma_start3A_290 = arith.constant 0 : i32
        %dma_start3A_291 = tpu.memref_slice %arg9[%run_scoped3A_269, %dma_start3A_289, %dma_start3A_290] : memref<4x50x128xf32, #tpu.memory_space<vmem>> -> memref<1x50x128xf32, #tpu.memory_space<vmem>>
        %dma_start3A_292 = tpu.memref_squeeze %dma_start3A_291 : memref<1x50x128xf32, #tpu.memory_space<vmem>> -> memref<50x128xf32, #tpu.memory_space<vmem>>
        %dma_start3A_293 = arith.constant 0 : i32
        %dma_start3A_294 = tpu.memref_slice %arg8[%add3A_268, %dma_start3A_293] : memref<200x50xi32, #tpu.memory_space<vmem>> -> memref<1x50xi32, #tpu.memory_space<vmem>>
        %dma_start3A_295 = tpu.memref_squeeze %dma_start3A_294 : memref<1x50xi32, #tpu.memory_space<vmem>> -> memref<50xi32, #tpu.memory_space<vmem>>
        %dma_start3A_296 = arith.constant 0 : i32
        %dma_start3A_297 = arith.constant 0 : i32
        %dma_start3A_298 = tpu.memref_slice %arg10[%dma_start3A_296, %dma_start3A_297] : memref<10000x128xf32, #tpu.memory_space<vmem_shared>> -> memref<10000x128xf32, #tpu.memory_space<vmem_shared>>
        tpu.enqueue_indirect_dma source(%dma_start3A_292 : memref<50x128xf32, #tpu.memory_space<vmem>>) target(%dma_start3A_298 : memref<10000x128xf32, #tpu.memory_space<vmem_shared>>) offsets(%dma_start3A_295 : memref<50xi32, #tpu.memory_space<vmem>>) semaphore(%run_scoped3A_288 : memref<!tpu.dma_semaphore, #tpu.memory_space<semaphore_mem>>) {add = true}
        %dma_wait3A_299 = arith.constant 0 : i32
        %dma_wait3A_300 = arith.constant 0 : i32
        %dma_wait3A_301 = tpu.memref_slice %arg9[%run_scoped3A_269, %dma_wait3A_299, %dma_wait3A_300] : memref<4x50x128xf32, #tpu.memory_space<vmem>> -> memref<1x50x128xf32, #tpu.memory_space<vmem>>
        %dma_wait3A_302 = tpu.memref_squeeze %dma_wait3A_301 : memref<1x50x128xf32, #tpu.memory_space<vmem>> -> memref<50x128xf32, #tpu.memory_space<vmem>>
        %dma_wait3A_303 = arith.constant 0 : i32
        %dma_wait3A_304 = tpu.memref_slice %arg8[%add3A_268, %dma_wait3A_303] : memref<200x50xi32, #tpu.memory_space<vmem>> -> memref<1x50xi32, #tpu.memory_space<vmem>>
        %dma_wait3A_305 = tpu.memref_squeeze %dma_wait3A_304 : memref<1x50xi32, #tpu.memory_space<vmem>> -> memref<50xi32, #tpu.memory_space<vmem>>
        %dma_wait3A_306 = arith.constant 0 : i32
        %dma_wait3A_307 = arith.constant 0 : i32
        %dma_wait3A_308 = tpu.memref_slice %arg10[%dma_wait3A_306, %dma_wait3A_307] : memref<10000x128xf32, #tpu.memory_space<vmem_shared>> -> memref<10000x128xf32, #tpu.memory_space<vmem_shared>>
        tpu.wait_indirect_dma semaphore(%run_scoped3A_288 : memref<!tpu.dma_semaphore, #tpu.memory_space<semaphore_mem>>) src(%dma_wait3A_302 : memref<50x128xf32, #tpu.memory_space<vmem>>) dst(%dma_wait3A_308 : memref<10000x128xf32, #tpu.memory_space<vmem_shared>>)
        tpu.yield
      }) : () -> ()
      %add3A_270 = arith.constant 3 : i32
      %add3A_271 = arith.addi %add3A_143, %add3A_270 : i32
      %add3A_272 = arith.constant 4 : i32
      %add3A_273 = arith.addi %add3A_271, %add3A_272 : i32
      %dma_start3A_274 = arith.constant 3 : i32
      %dma_start3A_275 = arith.constant 3 : i32
      %dma_start3A_276 = arith.constant 0 : i32
      %dma_start3A_277 = arith.constant 0 : i32
      %dma_start3A_278 = tpu.memref_slice %arg9[%dma_start3A_274, %dma_start3A_276, %dma_start3A_277] : memref<4x50x128xf32, #tpu.memory_space<vmem>> -> memref<1x50x128xf32, #tpu.memory_space<vmem>>
      %dma_start3A_279 = tpu.memref_squeeze %dma_start3A_278 : memref<1x50x128xf32, #tpu.memory_space<vmem>> -> memref<50x128xf32, #tpu.memory_space<vmem>>
      %dma_start3A_280 = arith.constant 0 : i32
      %dma_start3A_281 = tpu.memref_slice %arg7[%add3A_273, %dma_start3A_280] : memref<200x50xi32, #tpu.memory_space<vmem>> -> memref<1x50xi32, #tpu.memory_space<vmem>>
      %dma_start3A_282 = tpu.memref_squeeze %dma_start3A_281 : memref<1x50xi32, #tpu.memory_space<vmem>> -> memref<50xi32, #tpu.memory_space<vmem>>
      %dma_start3A_283 = arith.constant 0 : i32
      %dma_start3A_284 = arith.constant 0 : i32
      %dma_start3A_285 = tpu.memref_slice %arg2[%dma_start3A_283, %dma_start3A_284] : memref<10000x128xf32, #tpu.memory_space<hbm>> -> memref<10000x128xf32, #tpu.memory_space<hbm>>
      %dma_start3A_286 = tpu.memref_slice %arg11[%dma_start3A_275] : memref<4x!tpu.dma_semaphore, #tpu.memory_space<semaphore_mem>> -> memref<1x!tpu.dma_semaphore, #tpu.memory_space<semaphore_mem>>
      %dma_start3A_287 = tpu.memref_squeeze %dma_start3A_286 : memref<1x!tpu.dma_semaphore, #tpu.memory_space<semaphore_mem>> -> memref<!tpu.dma_semaphore, #tpu.memory_space<semaphore_mem>>
      tpu.enqueue_indirect_dma source(%dma_start3A_285 : memref<10000x128xf32, #tpu.memory_space<hbm>>) target(%dma_start3A_279 : memref<50x128xf32, #tpu.memory_space<vmem>>) offsets(%dma_start3A_282 : memref<50xi32, #tpu.memory_space<vmem>>) semaphore(%dma_start3A_287 : memref<!tpu.dma_semaphore, #tpu.memory_space<semaphore_mem>>)
    }
    %scan3A_67 = arith.constant 49 : i32
    %dma_wait3A = arith.constant 0 : i32
    %dma_wait3A_68 = arith.constant 0 : i32
    %dma_wait3A_69 = arith.constant 0 : i32
    %dma_wait3A_70 = arith.constant 0 : i32
    %dma_wait3A_71 = arith.constant 0 : i32
    %dma_wait3A_72 = tpu.memref_slice %arg9[%dma_wait3A_68, %dma_wait3A_70, %dma_wait3A_71] : memref<4x50x128xf32, #tpu.memory_space<vmem>> -> memref<1x50x128xf32, #tpu.memory_space<vmem>>
    %dma_wait3A_73 = tpu.memref_squeeze %dma_wait3A_72 : memref<1x50x128xf32, #tpu.memory_space<vmem>> -> memref<50x128xf32, #tpu.memory_space<vmem>>
    %dma_wait3A_74 = arith.constant 0 : i32
    %dma_wait3A_75 = tpu.memref_slice %arg7[%dma_wait3A, %dma_wait3A_74] : memref<200x50xi32, #tpu.memory_space<vmem>> -> memref<1x50xi32, #tpu.memory_space<vmem>>
    %dma_wait3A_76 = tpu.memref_squeeze %dma_wait3A_75 : memref<1x50xi32, #tpu.memory_space<vmem>> -> memref<50xi32, #tpu.memory_space<vmem>>
    %dma_wait3A_77 = arith.constant 0 : i32
    %dma_wait3A_78 = arith.constant 0 : i32
    %dma_wait3A_79 = tpu.memref_slice %arg2[%dma_wait3A_77, %dma_wait3A_78] : memref<10000x128xf32, #tpu.memory_space<hbm>> -> memref<10000x128xf32, #tpu.memory_space<hbm>>
    %dma_wait3A_80 = tpu.memref_slice %arg11[%dma_wait3A_69] : memref<4x!tpu.dma_semaphore, #tpu.memory_space<semaphore_mem>> -> memref<1x!tpu.dma_semaphore, #tpu.memory_space<semaphore_mem>>
    %dma_wait3A_81 = tpu.memref_squeeze %dma_wait3A_80 : memref<1x!tpu.dma_semaphore, #tpu.memory_space<semaphore_mem>> -> memref<!tpu.dma_semaphore, #tpu.memory_space<semaphore_mem>>
    tpu.wait_indirect_dma semaphore(%dma_wait3A_81 : memref<!tpu.dma_semaphore, #tpu.memory_space<semaphore_mem>>) src(%dma_wait3A_79 : memref<10000x128xf32, #tpu.memory_space<hbm>>) dst(%dma_wait3A_73 : memref<50x128xf32, #tpu.memory_space<vmem>>)
    %run_scoped3A = arith.constant 0 : i32
    %run_scoped3A_82 = arith.constant 196 : i32
    "tpu.region"() ({
      %run_scoped3A_139 = tpu.sem_alloc : memref<!tpu.dma_semaphore, #tpu.memory_space<semaphore_mem>>
      %dma_start3A_140 = arith.constant 0 : i32
      %dma_start3A_141 = arith.constant 0 : i32
      %dma_start3A_142 = tpu.memref_slice %arg9[%run_scoped3A, %dma_start3A_140, %dma_start3A_141] : memref<4x50x128xf32, #tpu.memory_space<vmem>> -> memref<1x50x128xf32, #tpu.memory_space<vmem>>
      %dma_start3A_143 = tpu.memref_squeeze %dma_start3A_142 : memref<1x50x128xf32, #tpu.memory_space<vmem>> -> memref<50x128xf32, #tpu.memory_space<vmem>>
      %dma_start3A_144 = arith.constant 0 : i32
      %dma_start3A_145 = tpu.memref_slice %arg8[%run_scoped3A_82, %dma_start3A_144] : memref<200x50xi32, #tpu.memory_space<vmem>> -> memref<1x50xi32, #tpu.memory_space<vmem>>
      %dma_start3A_146 = tpu.memref_squeeze %dma_start3A_145 : memref<1x50xi32, #tpu.memory_space<vmem>> -> memref<50xi32, #tpu.memory_space<vmem>>
      %dma_start3A_147 = arith.constant 0 : i32
      %dma_start3A_148 = arith.constant 0 : i32
      %dma_start3A_149 = tpu.memref_slice %arg10[%dma_start3A_147, %dma_start3A_148] : memref<10000x128xf32, #tpu.memory_space<vmem_shared>> -> memref<10000x128xf32, #tpu.memory_space<vmem_shared>>
      tpu.enqueue_indirect_dma source(%dma_start3A_143 : memref<50x128xf32, #tpu.memory_space<vmem>>) target(%dma_start3A_149 : memref<10000x128xf32, #tpu.memory_space<vmem_shared>>) offsets(%dma_start3A_146 : memref<50xi32, #tpu.memory_space<vmem>>) semaphore(%run_scoped3A_139 : memref<!tpu.dma_semaphore, #tpu.memory_space<semaphore_mem>>) {add = true}
      %dma_wait3A_150 = arith.constant 0 : i32
      %dma_wait3A_151 = arith.constant 0 : i32
      %dma_wait3A_152 = tpu.memref_slice %arg9[%run_scoped3A, %dma_wait3A_150, %dma_wait3A_151] : memref<4x50x128xf32, #tpu.memory_space<vmem>> -> memref<1x50x128xf32, #tpu.memory_space<vmem>>
      %dma_wait3A_153 = tpu.memref_squeeze %dma_wait3A_152 : memref<1x50x128xf32, #tpu.memory_space<vmem>> -> memref<50x128xf32, #tpu.memory_space<vmem>>
      %dma_wait3A_154 = arith.constant 0 : i32
      %dma_wait3A_155 = tpu.memref_slice %arg8[%run_scoped3A_82, %dma_wait3A_154] : memref<200x50xi32, #tpu.memory_space<vmem>> -> memref<1x50xi32, #tpu.memory_space<vmem>>
      %dma_wait3A_156 = tpu.memref_squeeze %dma_wait3A_155 : memref<1x50xi32, #tpu.memory_space<vmem>> -> memref<50xi32, #tpu.memory_space<vmem>>
      %dma_wait3A_157 = arith.constant 0 : i32
      %dma_wait3A_158 = arith.constant 0 : i32
      %dma_wait3A_159 = tpu.memref_slice %arg10[%dma_wait3A_157, %dma_wait3A_158] : memref<10000x128xf32, #tpu.memory_space<vmem_shared>> -> memref<10000x128xf32, #tpu.memory_space<vmem_shared>>
      tpu.wait_indirect_dma semaphore(%run_scoped3A_139 : memref<!tpu.dma_semaphore, #tpu.memory_space<semaphore_mem>>) src(%dma_wait3A_153 : memref<50x128xf32, #tpu.memory_space<vmem>>) dst(%dma_wait3A_159 : memref<10000x128xf32, #tpu.memory_space<vmem_shared>>)
      tpu.yield
    }) : () -> ()
    %dma_wait3A_83 = arith.constant 0 : i32
    %dma_wait3A_84 = arith.constant 1 : i32
    %dma_wait3A_85 = arith.constant 1 : i32
    %dma_wait3A_86 = arith.constant 0 : i32
    %dma_wait3A_87 = arith.constant 0 : i32
    %dma_wait3A_88 = tpu.memref_slice %arg9[%dma_wait3A_84, %dma_wait3A_86, %dma_wait3A_87] : memref<4x50x128xf32, #tpu.memory_space<vmem>> -> memref<1x50x128xf32, #tpu.memory_space<vmem>>
    %dma_wait3A_89 = tpu.memref_squeeze %dma_wait3A_88 : memref<1x50x128xf32, #tpu.memory_space<vmem>> -> memref<50x128xf32, #tpu.memory_space<vmem>>
    %dma_wait3A_90 = arith.constant 0 : i32
    %dma_wait3A_91 = tpu.memref_slice %arg7[%dma_wait3A_83, %dma_wait3A_90] : memref<200x50xi32, #tpu.memory_space<vmem>> -> memref<1x50xi32, #tpu.memory_space<vmem>>
    %dma_wait3A_92 = tpu.memref_squeeze %dma_wait3A_91 : memref<1x50xi32, #tpu.memory_space<vmem>> -> memref<50xi32, #tpu.memory_space<vmem>>
    %dma_wait3A_93 = arith.constant 0 : i32
    %dma_wait3A_94 = arith.constant 0 : i32
    %dma_wait3A_95 = tpu.memref_slice %arg2[%dma_wait3A_93, %dma_wait3A_94] : memref<10000x128xf32, #tpu.memory_space<hbm>> -> memref<10000x128xf32, #tpu.memory_space<hbm>>
    %dma_wait3A_96 = tpu.memref_slice %arg11[%dma_wait3A_85] : memref<4x!tpu.dma_semaphore, #tpu.memory_space<semaphore_mem>> -> memref<1x!tpu.dma_semaphore, #tpu.memory_space<semaphore_mem>>
    %dma_wait3A_97 = tpu.memref_squeeze %dma_wait3A_96 : memref<1x!tpu.dma_semaphore, #tpu.memory_space<semaphore_mem>> -> memref<!tpu.dma_semaphore, #tpu.memory_space<semaphore_mem>>
    tpu.wait_indirect_dma semaphore(%dma_wait3A_97 : memref<!tpu.dma_semaphore, #tpu.memory_space<semaphore_mem>>) src(%dma_wait3A_95 : memref<10000x128xf32, #tpu.memory_space<hbm>>) dst(%dma_wait3A_89 : memref<50x128xf32, #tpu.memory_space<vmem>>)
    %run_scoped3A_98 = arith.constant 1 : i32
    %run_scoped3A_99 = arith.constant 197 : i32
    "tpu.region"() ({
      %run_scoped3A_139 = tpu.sem_alloc : memref<!tpu.dma_semaphore, #tpu.memory_space<semaphore_mem>>
      %dma_start3A_140 = arith.constant 0 : i32
      %dma_start3A_141 = arith.constant 0 : i32
      %dma_start3A_142 = tpu.memref_slice %arg9[%run_scoped3A_98, %dma_start3A_140, %dma_start3A_141] : memref<4x50x128xf32, #tpu.memory_space<vmem>> -> memref<1x50x128xf32, #tpu.memory_space<vmem>>
      %dma_start3A_143 = tpu.memref_squeeze %dma_start3A_142 : memref<1x50x128xf32, #tpu.memory_space<vmem>> -> memref<50x128xf32, #tpu.memory_space<vmem>>
      %dma_start3A_144 = arith.constant 0 : i32
      %dma_start3A_145 = tpu.memref_slice %arg8[%run_scoped3A_99, %dma_start3A_144] : memref<200x50xi32, #tpu.memory_space<vmem>> -> memref<1x50xi32, #tpu.memory_space<vmem>>
      %dma_start3A_146 = tpu.memref_squeeze %dma_start3A_145 : memref<1x50xi32, #tpu.memory_space<vmem>> -> memref<50xi32, #tpu.memory_space<vmem>>
      %dma_start3A_147 = arith.constant 0 : i32
      %dma_start3A_148 = arith.constant 0 : i32
      %dma_start3A_149 = tpu.memref_slice %arg10[%dma_start3A_147, %dma_start3A_148] : memref<10000x128xf32, #tpu.memory_space<vmem_shared>> -> memref<10000x128xf32, #tpu.memory_space<vmem_shared>>
      tpu.enqueue_indirect_dma source(%dma_start3A_143 : memref<50x128xf32, #tpu.memory_space<vmem>>) target(%dma_start3A_149 : memref<10000x128xf32, #tpu.memory_space<vmem_shared>>) offsets(%dma_start3A_146 : memref<50xi32, #tpu.memory_space<vmem>>) semaphore(%run_scoped3A_139 : memref<!tpu.dma_semaphore, #tpu.memory_space<semaphore_mem>>) {add = true}
      %dma_wait3A_150 = arith.constant 0 : i32
      %dma_wait3A_151 = arith.constant 0 : i32
      %dma_wait3A_152 = tpu.memref_slice %arg9[%run_scoped3A_98, %dma_wait3A_150, %dma_wait3A_151] : memref<4x50x128xf32, #tpu.memory_space<vmem>> -> memref<1x50x128xf32, #tpu.memory_space<vmem>>
      %dma_wait3A_153 = tpu.memref_squeeze %dma_wait3A_152 : memref<1x50x128xf32, #tpu.memory_space<vmem>> -> memref<50x128xf32, #tpu.memory_space<vmem>>
      %dma_wait3A_154 = arith.constant 0 : i32
      %dma_wait3A_155 = tpu.memref_slice %arg8[%run_scoped3A_99, %dma_wait3A_154] : memref<200x50xi32, #tpu.memory_space<vmem>> -> memref<1x50xi32, #tpu.memory_space<vmem>>
      %dma_wait3A_156 = tpu.memref_squeeze %dma_wait3A_155 : memref<1x50xi32, #tpu.memory_space<vmem>> -> memref<50xi32, #tpu.memory_space<vmem>>
      %dma_wait3A_157 = arith.constant 0 : i32
      %dma_wait3A_158 = arith.constant 0 : i32
      %dma_wait3A_159 = tpu.memref_slice %arg10[%dma_wait3A_157, %dma_wait3A_158] : memref<10000x128xf32, #tpu.memory_space<vmem_shared>> -> memref<10000x128xf32, #tpu.memory_space<vmem_shared>>
      tpu.wait_indirect_dma semaphore(%run_scoped3A_139 : memref<!tpu.dma_semaphore, #tpu.memory_space<semaphore_mem>>) src(%dma_wait3A_153 : memref<50x128xf32, #tpu.memory_space<vmem>>) dst(%dma_wait3A_159 : memref<10000x128xf32, #tpu.memory_space<vmem_shared>>)
      tpu.yield
    }) : () -> ()
    %dma_wait3A_100 = arith.constant 0 : i32
    %dma_wait3A_101 = arith.constant 2 : i32
    %dma_wait3A_102 = arith.constant 2 : i32
    %dma_wait3A_103 = arith.constant 0 : i32
    %dma_wait3A_104 = arith.constant 0 : i32
    %dma_wait3A_105 = tpu.memref_slice %arg9[%dma_wait3A_101, %dma_wait3A_103, %dma_wait3A_104] : memref<4x50x128xf32, #tpu.memory_space<vmem>> -> memref<1x50x128xf32, #tpu.memory_space<vmem>>
    %dma_wait3A_106 = tpu.memref_squeeze %dma_wait3A_105 : memref<1x50x128xf32, #tpu.memory_space<vmem>> -> memref<50x128xf32, #tpu.memory_space<vmem>>
    %dma_wait3A_107 = arith.constant 0 : i32
    %dma_wait3A_108 = tpu.memref_slice %arg7[%dma_wait3A_100, %dma_wait3A_107] : memref<200x50xi32, #tpu.memory_space<vmem>> -> memref<1x50xi32, #tpu.memory_space<vmem>>
    %dma_wait3A_109 = tpu.memref_squeeze %dma_wait3A_108 : memref<1x50xi32, #tpu.memory_space<vmem>> -> memref<50xi32, #tpu.memory_space<vmem>>
    %dma_wait3A_110 = arith.constant 0 : i32
    %dma_wait3A_111 = arith.constant 0 : i32
    %dma_wait3A_112 = tpu.memref_slice %arg2[%dma_wait3A_110, %dma_wait3A_111] : memref<10000x128xf32, #tpu.memory_space<hbm>> -> memref<10000x128xf32, #tpu.memory_space<hbm>>
    %dma_wait3A_113 = tpu.memref_slice %arg11[%dma_wait3A_102] : memref<4x!tpu.dma_semaphore, #tpu.memory_space<semaphore_mem>> -> memref<1x!tpu.dma_semaphore, #tpu.memory_space<semaphore_mem>>
    %dma_wait3A_114 = tpu.memref_squeeze %dma_wait3A_113 : memref<1x!tpu.dma_semaphore, #tpu.memory_space<semaphore_mem>> -> memref<!tpu.dma_semaphore, #tpu.memory_space<semaphore_mem>>
    tpu.wait_indirect_dma semaphore(%dma_wait3A_114 : memref<!tpu.dma_semaphore, #tpu.memory_space<semaphore_mem>>) src(%dma_wait3A_112 : memref<10000x128xf32, #tpu.memory_space<hbm>>) dst(%dma_wait3A_106 : memref<50x128xf32, #tpu.memory_space<vmem>>)
    %run_scoped3A_115 = arith.constant 2 : i32
    %run_scoped3A_116 = arith.constant 198 : i32
    "tpu.region"() ({
      %run_scoped3A_139 = tpu.sem_alloc : memref<!tpu.dma_semaphore, #tpu.memory_space<semaphore_mem>>
      %dma_start3A_140 = arith.constant 0 : i32
      %dma_start3A_141 = arith.constant 0 : i32
      %dma_start3A_142 = tpu.memref_slice %arg9[%run_scoped3A_115, %dma_start3A_140, %dma_start3A_141] : memref<4x50x128xf32, #tpu.memory_space<vmem>> -> memref<1x50x128xf32, #tpu.memory_space<vmem>>
      %dma_start3A_143 = tpu.memref_squeeze %dma_start3A_142 : memref<1x50x128xf32, #tpu.memory_space<vmem>> -> memref<50x128xf32, #tpu.memory_space<vmem>>
      %dma_start3A_144 = arith.constant 0 : i32
      %dma_start3A_145 = tpu.memref_slice %arg8[%run_scoped3A_116, %dma_start3A_144] : memref<200x50xi32, #tpu.memory_space<vmem>> -> memref<1x50xi32, #tpu.memory_space<vmem>>
      %dma_start3A_146 = tpu.memref_squeeze %dma_start3A_145 : memref<1x50xi32, #tpu.memory_space<vmem>> -> memref<50xi32, #tpu.memory_space<vmem>>
      %dma_start3A_147 = arith.constant 0 : i32
      %dma_start3A_148 = arith.constant 0 : i32
      %dma_start3A_149 = tpu.memref_slice %arg10[%dma_start3A_147, %dma_start3A_148] : memref<10000x128xf32, #tpu.memory_space<vmem_shared>> -> memref<10000x128xf32, #tpu.memory_space<vmem_shared>>
      tpu.enqueue_indirect_dma source(%dma_start3A_143 : memref<50x128xf32, #tpu.memory_space<vmem>>) target(%dma_start3A_149 : memref<10000x128xf32, #tpu.memory_space<vmem_shared>>) offsets(%dma_start3A_146 : memref<50xi32, #tpu.memory_space<vmem>>) semaphore(%run_scoped3A_139 : memref<!tpu.dma_semaphore, #tpu.memory_space<semaphore_mem>>) {add = true}
      %dma_wait3A_150 = arith.constant 0 : i32
      %dma_wait3A_151 = arith.constant 0 : i32
      %dma_wait3A_152 = tpu.memref_slice %arg9[%run_scoped3A_115, %dma_wait3A_150, %dma_wait3A_151] : memref<4x50x128xf32, #tpu.memory_space<vmem>> -> memref<1x50x128xf32, #tpu.memory_space<vmem>>
      %dma_wait3A_153 = tpu.memref_squeeze %dma_wait3A_152 : memref<1x50x128xf32, #tpu.memory_space<vmem>> -> memref<50x128xf32, #tpu.memory_space<vmem>>
      %dma_wait3A_154 = arith.constant 0 : i32
      %dma_wait3A_155 = tpu.memref_slice %arg8[%run_scoped3A_116, %dma_wait3A_154] : memref<200x50xi32, #tpu.memory_space<vmem>> -> memref<1x50xi32, #tpu.memory_space<vmem>>
      %dma_wait3A_156 = tpu.memref_squeeze %dma_wait3A_155 : memref<1x50xi32, #tpu.memory_space<vmem>> -> memref<50xi32, #tpu.memory_space<vmem>>
      %dma_wait3A_157 = arith.constant 0 : i32
      %dma_wait3A_158 = arith.constant 0 : i32
      %dma_wait3A_159 = tpu.memref_slice %arg10[%dma_wait3A_157, %dma_wait3A_158] : memref<10000x128xf32, #tpu.memory_space<vmem_shared>> -> memref<10000x128xf32, #tpu.memory_space<vmem_shared>>
      tpu.wait_indirect_dma semaphore(%run_scoped3A_139 : memref<!tpu.dma_semaphore, #tpu.memory_space<semaphore_mem>>) src(%dma_wait3A_153 : memref<50x128xf32, #tpu.memory_space<vmem>>) dst(%dma_wait3A_159 : memref<10000x128xf32, #tpu.memory_space<vmem_shared>>)
      tpu.yield
    }) : () -> ()
    %dma_wait3A_117 = arith.constant 0 : i32
    %dma_wait3A_118 = arith.constant 3 : i32
    %dma_wait3A_119 = arith.constant 3 : i32
    %dma_wait3A_120 = arith.constant 0 : i32
    %dma_wait3A_121 = arith.constant 0 : i32
    %dma_wait3A_122 = tpu.memref_slice %arg9[%dma_wait3A_118, %dma_wait3A_120, %dma_wait3A_121] : memref<4x50x128xf32, #tpu.memory_space<vmem>> -> memref<1x50x128xf32, #tpu.memory_space<vmem>>
    %dma_wait3A_123 = tpu.memref_squeeze %dma_wait3A_122 : memref<1x50x128xf32, #tpu.memory_space<vmem>> -> memref<50x128xf32, #tpu.memory_space<vmem>>
    %dma_wait3A_124 = arith.constant 0 : i32
    %dma_wait3A_125 = tpu.memref_slice %arg7[%dma_wait3A_117, %dma_wait3A_124] : memref<200x50xi32, #tpu.memory_space<vmem>> -> memref<1x50xi32, #tpu.memory_space<vmem>>
    %dma_wait3A_126 = tpu.memref_squeeze %dma_wait3A_125 : memref<1x50xi32, #tpu.memory_space<vmem>> -> memref<50xi32, #tpu.memory_space<vmem>>
    %dma_wait3A_127 = arith.constant 0 : i32
    %dma_wait3A_128 = arith.constant 0 : i32
    %dma_wait3A_129 = tpu.memref_slice %arg2[%dma_wait3A_127, %dma_wait3A_128] : memref<10000x128xf32, #tpu.memory_space<hbm>> -> memref<10000x128xf32, #tpu.memory_space<hbm>>
    %dma_wait3A_130 = tpu.memref_slice %arg11[%dma_wait3A_119] : memref<4x!tpu.dma_semaphore, #tpu.memory_space<semaphore_mem>> -> memref<1x!tpu.dma_semaphore, #tpu.memory_space<semaphore_mem>>
    %dma_wait3A_131 = tpu.memref_squeeze %dma_wait3A_130 : memref<1x!tpu.dma_semaphore, #tpu.memory_space<semaphore_mem>> -> memref<!tpu.dma_semaphore, #tpu.memory_space<semaphore_mem>>
    tpu.wait_indirect_dma semaphore(%dma_wait3A_131 : memref<!tpu.dma_semaphore, #tpu.memory_space<semaphore_mem>>) src(%dma_wait3A_129 : memref<10000x128xf32, #tpu.memory_space<hbm>>) dst(%dma_wait3A_123 : memref<50x128xf32, #tpu.memory_space<vmem>>)
    %run_scoped3A_132 = arith.constant 3 : i32
    %run_scoped3A_133 = arith.constant 199 : i32
    "tpu.region"() ({
      %run_scoped3A_139 = tpu.sem_alloc : memref<!tpu.dma_semaphore, #tpu.memory_space<semaphore_mem>>
      %dma_start3A_140 = arith.constant 0 : i32
      %dma_start3A_141 = arith.constant 0 : i32
      %dma_start3A_142 = tpu.memref_slice %arg9[%run_scoped3A_132, %dma_start3A_140, %dma_start3A_141] : memref<4x50x128xf32, #tpu.memory_space<vmem>> -> memref<1x50x128xf32, #tpu.memory_space<vmem>>
      %dma_start3A_143 = tpu.memref_squeeze %dma_start3A_142 : memref<1x50x128xf32, #tpu.memory_space<vmem>> -> memref<50x128xf32, #tpu.memory_space<vmem>>
      %dma_start3A_144 = arith.constant 0 : i32
      %dma_start3A_145 = tpu.memref_slice %arg8[%run_scoped3A_133, %dma_start3A_144] : memref<200x50xi32, #tpu.memory_space<vmem>> -> memref<1x50xi32, #tpu.memory_space<vmem>>
      %dma_start3A_146 = tpu.memref_squeeze %dma_start3A_145 : memref<1x50xi32, #tpu.memory_space<vmem>> -> memref<50xi32, #tpu.memory_space<vmem>>
      %dma_start3A_147 = arith.constant 0 : i32
      %dma_start3A_148 = arith.constant 0 : i32
      %dma_start3A_149 = tpu.memref_slice %arg10[%dma_start3A_147, %dma_start3A_148] : memref<10000x128xf32, #tpu.memory_space<vmem_shared>> -> memref<10000x128xf32, #tpu.memory_space<vmem_shared>>
      tpu.enqueue_indirect_dma source(%dma_start3A_143 : memref<50x128xf32, #tpu.memory_space<vmem>>) target(%dma_start3A_149 : memref<10000x128xf32, #tpu.memory_space<vmem_shared>>) offsets(%dma_start3A_146 : memref<50xi32, #tpu.memory_space<vmem>>) semaphore(%run_scoped3A_139 : memref<!tpu.dma_semaphore, #tpu.memory_space<semaphore_mem>>) {add = true}
      %dma_wait3A_150 = arith.constant 0 : i32
      %dma_wait3A_151 = arith.constant 0 : i32
      %dma_wait3A_152 = tpu.memref_slice %arg9[%run_scoped3A_132, %dma_wait3A_150, %dma_wait3A_151] : memref<4x50x128xf32, #tpu.memory_space<vmem>> -> memref<1x50x128xf32, #tpu.memory_space<vmem>>
      %dma_wait3A_153 = tpu.memref_squeeze %dma_wait3A_152 : memref<1x50x128xf32, #tpu.memory_space<vmem>> -> memref<50x128xf32, #tpu.memory_space<vmem>>
      %dma_wait3A_154 = arith.constant 0 : i32
      %dma_wait3A_155 = tpu.memref_slice %arg8[%run_scoped3A_133, %dma_wait3A_154] : memref<200x50xi32, #tpu.memory_space<vmem>> -> memref<1x50xi32, #tpu.memory_space<vmem>>
      %dma_wait3A_156 = tpu.memref_squeeze %dma_wait3A_155 : memref<1x50xi32, #tpu.memory_space<vmem>> -> memref<50xi32, #tpu.memory_space<vmem>>
      %dma_wait3A_157 = arith.constant 0 : i32
      %dma_wait3A_158 = arith.constant 0 : i32
      %dma_wait3A_159 = tpu.memref_slice %arg10[%dma_wait3A_157, %dma_wait3A_158] : memref<10000x128xf32, #tpu.memory_space<vmem_shared>> -> memref<10000x128xf32, #tpu.memory_space<vmem_shared>>
      tpu.wait_indirect_dma semaphore(%run_scoped3A_139 : memref<!tpu.dma_semaphore, #tpu.memory_space<semaphore_mem>>) src(%dma_wait3A_153 : memref<50x128xf32, #tpu.memory_space<vmem>>) dst(%dma_wait3A_159 : memref<10000x128xf32, #tpu.memory_space<vmem_shared>>)
      tpu.yield
    }) : () -> ()
    %barrier3A_134 = arith.constant 0 : index
    tpu.barrier barrier_id(%barrier3A_134)
    %mul3A_135 = arith.constant 625 : i32
    %mul3A_136 = arith.muli %arg1, %mul3A_135 : i32
    %mul3A_137 = arith.constant 625 : i32
    %mul3A_138 = arith.muli %arg1, %mul3A_137 : i32
    "tpu.region"() ({
      %run_scoped3A_139 = tpu.sem_alloc : memref<!tpu.dma_semaphore, #tpu.memory_space<semaphore_mem>>
      %dma_start3A_140 = arith.constant 0 : i32
      %dma_start3A_141 = tpu.memref_slice %arg6[%arg0, %mul3A_138, %dma_start3A_140] : memref<2x10000x128xf32, #tpu.memory_space<hbm>> -> memref<1x625x128xf32, #tpu.memory_space<hbm>>
      %dma_start3A_142 = tpu.memref_squeeze %dma_start3A_141 : memref<1x625x128xf32, #tpu.memory_space<hbm>> -> memref<625x128xf32, #tpu.memory_space<hbm>>
      %dma_start3A_143 = arith.constant 0 : i32
      %dma_start3A_144 = tpu.memref_slice %arg10[%mul3A_136, %dma_start3A_143] : memref<10000x128xf32, #tpu.memory_space<vmem_shared>> -> memref<625x128xf32, #tpu.memory_space<vmem_shared>>
      tpu.enqueue_dma source(%dma_start3A_144 : memref<625x128xf32, #tpu.memory_space<vmem_shared>>) target(%dma_start3A_142 : memref<625x128xf32, #tpu.memory_space<hbm>>) target_semaphore(%run_scoped3A_139 : memref<!tpu.dma_semaphore, #tpu.memory_space<semaphore_mem>>)
      %dma_wait3A_145 = arith.constant 0 : i32
      %dma_wait3A_146 = tpu.memref_slice %arg6[%arg0, %mul3A_138, %dma_wait3A_145] : memref<2x10000x128xf32, #tpu.memory_space<hbm>> -> memref<1x625x128xf32, #tpu.memory_space<hbm>>
      %dma_wait3A_147 = tpu.memref_squeeze %dma_wait3A_146 : memref<1x625x128xf32, #tpu.memory_space<hbm>> -> memref<625x128xf32, #tpu.memory_space<hbm>>
      %dma_wait3A_148 = arith.constant 0 : i32
      %dma_wait3A_149 = tpu.memref_slice %arg10[%mul3A_136, %dma_wait3A_148] : memref<10000x128xf32, #tpu.memory_space<vmem_shared>> -> memref<625x128xf32, #tpu.memory_space<vmem_shared>>
      tpu.wait_dma2 semaphore(%run_scoped3A_139 : memref<!tpu.dma_semaphore, #tpu.memory_space<semaphore_mem>>) src(%dma_wait3A_149 : memref<625x128xf32, #tpu.memory_space<vmem_shared>>) dst(%dma_wait3A_147 : memref<625x128xf32, #tpu.memory_space<hbm>>)
      tpu.yield
    }) : () -> ()
    return
  }
}

module attributes {stable_mosaic.version = 14 : i64} {
  func.func @_tc_layer_body(%arg0: memref<10000x128xf32, #tpu.memory_space<vmem>>, %arg1: memref<2x10000x128xf32, #tpu.memory_space<vmem>>, %arg2: memref<1x10000xi32, #tpu.memory_space<vmem>>, %arg3: memref<128x128xf32, #tpu.memory_space<vmem>>, %arg4: memref<1x128xf32, #tpu.memory_space<vmem>>, %arg5: memref<128x128xf32, #tpu.memory_space<vmem>>, %arg6: memref<1x128xf32, #tpu.memory_space<vmem>>, %arg7: memref<1x128xf32, #tpu.memory_space<vmem>>, %arg8: memref<1x128xf32, #tpu.memory_space<vmem>>, %arg9: memref<1x128xf32, #tpu.memory_space<vmem>>, %arg10: memref<10000x128xf32, #tpu.memory_space<vmem>>) attributes {dimension_semantics = [], scalar_prefetch = 0 : i64, scratch_operands = 0 : i64, tpu.core_type = #tpu.core_type<tc>} {
    %get3A = arith.constant 0 : index
    %get3A_0 = arith.constant 0 : index
    %get3A_1 = vector.load %arg0[%get3A, %get3A_0] : memref<10000x128xf32, #tpu.memory_space<vmem>>, vector<10000x128xf32>
    %get3A_2 = arith.constant 0 : index
    %get3A_3 = arith.constant 0 : index
    %get3A_4 = arith.constant 0 : index
    %get3A_5 = vector.load %arg1[%get3A_2, %get3A_3, %get3A_4] : memref<2x10000x128xf32, #tpu.memory_space<vmem>>, vector<1x10000x128xf32>
    %get3A_6 = vector.shape_cast %get3A_5 : vector<1x10000x128xf32> to vector<10000x128xf32>
    %add3A = arith.addf %get3A_1, %get3A_6 : vector<10000x128xf32>
    %get3A_7 = arith.constant 1 : index
    %get3A_8 = arith.constant 0 : index
    %get3A_9 = arith.constant 0 : index
    %get3A_10 = vector.load %arg1[%get3A_7, %get3A_8, %get3A_9] : memref<2x10000x128xf32, #tpu.memory_space<vmem>>, vector<1x10000x128xf32>
    %get3A_11 = vector.shape_cast %get3A_10 : vector<1x10000x128xf32> to vector<10000x128xf32>
    %add3A_12 = arith.addf %add3A, %get3A_11 : vector<10000x128xf32>
    %get3A_13 = arith.constant 0 : index
    %get3A_14 = arith.constant 0 : index
    %get3A_15 = vector.load %arg3[%get3A_13, %get3A_14] : memref<128x128xf32, #tpu.memory_space<vmem>>, vector<128x128xf32>
    %dot_general3A = arith.constant dense<0.000000e+00> : vector<10000x128xf32>
    %dot_general3A_16 = tpu.matmul %add3A_12, %get3A_15, %dot_general3A {dimension_numbers = #tpu.dot_dimension_numbers<[1], [0], [0], [1], [0, 0, 1, 1], [], []>, transpose_lhs_hint = false} : vector<10000x128xf32>, vector<128x128xf32>, vector<10000x128xf32> -> vector<10000x128xf32>
    %get3A_17 = arith.constant 0 : index
    %get3A_18 = arith.constant 0 : index
    %get3A_19 = vector.load %arg4[%get3A_17, %get3A_18] : memref<1x128xf32, #tpu.memory_space<vmem>>, vector<1x128xf32>
    %add3A_20 = vector.broadcast %get3A_19 : vector<1x128xf32> to vector<10000x128xf32>
    %add3A_21 = arith.addf %dot_general3A_16, %add3A_20 : vector<10000x128xf32>
    %max3A = arith.constant 0.000000e+00 : f32
    %max3A_22 = vector.broadcast %max3A : f32 to vector<10000x128xf32>
    %max3A_23 = arith.maximumf %add3A_21, %max3A_22 : vector<10000x128xf32>
    %get3A_24 = arith.constant 0 : index
    %get3A_25 = arith.constant 0 : index
    %get3A_26 = vector.load %arg5[%get3A_24, %get3A_25] : memref<128x128xf32, #tpu.memory_space<vmem>>, vector<128x128xf32>
    %dot_general3A_27 = arith.constant dense<0.000000e+00> : vector<10000x128xf32>
    %dot_general3A_28 = tpu.matmul %max3A_23, %get3A_26, %dot_general3A_27 {dimension_numbers = #tpu.dot_dimension_numbers<[1], [0], [0], [1], [0, 0, 1, 1], [], []>, transpose_lhs_hint = false} : vector<10000x128xf32>, vector<128x128xf32>, vector<10000x128xf32> -> vector<10000x128xf32>
    %get3A_29 = arith.constant 0 : index
    %get3A_30 = arith.constant 0 : index
    %get3A_31 = vector.load %arg6[%get3A_29, %get3A_30] : memref<1x128xf32, #tpu.memory_space<vmem>>, vector<1x128xf32>
    %add3A_32 = vector.broadcast %get3A_31 : vector<1x128xf32> to vector<10000x128xf32>
    %add3A_33 = arith.addf %dot_general3A_28, %add3A_32 : vector<10000x128xf32>
    %max3A_34 = arith.constant 0.000000e+00 : f32
    %max3A_35 = vector.broadcast %max3A_34 : f32 to vector<10000x128xf32>
    %max3A_36 = arith.maximumf %add3A_33, %max3A_35 : vector<10000x128xf32>
    %get3A_37 = arith.constant 0 : index
    %get3A_38 = arith.constant 0 : index
    %get3A_39 = vector.load %arg2[%get3A_37, %get3A_38] : memref<1x10000xi32, #tpu.memory_space<vmem>>, vector<1x10000xi32>
    %iota3A = tpu.iota {dimensions = array<i32: 0>} : vector<64x10000xi32>
    %eq3A = vector.broadcast %get3A_39 : vector<1x10000xi32> to vector<64x10000xi32>
    %eq3A_40 = arith.cmpi eq, %iota3A, %eq3A : vector<64x10000xi32>
    %convert_element_type3A = arith.extui %eq3A_40 : vector<64x10000xi1> to vector<64x10000xi32>
    %convert_element_type3A_41 = arith.sitofp %convert_element_type3A : vector<64x10000xi32> to vector<64x10000xf32>
    %reduce_sum3A = arith.constant dense<0.000000e+00> : vector<64xf32>
    %reduce_sum3A_42 = vector.multi_reduction <add>, %convert_element_type3A_41, %reduce_sum3A [1] : vector<64x10000xf32> to vector<64xf32>
    %broadcast_in_dim3A = vector.shape_cast %reduce_sum3A_42 : vector<64xf32> to vector<64x1xf32>
    %max3A_43 = arith.constant 1.000000e+00 : f32
    %max3A_44 = vector.broadcast %max3A_43 : f32 to vector<64x1xf32>
    %max3A_45 = arith.maximumf %broadcast_in_dim3A, %max3A_44 : vector<64x1xf32>
    %dot_general3A_46 = arith.constant dense<0.000000e+00> : vector<64x128xf32>
    %dot_general3A_47 = tpu.matmul %convert_element_type3A_41, %max3A_36, %dot_general3A_46 {dimension_numbers = #tpu.dot_dimension_numbers<[1], [0], [0], [1], [0, 0, 1, 1], [], []>, transpose_lhs_hint = false} : vector<64x10000xf32>, vector<10000x128xf32>, vector<64x128xf32> -> vector<64x128xf32>
    %div3A = vector.broadcast %max3A_45 : vector<64x1xf32> to vector<64x128xf32>
    %div3A_48 = arith.divf %dot_general3A_47, %div3A : vector<64x128xf32>
    %dot_general3A_49 = arith.constant dense<0.000000e+00> : vector<10000x128xf32>
    %dot_general3A_50 = tpu.matmul %convert_element_type3A_41, %div3A_48, %dot_general3A_49 {dimension_numbers = #tpu.dot_dimension_numbers<[0], [0], [1], [1], [0, 1, 1, 1], [], []>, transpose_lhs_hint = false} : vector<64x10000xf32>, vector<64x128xf32>, vector<10000x128xf32> -> vector<10000x128xf32>
    %get3A_51 = arith.constant 0 : index
    %get3A_52 = arith.constant 0 : index
    %get3A_53 = vector.load %arg9[%get3A_51, %get3A_52] : memref<1x128xf32, #tpu.memory_space<vmem>>, vector<1x128xf32>
    %mul3A = vector.broadcast %get3A_53 : vector<1x128xf32> to vector<10000x128xf32>
    %mul3A_54 = arith.mulf %mul3A, %dot_general3A_50 : vector<10000x128xf32>
    %sub3A = arith.subf %max3A_36, %mul3A_54 : vector<10000x128xf32>
    %mul3A_55 = arith.mulf %sub3A, %sub3A : vector<10000x128xf32>
    %dot_general3A_56 = arith.constant dense<0.000000e+00> : vector<64x128xf32>
    %dot_general3A_57 = tpu.matmul %convert_element_type3A_41, %mul3A_55, %dot_general3A_56 {dimension_numbers = #tpu.dot_dimension_numbers<[1], [0], [0], [1], [0, 0, 1, 1], [], []>, transpose_lhs_hint = false} : vector<64x10000xf32>, vector<10000x128xf32>, vector<64x128xf32> -> vector<64x128xf32>
    %div3A_58 = vector.broadcast %max3A_45 : vector<64x1xf32> to vector<64x128xf32>
    %div3A_59 = arith.divf %dot_general3A_57, %div3A_58 : vector<64x128xf32>
    %dot_general3A_60 = arith.constant dense<0.000000e+00> : vector<10000x128xf32>
    %dot_general3A_61 = tpu.matmul %convert_element_type3A_41, %div3A_59, %dot_general3A_60 {dimension_numbers = #tpu.dot_dimension_numbers<[0], [0], [1], [1], [0, 1, 1, 1], [], []>, transpose_lhs_hint = false} : vector<64x10000xf32>, vector<64x128xf32>, vector<10000x128xf32> -> vector<10000x128xf32>
    %add3A_62 = arith.constant 9.99999974E-6 : f32
    %add3A_63 = vector.broadcast %add3A_62 : f32 to vector<10000x128xf32>
    %add3A_64 = arith.addf %dot_general3A_61, %add3A_63 : vector<10000x128xf32>
    %sqrt3A = math.sqrt %add3A_64 : vector<10000x128xf32>
    %div3A_65 = arith.divf %sub3A, %sqrt3A : vector<10000x128xf32>
    %get3A_66 = arith.constant 0 : index
    %get3A_67 = arith.constant 0 : index
    %get3A_68 = vector.load %arg7[%get3A_66, %get3A_67] : memref<1x128xf32, #tpu.memory_space<vmem>>, vector<1x128xf32>
    %mul3A_69 = vector.broadcast %get3A_68 : vector<1x128xf32> to vector<10000x128xf32>
    %mul3A_70 = arith.mulf %div3A_65, %mul3A_69 : vector<10000x128xf32>
    %get3A_71 = arith.constant 0 : index
    %get3A_72 = arith.constant 0 : index
    %get3A_73 = vector.load %arg8[%get3A_71, %get3A_72] : memref<1x128xf32, #tpu.memory_space<vmem>>, vector<1x128xf32>
    %add3A_74 = vector.broadcast %get3A_73 : vector<1x128xf32> to vector<10000x128xf32>
    %add3A_75 = arith.addf %mul3A_70, %add3A_74 : vector<10000x128xf32>
    %max3A_76 = arith.constant 0.000000e+00 : f32
    %max3A_77 = vector.broadcast %max3A_76 : f32 to vector<10000x128xf32>
    %max3A_78 = arith.maximumf %add3A_75, %max3A_77 : vector<10000x128xf32>
    %swap3A = arith.constant 0 : index
    %swap3A_79 = arith.constant 0 : index
    %swap3A_80 = vector.load %arg10[%swap3A, %swap3A_79] : memref<10000x128xf32, #tpu.memory_space<vmem>>, vector<10000x128xf32>
    tpu.vector_store %arg10[%swap3A, %swap3A_79], %max3A_78 {strides = array<i32>} : memref<10000x128xf32, #tpu.memory_space<vmem>>, vector<10000x128xf32>,
    return
  }
}

module attributes {stable_mosaic.version = 14 : i64} {
  func.func @_tc_last_body(%arg0: memref<10000x128xf32, #tpu.memory_space<vmem>>, %arg1: memref<2x10000x128xf32, #tpu.memory_space<vmem>>, %arg2: memref<1x10000xi32, #tpu.memory_space<vmem>>, %arg3: memref<128x128xf32, #tpu.memory_space<vmem>>, %arg4: memref<1x128xf32, #tpu.memory_space<vmem>>, %arg5: memref<128x128xf32, #tpu.memory_space<vmem>>, %arg6: memref<1x128xf32, #tpu.memory_space<vmem>>, %arg7: memref<1x128xf32, #tpu.memory_space<vmem>>, %arg8: memref<1x128xf32, #tpu.memory_space<vmem>>, %arg9: memref<1x128xf32, #tpu.memory_space<vmem>>, %arg10: memref<128x128xf32, #tpu.memory_space<vmem>>, %arg11: memref<1x128xf32, #tpu.memory_space<vmem>>, %arg12: memref<128x128xf32, #tpu.memory_space<vmem>>, %arg13: memref<1x128xf32, #tpu.memory_space<vmem>>, %arg14: memref<128x10xf32, #tpu.memory_space<vmem>>, %arg15: memref<1x10xf32, #tpu.memory_space<vmem>>, %arg16: memref<64x10xf32, #tpu.memory_space<vmem>>) attributes {dimension_semantics = [], scalar_prefetch = 0 : i64, scratch_operands = 0 : i64, tpu.core_type = #tpu.core_type<tc>} {
    %get3A = arith.constant 0 : index
    %get3A_0 = arith.constant 0 : index
    %get3A_1 = vector.load %arg0[%get3A, %get3A_0] : memref<10000x128xf32, #tpu.memory_space<vmem>>, vector<10000x128xf32>
    %get3A_2 = arith.constant 0 : index
    %get3A_3 = arith.constant 0 : index
    %get3A_4 = arith.constant 0 : index
    %get3A_5 = vector.load %arg1[%get3A_2, %get3A_3, %get3A_4] : memref<2x10000x128xf32, #tpu.memory_space<vmem>>, vector<1x10000x128xf32>
    %get3A_6 = vector.shape_cast %get3A_5 : vector<1x10000x128xf32> to vector<10000x128xf32>
    %add3A = arith.addf %get3A_1, %get3A_6 : vector<10000x128xf32>
    %get3A_7 = arith.constant 1 : index
    %get3A_8 = arith.constant 0 : index
    %get3A_9 = arith.constant 0 : index
    %get3A_10 = vector.load %arg1[%get3A_7, %get3A_8, %get3A_9] : memref<2x10000x128xf32, #tpu.memory_space<vmem>>, vector<1x10000x128xf32>
    %get3A_11 = vector.shape_cast %get3A_10 : vector<1x10000x128xf32> to vector<10000x128xf32>
    %add3A_12 = arith.addf %add3A, %get3A_11 : vector<10000x128xf32>
    %get3A_13 = arith.constant 0 : index
    %get3A_14 = arith.constant 0 : index
    %get3A_15 = vector.load %arg3[%get3A_13, %get3A_14] : memref<128x128xf32, #tpu.memory_space<vmem>>, vector<128x128xf32>
    %dot_general3A = arith.constant dense<0.000000e+00> : vector<10000x128xf32>
    %dot_general3A_16 = tpu.matmul %add3A_12, %get3A_15, %dot_general3A {dimension_numbers = #tpu.dot_dimension_numbers<[1], [0], [0], [1], [0, 0, 1, 1], [], []>, transpose_lhs_hint = false} : vector<10000x128xf32>, vector<128x128xf32>, vector<10000x128xf32> -> vector<10000x128xf32>
    %get3A_17 = arith.constant 0 : index
    %get3A_18 = arith.constant 0 : index
    %get3A_19 = vector.load %arg4[%get3A_17, %get3A_18] : memref<1x128xf32, #tpu.memory_space<vmem>>, vector<1x128xf32>
    %add3A_20 = vector.broadcast %get3A_19 : vector<1x128xf32> to vector<10000x128xf32>
    %add3A_21 = arith.addf %dot_general3A_16, %add3A_20 : vector<10000x128xf32>
    %max3A = arith.constant 0.000000e+00 : f32
    %max3A_22 = vector.broadcast %max3A : f32 to vector<10000x128xf32>
    %max3A_23 = arith.maximumf %add3A_21, %max3A_22 : vector<10000x128xf32>
    %get3A_24 = arith.constant 0 : index
    %get3A_25 = arith.constant 0 : index
    %get3A_26 = vector.load %arg5[%get3A_24, %get3A_25] : memref<128x128xf32, #tpu.memory_space<vmem>>, vector<128x128xf32>
    %dot_general3A_27 = arith.constant dense<0.000000e+00> : vector<10000x128xf32>
    %dot_general3A_28 = tpu.matmul %max3A_23, %get3A_26, %dot_general3A_27 {dimension_numbers = #tpu.dot_dimension_numbers<[1], [0], [0], [1], [0, 0, 1, 1], [], []>, transpose_lhs_hint = false} : vector<10000x128xf32>, vector<128x128xf32>, vector<10000x128xf32> -> vector<10000x128xf32>
    %get3A_29 = arith.constant 0 : index
    %get3A_30 = arith.constant 0 : index
    %get3A_31 = vector.load %arg6[%get3A_29, %get3A_30] : memref<1x128xf32, #tpu.memory_space<vmem>>, vector<1x128xf32>
    %add3A_32 = vector.broadcast %get3A_31 : vector<1x128xf32> to vector<10000x128xf32>
    %add3A_33 = arith.addf %dot_general3A_28, %add3A_32 : vector<10000x128xf32>
    %max3A_34 = arith.constant 0.000000e+00 : f32
    %max3A_35 = vector.broadcast %max3A_34 : f32 to vector<10000x128xf32>
    %max3A_36 = arith.maximumf %add3A_33, %max3A_35 : vector<10000x128xf32>
    %get3A_37 = arith.constant 0 : index
    %get3A_38 = arith.constant 0 : index
    %get3A_39 = vector.load %arg2[%get3A_37, %get3A_38] : memref<1x10000xi32, #tpu.memory_space<vmem>>, vector<1x10000xi32>
    %iota3A = tpu.iota {dimensions = array<i32: 0>} : vector<64x10000xi32>
    %eq3A = vector.broadcast %get3A_39 : vector<1x10000xi32> to vector<64x10000xi32>
    %eq3A_40 = arith.cmpi eq, %iota3A, %eq3A : vector<64x10000xi32>
    %convert_element_type3A = arith.extui %eq3A_40 : vector<64x10000xi1> to vector<64x10000xi32>
    %convert_element_type3A_41 = arith.sitofp %convert_element_type3A : vector<64x10000xi32> to vector<64x10000xf32>
    %reduce_sum3A = arith.constant dense<0.000000e+00> : vector<64xf32>
    %reduce_sum3A_42 = vector.multi_reduction <add>, %convert_element_type3A_41, %reduce_sum3A [1] : vector<64x10000xf32> to vector<64xf32>
    %broadcast_in_dim3A = vector.shape_cast %reduce_sum3A_42 : vector<64xf32> to vector<64x1xf32>
    %max3A_43 = arith.constant 1.000000e+00 : f32
    %max3A_44 = vector.broadcast %max3A_43 : f32 to vector<64x1xf32>
    %max3A_45 = arith.maximumf %broadcast_in_dim3A, %max3A_44 : vector<64x1xf32>
    %dot_general3A_46 = arith.constant dense<0.000000e+00> : vector<64x128xf32>
    %dot_general3A_47 = tpu.matmul %convert_element_type3A_41, %max3A_36, %dot_general3A_46 {dimension_numbers = #tpu.dot_dimension_numbers<[1], [0], [0], [1], [0, 0, 1, 1], [], []>, transpose_lhs_hint = false} : vector<64x10000xf32>, vector<10000x128xf32>, vector<64x128xf32> -> vector<64x128xf32>
    %div3A = vector.broadcast %max3A_45 : vector<64x1xf32> to vector<64x128xf32>
    %div3A_48 = arith.divf %dot_general3A_47, %div3A : vector<64x128xf32>
    %dot_general3A_49 = arith.constant dense<0.000000e+00> : vector<10000x128xf32>
    %dot_general3A_50 = tpu.matmul %convert_element_type3A_41, %div3A_48, %dot_general3A_49 {dimension_numbers = #tpu.dot_dimension_numbers<[0], [0], [1], [1], [0, 1, 1, 1], [], []>, transpose_lhs_hint = false} : vector<64x10000xf32>, vector<64x128xf32>, vector<10000x128xf32> -> vector<10000x128xf32>
    %get3A_51 = arith.constant 0 : index
    %get3A_52 = arith.constant 0 : index
    %get3A_53 = vector.load %arg9[%get3A_51, %get3A_52] : memref<1x128xf32, #tpu.memory_space<vmem>>, vector<1x128xf32>
    %mul3A = vector.broadcast %get3A_53 : vector<1x128xf32> to vector<10000x128xf32>
    %mul3A_54 = arith.mulf %mul3A, %dot_general3A_50 : vector<10000x128xf32>
    %sub3A = arith.subf %max3A_36, %mul3A_54 : vector<10000x128xf32>
    %mul3A_55 = arith.mulf %sub3A, %sub3A : vector<10000x128xf32>
    %dot_general3A_56 = arith.constant dense<0.000000e+00> : vector<64x128xf32>
    %dot_general3A_57 = tpu.matmul %convert_element_type3A_41, %mul3A_55, %dot_general3A_56 {dimension_numbers = #tpu.dot_dimension_numbers<[1], [0], [0], [1], [0, 0, 1, 1], [], []>, transpose_lhs_hint = false} : vector<64x10000xf32>, vector<10000x128xf32>, vector<64x128xf32> -> vector<64x128xf32>
    %div3A_58 = vector.broadcast %max3A_45 : vector<64x1xf32> to vector<64x128xf32>
    %div3A_59 = arith.divf %dot_general3A_57, %div3A_58 : vector<64x128xf32>
    %dot_general3A_60 = arith.constant dense<0.000000e+00> : vector<10000x128xf32>
    %dot_general3A_61 = tpu.matmul %convert_element_type3A_41, %div3A_59, %dot_general3A_60 {dimension_numbers = #tpu.dot_dimension_numbers<[0], [0], [1], [1], [0, 1, 1, 1], [], []>, transpose_lhs_hint = false} : vector<64x10000xf32>, vector<64x128xf32>, vector<10000x128xf32> -> vector<10000x128xf32>
    %add3A_62 = arith.constant 9.99999974E-6 : f32
    %add3A_63 = vector.broadcast %add3A_62 : f32 to vector<10000x128xf32>
    %add3A_64 = arith.addf %dot_general3A_61, %add3A_63 : vector<10000x128xf32>
    %sqrt3A = math.sqrt %add3A_64 : vector<10000x128xf32>
    %div3A_65 = arith.divf %sub3A, %sqrt3A : vector<10000x128xf32>
    %get3A_66 = arith.constant 0 : index
    %get3A_67 = arith.constant 0 : index
    %get3A_68 = vector.load %arg7[%get3A_66, %get3A_67] : memref<1x128xf32, #tpu.memory_space<vmem>>, vector<1x128xf32>
    %mul3A_69 = vector.broadcast %get3A_68 : vector<1x128xf32> to vector<10000x128xf32>
    %mul3A_70 = arith.mulf %div3A_65, %mul3A_69 : vector<10000x128xf32>
    %get3A_71 = arith.constant 0 : index
    %get3A_72 = arith.constant 0 : index
    %get3A_73 = vector.load %arg8[%get3A_71, %get3A_72] : memref<1x128xf32, #tpu.memory_space<vmem>>, vector<1x128xf32>
    %add3A_74 = vector.broadcast %get3A_73 : vector<1x128xf32> to vector<10000x128xf32>
    %add3A_75 = arith.addf %mul3A_70, %add3A_74 : vector<10000x128xf32>
    %max3A_76 = arith.constant 0.000000e+00 : f32
    %max3A_77 = vector.broadcast %max3A_76 : f32 to vector<10000x128xf32>
    %max3A_78 = arith.maximumf %add3A_75, %max3A_77 : vector<10000x128xf32>
    %dot_general3A_79 = arith.constant dense<0.000000e+00> : vector<64x128xf32>
    %dot_general3A_80 = tpu.matmul %convert_element_type3A_41, %max3A_78, %dot_general3A_79 {dimension_numbers = #tpu.dot_dimension_numbers<[1], [0], [0], [1], [0, 0, 1, 1], [], []>, transpose_lhs_hint = false} : vector<64x10000xf32>, vector<10000x128xf32>, vector<64x128xf32> -> vector<64x128xf32>
    %div3A_81 = vector.broadcast %max3A_45 : vector<64x1xf32> to vector<64x128xf32>
    %div3A_82 = arith.divf %dot_general3A_80, %div3A_81 : vector<64x128xf32>
    %get3A_83 = arith.constant 0 : index
    %get3A_84 = arith.constant 0 : index
    %get3A_85 = vector.load %arg10[%get3A_83, %get3A_84] : memref<128x128xf32, #tpu.memory_space<vmem>>, vector<128x128xf32>
    %dot_general3A_86 = arith.constant dense<0.000000e+00> : vector<64x128xf32>
    %dot_general3A_87 = tpu.matmul %div3A_82, %get3A_85, %dot_general3A_86 {dimension_numbers = #tpu.dot_dimension_numbers<[1], [0], [0], [1], [0, 0, 1, 1], [], []>, transpose_lhs_hint = false} : vector<64x128xf32>, vector<128x128xf32>, vector<64x128xf32> -> vector<64x128xf32>
    %get3A_88 = arith.constant 0 : index
    %get3A_89 = arith.constant 0 : index
    %get3A_90 = vector.load %arg11[%get3A_88, %get3A_89] : memref<1x128xf32, #tpu.memory_space<vmem>>, vector<1x128xf32>
    %add3A_91 = vector.broadcast %get3A_90 : vector<1x128xf32> to vector<64x128xf32>
    %add3A_92 = arith.addf %dot_general3A_87, %add3A_91 : vector<64x128xf32>
    %max3A_93 = arith.constant 0.000000e+00 : f32
    %max3A_94 = vector.broadcast %max3A_93 : f32 to vector<64x128xf32>
    %max3A_95 = arith.maximumf %add3A_92, %max3A_94 : vector<64x128xf32>
    %get3A_96 = arith.constant 0 : index
    %get3A_97 = arith.constant 0 : index
    %get3A_98 = vector.load %arg12[%get3A_96, %get3A_97] : memref<128x128xf32, #tpu.memory_space<vmem>>, vector<128x128xf32>
    %dot_general3A_99 = arith.constant dense<0.000000e+00> : vector<64x128xf32>
    %dot_general3A_100 = tpu.matmul %max3A_95, %get3A_98, %dot_general3A_99 {dimension_numbers = #tpu.dot_dimension_numbers<[1], [0], [0], [1], [0, 0, 1, 1], [], []>, transpose_lhs_hint = false} : vector<64x128xf32>, vector<128x128xf32>, vector<64x128xf32> -> vector<64x128xf32>
    %get3A_101 = arith.constant 0 : index
    %get3A_102 = arith.constant 0 : index
    %get3A_103 = vector.load %arg13[%get3A_101, %get3A_102] : memref<1x128xf32, #tpu.memory_space<vmem>>, vector<1x128xf32>
    %add3A_104 = vector.broadcast %get3A_103 : vector<1x128xf32> to vector<64x128xf32>
    %add3A_105 = arith.addf %dot_general3A_100, %add3A_104 : vector<64x128xf32>
    %max3A_106 = arith.constant 0.000000e+00 : f32
    %max3A_107 = vector.broadcast %max3A_106 : f32 to vector<64x128xf32>
    %max3A_108 = arith.maximumf %add3A_105, %max3A_107 : vector<64x128xf32>
    %get3A_109 = arith.constant 0 : index
    %get3A_110 = arith.constant 0 : index
    %get3A_111 = vector.load %arg14[%get3A_109, %get3A_110] : memref<128x10xf32, #tpu.memory_space<vmem>>, vector<128x10xf32>
    %dot_general3A_112 = arith.constant dense<0.000000e+00> : vector<64x10xf32>
    %dot_general3A_113 = tpu.matmul %max3A_108, %get3A_111, %dot_general3A_112 {dimension_numbers = #tpu.dot_dimension_numbers<[1], [0], [0], [1], [0, 0, 1, 1], [], []>, transpose_lhs_hint = false} : vector<64x128xf32>, vector<128x10xf32>, vector<64x10xf32> -> vector<64x10xf32>
    %get3A_114 = arith.constant 0 : index
    %get3A_115 = arith.constant 0 : index
    %get3A_116 = vector.load %arg15[%get3A_114, %get3A_115] : memref<1x10xf32, #tpu.memory_space<vmem>>, vector<1x10xf32>
    %add3A_117 = vector.broadcast %get3A_116 : vector<1x10xf32> to vector<64x10xf32>
    %add3A_118 = arith.addf %dot_general3A_113, %add3A_117 : vector<64x10xf32>
    %reduce_max3A = arith.constant dense<0xFF800000> : vector<64xf32>
    %reduce_max3A_119 = vector.multi_reduction <maximumf>, %add3A_118, %reduce_max3A [1] : vector<64x10xf32> to vector<64xf32>
    %broadcast_in_dim3A_120 = vector.shape_cast %reduce_max3A_119 : vector<64xf32> to vector<64x1xf32>
    %sub3A_121 = vector.broadcast %broadcast_in_dim3A_120 : vector<64x1xf32> to vector<64x10xf32>
    %sub3A_122 = arith.subf %add3A_118, %sub3A_121 : vector<64x10xf32>
    %exp3A = math.exp %sub3A_122 : vector<64x10xf32>
    %reduce_sum3A_123 = arith.constant dense<0.000000e+00> : vector<64xf32>
    %reduce_sum3A_124 = vector.multi_reduction <add>, %exp3A, %reduce_sum3A_123 [1] : vector<64x10xf32> to vector<64xf32>
    %broadcast_in_dim3A_125 = vector.shape_cast %reduce_sum3A_124 : vector<64xf32> to vector<64x1xf32>
    %log3A = math.log %broadcast_in_dim3A_125 : vector<64x1xf32>
    %sub3A_126 = vector.broadcast %log3A : vector<64x1xf32> to vector<64x10xf32>
    %sub3A_127 = arith.subf %sub3A_122, %sub3A_126 : vector<64x10xf32>
    %swap3A = arith.constant 0 : index
    %swap3A_128 = arith.constant 0 : index
    %swap3A_129 = vector.load %arg16[%swap3A, %swap3A_128] : memref<64x10xf32, #tpu.memory_space<vmem>>, vector<64x10xf32>
    tpu.vector_store %arg16[%swap3A, %swap3A_128], %sub3A_127 {strides = array<i32>} : memref<64x10xf32, #tpu.memory_space<vmem>>, vector<64x10xf32>,
    return
  }
}

</mosaic_0001>

<sc_bundles>
// kernel: kernel.11.cloned.1.call-start
scs
__scs_entry_jumppad:
0x0: {  	(pc) =	sbr.rel $0x88, $3  }
0x1: {  	(tag) =	ssettag $0x0;
	lr =	simm.s32 $0x1  }
0x2: {  	[smem:$0x3F83] =	sst lr;
	_ =	strace $0xD0000000  }
0x3: {  	_ = 	snop  }
0x4: {  	_ = 	snop  }
0x5: {  	_ = 	snop  }
0x6: {  	_ = 	snop  }
0x7: {  	_ = 	snop  }
__scs_overlays_trampoline_lowered:
0x8: {  	[smem:$0x3F92] =	sst s0  }
0x9: {  	[smem:$0x3F93] =	sst s1  }
0xa: {  	[smem:$0x3F94] =	sst s2  }
0xb: {  	[smem:$0x3F95] =	sst s3  }
0xc: {  	[smem:$0x3F96] =	sst s4  }
0xd: {  	[smem:$0x3F97] =	sst s5  }
0xe: {  	[smem:$0x3F98] =	sst s6  }
0xf: {  	[smem:$0x3F99] =	sst s7  }
0x10: {  	[smem:$0x3F9A] =	sst s8  }
0x11: {  	[smem:$0x3F9B] =	sst s9;
	s0 =	simm.s32 @!p0 $0x0  }
0x12: {  	s1 =	sld [smem:$0x3F81];
	s0 =	simm.s32 @p0 $0x1  }
0x13: {  	[smem:$0x3F9C] =	sst s0;
	s0 =	simm.s32 @!p1 $0x0  }
0x14: {  	s2 =	sld [smem:$0x3F80];
	s0 =	simm.s32 @p1 $0x1  }
0x15: {  	[smem:$0x3F9D] =	sst s0;
	s0 =	simm.s32 @!p2 $0x0  }
0x16: {  	s3 =	sld [smem:$0x3FDB];
	s0 =	simm.s32 @p2 $0x1  }
0x17: {  	s4 =	simm.s32 $0x1BF5;
	[smem:$0x3F9F] =	sst s0  }
0x18: {  	s0 =	sld [smem:$0x3F82];
	_ =	swait.ge [sflag:s4], $0x0  }
0x19: {  	s7 =	sld [smem:$0x3F83]  }
0x1a: {  	s8 =	sadd.s32 $0xFFFFE003, lr  }
0x1b: {  	s9 =	sadd.s32 $0xFFFFFEF7, lr;
	s5 =	simm.s32 $0xFFFFFFFF;
	p2 =	slt.u32 s8, $0xFFFFF086  }
0x1c: {  	p1 =	slt.u32 s9, $0xF7A;
	s5 =	simm.s32 @!p2 $0x0  }
0x1d: {  	s5 =	simm.s32 @p1 $0x1;
	p0 =	seq.s32 s7, s2  }
0x1e: {  	s7 =	smul.u32 @!p0 $0xF7A, s2;
	p2 =	seq.s32 @!p0 s5, $0x0  }
0x1f: {  	s9 =	smul.u32 $0xF7A, s1;
	s8 =	simm.s32 @!p0 $0x1BF5;
	p2 =	por !p2, p0  }
0x20: {  	[sflag:s8] =	ssyncset.s32 @!p0 $0xFFFFF086;
	s6 =	sadd.s32 @!p0 s3, s7;
	s7 =	simm.s32 @!p0 $0x108  }
0x21: {  	s3 =	sadd.s32 s3, s9;
	s6 =	sadd.s32 @!p0 $0x88, s6;
	s7 =	simm.s32 @p2 $0x1082  }
0x22: {  	[simem:s7], [sflag:s8] =	dma.local @!p0 [hbm:s6], $0xF7A  }
0x23: {  	s9 =	sor.u32 $0xD0000000, s2;
	s6 =	simm.s32 $0x108;
	_ =	swait.ge @!p0 [sflag:s8], $0x0  }
0x24: {  	s3 =	sadd.s32 $0x88, s3;
	s6 =	simm.s32 @!p1 $0x1082;
	[sflag:s4] =	ssyncset.s32 $0xFFFFF086  }
0x25: {  	[simem:s6], [sflag:s4] =	dma.local [hbm:s3], $0xF7A  }
0x26: {  	[smem:$0x3F83] =	sst s1;
	(tag) =	ssettag s2;
	_ =	strace s9  }
0x27: {  	s1 =	sld [smem:$0x3F93]  }
0x28: {  	s2 =	sld [smem:$0x3F94]  }
0x29: {  	s4 =	sld [smem:$0x3F96]  }
0x2a: {  	p0 =	seq.s32 s5, $0x0;
	s5 =	sld [smem:$0x3F97]  }
0x2b: {  	s6 =	sld [smem:$0x3F98]  }
0x2c: {  	s7 =	sld [smem:$0x3F99]  }
0x2d: {  	s3 =	simm.s32 $0x108;
	s8 =	sld [smem:$0x3F9A]  }
0x2e: {  	s3 =	simm.s32 @!p0 $0x1082;
	s9 =	sld [smem:$0x3F9B]  }
0x2f: {  	lr =	sadd.s32 s0, s3;
	s0 =	sld [smem:$0x3F92]  }
0x30: {  	s3 =	sld [smem:$0x3F95]  }
0x31: {  	[smem:$0x3F9E] =	sst s10  }
0x32: {  	s10 =	sld [smem:$0x3F9C];
	_ =	sdelay $0x3  }
0x33: {  	p0 =	seq.s32 s10, $0x1;
	s10 =	sld [smem:$0x3F9E];
	_ =	sdelay $0x3  }
0x34: {  	[smem:$0x3F9E] =	sst s10  }
0x35: {  	s10 =	sld [smem:$0x3F9D];
	_ =	sdelay $0x3  }
0x36: {  	p1 =	seq.s32 s10, $0x1;
	s10 =	sld [smem:$0x3F9E];
	_ =	sdelay $0x3  }
0x37: {  	[smem:$0x3F9E] =	sst s10  }
0x38: {  	s10 =	sld [smem:$0x3F9F]  }
0x39: {  	_ = 	snop;
	(pc) =	sbr.ind lr, $3  }
0x3a: {  	_ = 	snop  }
0x3b: {  	_ = 	snop  }
0x3c: {  	p2 =	seq.s32 s10, $0x1;
	s10 =	sld [smem:$0x3F9E]  }
0x3d: {  	_ =	shalt  }
0x3e: {  	_ =	shalt  }
0x3f: {  	_ =	shalt  }
0x40: {  	_ =	shalt  }
0x41: {  	_ =	shalt  }
0x42: {  	_ =	shalt  }
0x43: {  	_ =	shalt  }
0x44: {  	_ =	shalt  }
0x45: {  	_ =	shalt  }
0x46: {  	_ =	shalt  }
0x47: {  	_ =	shalt  }
0x48: {  	_ =	shalt  }
0x49: {  	_ =	shalt  }
0x4a: {  	_ =	shalt  }
0x4b: {  	_ =	shalt  }
0x4c: {  	_ =	shalt  }
0x4d: {  	_ =	shalt  }
0x4e: {  	_ =	shalt  }
0x4f: {  	_ =	shalt  }
0x50: {  	_ =	shalt  }
0x51: {  	_ =	shalt  }
0x52: {  	_ =	shalt  }
0x53: {  	_ =	shalt  }
0x54: {  	_ =	shalt  }
0x55: {  	_ =	shalt  }
0x56: {  	_ =	shalt  }
0x57: {  	_ =	shalt  }
0x58: {  	_ =	shalt  }
0x59: {  	_ =	shalt  }
0x5a: {  	_ =	shalt  }
0x5b: {  	_ =	shalt  }
0x5c: {  	_ =	shalt  }
0x5d: {  	_ =	shalt  }
0x5e: {  	_ =	shalt  }
0x5f: {  	_ =	shalt  }
0x60: {  	_ =	shalt  }
0x61: {  	_ =	shalt  }
0x62: {  	_ =	shalt  }
0x63: {  	_ =	shalt  }
0x64: {  	_ =	shalt  }
0x65: {  	_ =	shalt  }
0x66: {  	_ =	shalt  }
0x67: {  	_ =	shalt  }
0x68: {  	_ =	shalt  }
0x69: {  	_ =	shalt  }
0x6a: {  	_ =	shalt  }
0x6b: {  	_ =	shalt  }
0x6c: {  	_ =	shalt  }
0x6d: {  	_ =	shalt  }
0x6e: {  	_ =	shalt  }
0x6f: {  	_ =	shalt  }
0x70: {  	_ =	shalt  }
0x71: {  	_ =	shalt  }
0x72: {  	_ =	shalt  }
0x73: {  	_ =	shalt  }
0x74: {  	_ =	shalt  }
0x75: {  	_ =	shalt  }
0x76: {  	_ =	shalt  }
0x77: {  	_ =	shalt  }
0x78: {  	_ =	shalt  }
0x79: {  	_ =	shalt  }
0x7a: {  	_ =	shalt  }
0x7b: {  	_ =	shalt  }
0x7c: {  	_ =	shalt  }
0x7d: {  	_ =	shalt  }
0x7e: {  	_ =	shalt  }
0x7f: {  	_ =	shalt  }
0x80: {  	_ =	shalt  }
0x81: {  	_ =	shalt  }
0x82: {  	_ =	shalt  }
0x83: {  	_ =	shalt  }
0x84: {  	_ =	shalt  }
0x85: {  	_ =	shalt  }
0x86: {  	_ =	shalt  }
0x87: {  	_ =	shalt  }
.Lfunc_end0:
.L_simem_size_0:
called_computation.1_lowered:
.L_overlay_start_0:
0x88: {  	s2 =	sld [smem:$0x3FD9]  }
0x89: {  	s3 =	sld [smem:$0x3FFE];
	_ =	sdelay $0x1  }
0x8a: {  	s1 =	srdreg.scid  }
0x8b: {  	s0 =	sand.u32 $0x1, s1  }
0x8c: {  	s16 =	sshll.u32 s0, $0xA;
	s2 =	sadd.s32 s3, s2  }
0x8d: {  	s2 =	sadd.s32 s2, s16  }
0x8e: {  	[smem:$0x3FAA] =	sst s2  }
0x8f: {  	_ = 	snop  }
0x90: {  	(tm) =	ssettm $0x1  }
0x91: {  	s17 =	sld [smem:$0x3FFB];
	_ =	sdelay $0x3  }
0x92: {  	_ =	strace s17  }
0x93: {  	s2 =	sld [smem:$0x3FFC];
	_ =	sdelay $0x3  }
0x94: {  	_ =	strace s2  }
0x95: {  	s2 =	sld [smem:$0x3FFD];
	_ =	sdelay $0x3  }
0x96: {  	_ =	strace s2  }
0x97: {  	_ =	strace $0x8FFFFFFF  }
0x98: {  	s18 =	sld [smem:$0x3FDB];
	_ =	sdelay $0x1  }
0x99: {  	s19 =	simm.s32 $_scs_section_size  }
0x9a: {  	s4 =	simm.s32 $_size__tile_overlayer_lowered;
	s5 =	simm.s32 $_tile_overlayer_lowered  }
0x9b: {  	s22 =	simm.s32 $0x1BFF;
	s21 =	sshll.u32 s5, $0x1;
	s2 =	sadd.s32 s19, s18  }
0x9c: {  	s6 =	simm.s32 $0x0;
	s20 =	sshll.u32 s4, $0x1;
	s4 =	sadd.s32 s21, s2  }
0x9d: {  	[timem:s6], [sflag:s22] =	dma.local [hbm:s4], s20  }
0x9e: {  	_ =	swait.ge [sflag:s22], s20  }
0x9f: {  	s3 =	ssub.s32 $0x0, s20;
	[sflag:s22] =	ssyncset.done $0x0  }
0xa0: {  	[sflag:s22] =	ssyncadd.s32 s3;
	_ =	sdelay $0x1  }
0xa1: {  	s23 =	simm.s32 $0x1B8B  }
0xa2: {  	_ =	swait.ge [sflag:s23], $0x1  }
0xa3: {  	[sflag:s23] =	ssyncset.done $0x0  }
0xa4: {  	s25 =	simm.s32 $0x1B8E;
	s24 =	sld [smem:$0x3FFE];
	[sflag:s23] =	ssyncadd.s32 $0xFFFFFFFF  }
0xa5: {  	s26 =	simm.s32 $execute0_lowered;
	[smem:$0x3FD2] =	sst s25  }
0xa6: {  	s4 =	sshll.u32 s26, $0x1;
	_ =	strace $0x80000049;
	[dreg:$0x1] =	wrdreg $0xFFFFFFFF  }
0xa7: {  	s28 =	simm.s32 $_size_execute0_lowered;
	s2 =	sadd.s32 s2, s4;
	[dreg:$0x0] =	wrdreg $0x0  }
0xa8: {  	s4 =	sshll.u32 s28, $0x1;
	[dreg:$0x2] =	wrdreg s2  }
0xa9: {  	[dreg:$0x3] =	wrdreg s4  }
0xaa: {  	[dreg:$0x4] =	wrdreg $0xC0  }
0xab: {  	_ =	task [dreg:s6], $0x5FFFF  }
0xac: {  	[dreg:$0x1] =	wrdreg $0xFFFFFFFF  }
0xad: {  	[dreg:$0x0] =	wrdreg $0x60  }
0xae: {  	[dreg:$0x2] =	wrdreg s24  }
0xaf: {  	[dreg:$0x3] =	wrdreg $0xBB800  }
0xb0: {  	[dreg:$0x4] =	wrdreg $0x9  }
0xb1: {  	_ =	task.clear_ibuf [dreg:s6], $0x5FFFF;
	_ =	strace $0x90000049  }
0xb2: {  	s29 =	simm.s32 $0x9;
	_ =	strace $0x8000004B  }
0xb3: {  	_ =	swait.ge [sflag:s29], $0x1  }
0xb4: {  	[sflag:s29] =	ssyncadd.s32 $0xFFFFFFFF  }
0xb5: {  	_ =	strace $0x9000004B  }
0xb6: {  	_ =	sfence  }
0xb7: {  	s30 =	sld [smem:$0x0];
	_ =	sdelay $0x2  }
0xb8: {  	s31 =	sshll.u32 s1, $0xD;
	s1 =	sshrl.u32 s1, $0x2  }
0xb9: {  	s3 =	sand.u32 $0x4000, s31;
	s1 =	sadd.s32 s1, s30  }
0xba: {  	s0 =	sor.u32 s3, s0;
	s1 =	sshll.u32 s1, $0x11  }
0xbb: {  	s0 =	sor.u32 s1, s0  }
0xbc: {  	s0 =	sadd.s32 $0x8F2B, s0  }
0xbd: {  	[sflag:s0] =	ssyncadd.remote.s32 $0x1  }
0xbe: {  	_ =	sfence.sel $0xFFFF  }
0xbf: {  	[dreg:$0x0] =	wrdreg $0xFFFFFFFF;
	(pc) =	sbr.abs _section_cstart, $3  }
0xc0: {  	[dreg:$0x1] =	wrdreg $0xFFFFFFFF  }
0xc1: {  	_ =	task.clear_ibuf [dreg:s6], $0x2FFFF;
	_ =	strace $0x9FFFFFFF  }
0xc2: {  	(tm) =	ssettm $0x7FFFFFFF  }
0xc3: {  	_ =	shalt  }
tec
execute0_lowered:
.L_overlay_start_1:
0x0: {  	(tag) =	ssettag $0x1  }
0x1: {  	s0 =	srdreg.scid;
	s5 =	rddreg [dreg:$0x0]  }
0x2: {  	s11 =	stileid.u32;
	s2 =	rddreg [dreg:$0x1];
	s3 =	simm.s32 $0x0  }
0x3: {  	s12 =	simm.s32 $0x32;
	s13 =	simm.s32 $0x5780;
	s14 =	simm.s32 $0x38  }
0x4: {  	s15 =	simm.s32 $0x7080;
	s16 =	simm.s32 $0x70;
	s17 =	simm.s32 $0x8980  }
0x5: {  	s18 =	simm.s32 $0xA8;
	s19 =	simm.s32 $0xA280;
	s22 =	simm.s32 $0x1  }
0x6: {  	s23 =	simm.s32 $0x2;
	s24 =	simm.s32 $0x3;
	s28 =	simm.s32 $0x56D8  }
0x7: {  	s29 =	simm.s32 $0x5710;
	s30 =	simm.s32 $0x5748;
	s31 =	simm.s32 $0x0  }
0x8: {  	s0 =	sand.u32 $0x1, s0;
	s7 =	smul.u32 $0x13880, s11;
	[smem:$0x7FF] =	sst s3  }
0x9: {  	s4 =	sadd.s32 $0x43000, s5;
	s26 =	sshll.u32 s11, $0x6;
	s1 =	sshll.u32 s0, $0x4  }
0xa: {  	s6 =	smul.u32 $0x138800, s0;
	_ =	strace $0x8000004A;
	s0 =	ssub.s32 $0x2, s0  }
0xb: {  	s20 =	sor.u32 $0x1C05, s26;
	s26 =	simm.s32 $0x56A0;
	s1 =	sor.u32 s11, s1  }
0xc: {  	s8 =	sshrl.u32 s7, $0x3;
	s9 =	sshrl.u32 s0, $0x1;
	s25 =	sadd.s32 s7, s2  }
0xd: {  	s1 =	smul.u32 $0x578, s1;
	s6 =	sadd.s32 s7, s6;
	s8 =	sadd.s32 s8, s5  }
0xe: {  	s0 =	ssub.s32 s0, s9;
	s21 =	sshrl.u32 s25, $0x3;
	s25 =	simm.s32 $0x4  }
0xf: {  	s6 =	sshrl.u32 s6, $0x3;
	s7 =	sadd.s32 $0x1BE00, s8;
	s1 =	sadd.s32 s1, s5  }
0x10: {  	s9 =	smax.u32 s0, $0x1;
	s10 =	sadd.s32 s6, s5;
	s5 =	sadd.s32 $0x10E00, s1  }
0x11: {  	s6 =	sadd.s32 $0x5E00, s1;
	s8 =	sadd.s32 $0x6A200, s10;
	s10 =	simm.s32 $0x5  }
.LBB2_1:
0x12: {  	[tilespmem:s3], [sflag:$0x5] =	stream.linear.gather [hbm4b:s5+s3], $0x2BC0, $0x38;
	[tilespmem:$0x1F400] =	vst v63  }
0x13: {  	_ =	swait.ge [sflag:s10], $0x2BC0  }
0x14: {  	[sflag:s10] =	ssyncset.done $0x0  }
0x15: {  	s0 =	simm.s32 $0x2BC0;
	[sflag:s10] =	ssyncadd.s32 $0xFFFFD440  }
0x16: {  	[tilespmem:s0], [sflag:$0x5] =	stream.linear.gather [hbm4b:s6+s3], $0x2BC0, $0x38;
	[tilespmem:$0x1F400] =	vst v63  }
0x17: {  	_ =	swait.ge [sflag:s10], $0x2BC0  }
0x18: {  	[sflag:s10] =	ssyncset.done $0x0  }
0x19: {  	[sflag:s10] =	ssyncadd.s32 $0xFFFFD440  }
0x1a: {  	[tilespmem:s13], [sflag:$0x1] =	stream.indirect.gather [hbm4b:s4+s12], $0x80, s3, s12, $0xb8;
	[tilespmem:$0x1F400] =	vst v63  }
0x1b: {  	_ = 	snop  }
0x1c: {  	[tilespmem:s15], [sflag:$0x2] =	stream.indirect.gather [hbm4b:s4+s12], $0x80, s14, s12, $0xb8;
	[tilespmem:$0x1F400] =	vst v63  }
0x1d: {  	_ = 	snop  }
0x1e: {  	[tilespmem:s17], [sflag:$0x3] =	stream.indirect.gather [hbm4b:s4+s12], $0x80, s16, s12, $0xb8;
	[tilespmem:$0x1F400] =	vst v63  }
0x1f: {  	_ = 	snop  }
0x20: {  	[tilespmem:s19], [sflag:$0x4] =	stream.indirect.gather [hbm4b:s4+s12], $0x80, s18, s12, $0xb8;
	[tilespmem:$0x1F400] =	vst v63  }
0x21: {  	[spmem:s21], [sflag:s20] =	dma.local [hbm:s7], $0x2710  }
0x22: {  	_ =	swait.ge [sflag:s10], $0x2710  }
0x23: {  	[sflag:s10] =	ssyncset.done $0x0  }
0x24: {  	[sflag:s10] =	ssyncadd.s32 $0xFFFFD8F0  }
0x25: {  	[bflag:$0x0] =	sbarrier.arrive $0xFFFF  }
0x26: {  	_ =	swait.ge [sflag:s22], $0x1900  }
0x27: {  	[sflag:s22] =	ssyncset.done $0x0  }
0x28: {  	s11 =	simm.s32 $0x2BC0;
	[sflag:s22] =	ssyncadd.s32 $0xFFFFE700  }
0x29: {  	[spmem:s2] =	stream.indirect.scatter.add.f32 [tilespmem:s13], [sflag:$0x5], $0x80, s11, s12, $0xb8;
	[tilespmem:$0x1F400] =	vst v63  }
0x2a: {  	_ =	swait.ge [sflag:s10], $0x1900  }
0x2b: {  	[sflag:s10] =	ssyncset.done $0x0  }
0x2c: {  	s1 =	simm.s32 $0xE0;
	[sflag:s10] =	ssyncadd.s32 $0xFFFFE700  }
0x2d: {  	[tilespmem:s13], [sflag:$0x1] =	stream.indirect.gather [hbm4b:s4+s12], $0x80, s1, s12, $0xb8;
	[tilespmem:$0x1F400] =	vst v63  }
0x2e: {  	_ =	swait.ge [sflag:s23], $0x1900  }
0x2f: {  	[sflag:s23] =	ssyncset.done $0x0  }
0x30: {  	s11 =	simm.s32 $0x2BF8;
	[sflag:s23] =	ssyncadd.s32 $0xFFFFE700  }
0x31: {  	[spmem:s2] =	stream.indirect.scatter.add.f32 [tilespmem:s15], [sflag:$0x5], $0x80, s11, s12, $0xb8;
	[tilespmem:$0x1F400] =	vst v63  }
0x32: {  	_ =	swait.ge [sflag:s10], $0x1900  }
0x33: {  	[sflag:s10] =	ssyncset.done $0x0  }
0x34: {  	s1 =	simm.s32 $0x118;
	[sflag:s10] =	ssyncadd.s32 $0xFFFFE700  }
0x35: {  	[tilespmem:s15], [sflag:$0x2] =	stream.indirect.gather [hbm4b:s4+s12], $0x80, s1, s12, $0xb8;
	[tilespmem:$0x1F400] =	vst v63  }
0x36: {  	_ =	swait.ge [sflag:s24], $0x1900  }
0x37: {  	[sflag:s24] =	ssyncset.done $0x0  }
0x38: {  	s11 =	simm.s32 $0x2C30;
	[sflag:s24] =	ssyncadd.s32 $0xFFFFE700  }
0x39: {  	[spmem:s2] =	stream.indirect.scatter.add.f32 [tilespmem:s17], [sflag:$0x5], $0x80, s11, s12, $0xb8;
	[tilespmem:$0x1F400] =	vst v63  }
0x3a: {  	_ =	swait.ge [sflag:s10], $0x1900  }
0x3b: {  	[sflag:s10] =	ssyncset.done $0x0  }
0x3c: {  	s1 =	simm.s32 $0x150;
	[sflag:s10] =	ssyncadd.s32 $0xFFFFE700  }
0x3d: {  	[tilespmem:s17], [sflag:$0x3] =	stream.indirect.gather [hbm4b:s4+s12], $0x80, s1, s12, $0xb8;
	[tilespmem:$0x1F400] =	vst v63  }
0x3e: {  	_ =	swait.ge [sflag:s25], $0x1900  }
0x3f: {  	[sflag:s25] =	ssyncset.done $0x0  }
0x40: {  	s11 =	simm.s32 $0x2C68;
	[sflag:s25] =	ssyncadd.s32 $0xFFFFE700  }
0x41: {  	[spmem:s2] =	stream.indirect.scatter.add.f32 [tilespmem:s19], [sflag:$0x5], $0x80, s11, s12, $0xb8;
	[tilespmem:$0x1F400] =	vst v63  }
0x42: {  	_ =	swait.ge [sflag:s10], $0x1900  }
0x43: {  	[sflag:s10] =	ssyncset.done $0x0  }
0x44: {  	s0 =	simm.s32 $0x188;
	s1 =	simm.s32 $0x380;
	[sflag:s10] =	ssyncadd.s32 $0xFFFFE700  }
.LBB2_2:
0x45: {  	[tilespmem:s19], [sflag:$0x4] =	stream.indirect.gather [hbm4b:s4+s12], $0x80, s0, s12, $0xb8;
	[tilespmem:$0x1F400] =	vst v63  }
0x46: {  	s0 =	smov.u32 s1  }
0x47: {  	p0 =	sne.s32 s1, $0xA800;
	s1 =	sadd.s32 $0x380, s1;
	_ =	swait.ge [sflag:s22], $0x1900  }
0x48: {  	s0 =	sshra.s32 s0, $0x2;
	[sflag:s22] =	ssyncset.done $0x0  }
0x49: {  	s11 =	sadd.s32 $0x2BC0, s0;
	[sflag:s22] =	ssyncadd.s32 $0xFFFFE700  }
0x4a: {  	[spmem:s2] =	stream.indirect.scatter.add.f32 [tilespmem:s13], [sflag:$0x5], $0x80, s11, s12, $0xb8;
	[tilespmem:$0x1F400] =	vst v63  }
0x4b: {  	_ =	swait.ge [sflag:s10], $0x1900  }
0x4c: {  	[sflag:s10] =	ssyncset.done $0x0  }
0x4d: {  	s11 =	sadd.s32 $0xE0, s0;
	[sflag:s10] =	ssyncadd.s32 $0xFFFFE700  }
0x4e: {  	[tilespmem:s13], [sflag:$0x1] =	stream.indirect.gather [hbm4b:s4+s12], $0x80, s11, s12, $0xb8;
	[tilespmem:$0x1F400] =	vst v63  }
0x4f: {  	_ =	swait.ge [sflag:s23], $0x1900  }
0x50: {  	[sflag:s23] =	ssyncset.done $0x0  }
0x51: {  	s11 =	sadd.s32 $0x2BF8, s0;
	[sflag:s23] =	ssyncadd.s32 $0xFFFFE700  }
0x52: {  	[spmem:s2] =	stream.indirect.scatter.add.f32 [tilespmem:s15], [sflag:$0x5], $0x80, s11, s12, $0xb8;
	[tilespmem:$0x1F400] =	vst v63  }
0x53: {  	_ =	swait.ge [sflag:s10], $0x1900  }
0x54: {  	[sflag:s10] =	ssyncset.done $0x0  }
0x55: {  	s11 =	sadd.s32 $0x118, s0;
	[sflag:s10] =	ssyncadd.s32 $0xFFFFE700  }
0x56: {  	[tilespmem:s15], [sflag:$0x2] =	stream.indirect.gather [hbm4b:s4+s12], $0x80, s11, s12, $0xb8;
	[tilespmem:$0x1F400] =	vst v63  }
0x57: {  	_ =	swait.ge [sflag:s24], $0x1900  }
0x58: {  	[sflag:s24] =	ssyncset.done $0x0  }
0x59: {  	s11 =	sadd.s32 $0x2C30, s0;
	[sflag:s24] =	ssyncadd.s32 $0xFFFFE700  }
0x5a: {  	[spmem:s2] =	stream.indirect.scatter.add.f32 [tilespmem:s17], [sflag:$0x5], $0x80, s11, s12, $0xb8;
	[tilespmem:$0x1F400] =	vst v63  }
0x5b: {  	_ =	swait.ge [sflag:s10], $0x1900  }
0x5c: {  	[sflag:s10] =	ssyncset.done $0x0  }
0x5d: {  	s11 =	sadd.s32 $0x150, s0;
	[sflag:s10] =	ssyncadd.s32 $0xFFFFE700  }
0x5e: {  	[tilespmem:s17], [sflag:$0x3] =	stream.indirect.gather [hbm4b:s4+s12], $0x80, s11, s12, $0xb8;
	[tilespmem:$0x1F400] =	vst v63  }
0x5f: {  	_ =	swait.ge [sflag:s25], $0x1900  }
0x60: {  	[sflag:s25] =	ssyncset.done $0x0  }
.Ltmp0:
0x61: {  	s11 =	sadd.s32 $0x2C68, s0;
	[sflag:s25] =	ssyncadd.s32 $0xFFFFE700;
	(pc) =	sbr.rel @p0 .LBB2_2-.Ltmp0, $4  }
0x62: {  	[spmem:s2] =	stream.indirect.scatter.add.f32 [tilespmem:s19], [sflag:$0x5], $0x80, s11, s12, $0xb8;
	[tilespmem:$0x1F400] =	vst v63  }
0x63: {  	_ =	swait.ge [sflag:s10], $0x1900  }
0x64: {  	[sflag:s10] =	ssyncset.done $0x0  }
0x65: {  	s0 =	sadd.s32 $0x188, s0;
	[sflag:s10] =	ssyncadd.s32 $0xFFFFE700  }
0x66: {  	[tilespmem:s19], [sflag:$0x4] =	stream.indirect.gather [hbm4b:s4+s12], $0x80, s0, s12, $0xb8;
	[tilespmem:$0x1F400] =	vst v63  }
0x67: {  	_ =	swait.ge [sflag:s22], $0x1900  }
0x68: {  	[sflag:s22] =	ssyncset.done $0x0  }
0x69: {  	[sflag:s22] =	ssyncadd.s32 $0xFFFFE700  }
0x6a: {  	[spmem:s2] =	stream.indirect.scatter.add.f32 [tilespmem:s13], [sflag:$0x5], $0x80, s26, s12, $0xb8;
	[tilespmem:$0x1F400] =	vst v63  }
0x6b: {  	_ =	swait.ge [sflag:s10], $0x1900  }
0x6c: {  	[sflag:s10] =	ssyncset.done $0x0  }
0x6d: {  	[sflag:s10] =	ssyncadd.s32 $0xFFFFE700  }
0x6e: {  	_ =	swait.ge [sflag:s23], $0x1900  }
0x6f: {  	[sflag:s23] =	ssyncset.done $0x0  }
0x70: {  	[sflag:s23] =	ssyncadd.s32 $0xFFFFE700  }
0x71: {  	[spmem:s2] =	stream.indirect.scatter.add.f32 [tilespmem:s15], [sflag:$0x5], $0x80, s28, s12, $0xb8;
	[tilespmem:$0x1F400] =	vst v63  }
0x72: {  	_ =	swait.ge [sflag:s10], $0x1900  }
0x73: {  	[sflag:s10] =	ssyncset.done $0x0  }
0x74: {  	[sflag:s10] =	ssyncadd.s32 $0xFFFFE700  }
0x75: {  	_ =	swait.ge [sflag:s24], $0x1900  }
0x76: {  	[sflag:s24] =	ssyncset.done $0x0  }
0x77: {  	[sflag:s24] =	ssyncadd.s32 $0xFFFFE700  }
0x78: {  	[spmem:s2] =	stream.indirect.scatter.add.f32 [tilespmem:s17], [sflag:$0x5], $0x80, s29, s12, $0xb8;
	[tilespmem:$0x1F400] =	vst v63  }
0x79: {  	_ =	swait.ge [sflag:s10], $0x1900  }
0x7a: {  	[sflag:s10] =	ssyncset.done $0x0  }
0x7b: {  	[sflag:s10] =	ssyncadd.s32 $0xFFFFE700  }
0x7c: {  	_ =	swait.ge [sflag:s25], $0x1900  }
0x7d: {  	[sflag:s25] =	ssyncset.done $0x0  }
0x7e: {  	[sflag:s25] =	ssyncadd.s32 $0xFFFFE700  }
0x7f: {  	[spmem:s2] =	stream.indirect.scatter.add.f32 [tilespmem:s19], [sflag:$0x5], $0x80, s30, s12, $0xb8;
	[tilespmem:$0x1F400] =	vst v63  }
0x80: {  	_ =	swait.ge [sflag:s10], $0x1900  }
0x81: {  	s31 =	sadd.s32 $0x1, s31;
	[sflag:s10] =	ssyncset.done $0x0  }
0x82: {  	p0 =	sne.s32 s31, s9;
	[sflag:s10] =	ssyncadd.s32 $0xFFFFE700  }
.Ltmp1:
0x83: {  	[bflag:$0x0] =	sbarrier.arrive $0xFFFF;
	(pc) =	sbr.rel @p0 .LBB2_1-.Ltmp1, $4  }
0x84: {  	[hbm:s8], [sflag:s20] =	dma.local [spmem:s21], $0x2710  }
0x85: {  	_ =	swait.ge [sflag:s10], $0x2710  }
0x86: {  	[sflag:s10] =	ssyncset.done $0x0  }
0x87: {  	[sflag:s10] =	ssyncadd.s32 $0xFFFFD8F0  }
0x88: {  	_ =	sfence.sel $0x180000  }
0x89: {  	[bflag:$0x0] =	sbarrier.arrive $0xFFFF  }
0x8a: {  	_ =	strace $0x9000004A  }
0x8b: {  	s0 =	stileid.u32;
	[bflag:$0x2] =	sbarrier.arrive $0xFFFF  }
0x8c: {  	p0 =	sne.s32 s0, $0x0;
	s0 =	rddreg [dreg:$0x2]  }
0x8d: {  	s0 =	sadd.s32 @!p0 $0x100000, s0  }
0x8e: {  	[sflag:s0] =	ssyncadd.tile.s32 @!p0 $0x1;
	_ =	shalt  }
.Lfunc_end2:
_tile_overlayer_lowered:
.L_overlay_start_2:
0x8f: {  	(tag) =	ssettag $0x2  }
0x90: {  	s0 =	rddreg [dreg:$0x0];
	s2 =	stileid.u32  }
0x91: {  	s1 =	rddreg [dreg:$0x1];
	p0 =	sne.s32 s2, $0x0  }
0x92: {  	s3 =	rddreg [dreg:$0x2];
	[bflag:$0x3] =	sbarrier.arrive $0xFFFF;
	s2 =	simm.s32 @!p0 $0x1C05  }
0x93: {  	[timem:s3], [sflag:s2] =	dma.local @!p0 [hbm:s0], s1  }
0x94: {  	s0 =	simm.s32 @!p0 $0x5  }
0x95: {  	_ =	swait.ge @!p0 [sflag:s0], s1  }
0x96: {  	s1 =	ssub.s32 @!p0 $0x0, s1;
	[sflag:s0] =	ssyncset.done @!p0 $0x0  }
0x97: {  	[sflag:s0] =	ssyncadd.s32 @!p0 s1  }
0x98: {  	[bflag:$0x3] =	sbarrier.arrive $0xFFFF  }
0x99: {  	_ =	shalt  }

// kernel: kernel.14.cloned.1.call-start
scs
__scs_entry_jumppad:
0x0: {  	(pc) =	sbr.rel $0x88, $3  }
0x1: {  	(tag) =	ssettag $0x0;
	lr =	simm.s32 $0x1  }
0x2: {  	[smem:$0x3F83] =	sst lr;
	_ =	strace $0xD0000000  }
0x3: {  	_ = 	snop  }
0x4: {  	_ = 	snop  }
0x5: {  	_ = 	snop  }
0x6: {  	_ = 	snop  }
0x7: {  	_ = 	snop  }
__scs_overlays_trampoline_lowered:
0x8: {  	[smem:$0x3F92] =	sst s0  }
0x9: {  	[smem:$0x3F93] =	sst s1  }
0xa: {  	[smem:$0x3F94] =	sst s2  }
0xb: {  	[smem:$0x3F95] =	sst s3  }
0xc: {  	[smem:$0x3F96] =	sst s4  }
0xd: {  	[smem:$0x3F97] =	sst s5  }
0xe: {  	[smem:$0x3F98] =	sst s6  }
0xf: {  	[smem:$0x3F99] =	sst s7  }
0x10: {  	[smem:$0x3F9A] =	sst s8  }
0x11: {  	[smem:$0x3F9B] =	sst s9;
	s0 =	simm.s32 @!p0 $0x0  }
0x12: {  	s1 =	sld [smem:$0x3F81];
	s0 =	simm.s32 @p0 $0x1  }
0x13: {  	[smem:$0x3F9C] =	sst s0;
	s0 =	simm.s32 @!p1 $0x0  }
0x14: {  	s2 =	sld [smem:$0x3F80];
	s0 =	simm.s32 @p1 $0x1  }
0x15: {  	[smem:$0x3F9D] =	sst s0;
	s0 =	simm.s32 @!p2 $0x0  }
0x16: {  	s3 =	sld [smem:$0x3FDB];
	s0 =	simm.s32 @p2 $0x1  }
0x17: {  	s4 =	simm.s32 $0x1BF5;
	[smem:$0x3F9F] =	sst s0  }
0x18: {  	s0 =	sld [smem:$0x3F82];
	_ =	swait.ge [sflag:s4], $0x0  }
0x19: {  	s7 =	sld [smem:$0x3F83]  }
0x1a: {  	s8 =	sadd.s32 $0xFFFFE003, lr  }
0x1b: {  	s9 =	sadd.s32 $0xFFFFFEF7, lr;
	s5 =	simm.s32 $0xFFFFFFFF;
	p2 =	slt.u32 s8, $0xFFFFF086  }
0x1c: {  	p1 =	slt.u32 s9, $0xF7A;
	s5 =	simm.s32 @!p2 $0x0  }
0x1d: {  	s5 =	simm.s32 @p1 $0x1;
	p0 =	seq.s32 s7, s2  }
0x1e: {  	s7 =	smul.u32 @!p0 $0xF7A, s2;
	p2 =	seq.s32 @!p0 s5, $0x0  }
0x1f: {  	s9 =	smul.u32 $0xF7A, s1;
	s8 =	simm.s32 @!p0 $0x1BF5;
	p2 =	por !p2, p0  }
0x20: {  	[sflag:s8] =	ssyncset.s32 @!p0 $0xFFFFF086;
	s6 =	sadd.s32 @!p0 s3, s7;
	s7 =	simm.s32 @!p0 $0x108  }
0x21: {  	s3 =	sadd.s32 s3, s9;
	s6 =	sadd.s32 @!p0 $0x88, s6;
	s7 =	simm.s32 @p2 $0x1082  }
0x22: {  	[simem:s7], [sflag:s8] =	dma.local @!p0 [hbm:s6], $0xF7A  }
0x23: {  	s9 =	sor.u32 $0xD0000000, s2;
	s6 =	simm.s32 $0x108;
	_ =	swait.ge @!p0 [sflag:s8], $0x0  }
0x24: {  	s3 =	sadd.s32 $0x88, s3;
	s6 =	simm.s32 @!p1 $0x1082;
	[sflag:s4] =	ssyncset.s32 $0xFFFFF086  }
0x25: {  	[simem:s6], [sflag:s4] =	dma.local [hbm:s3], $0xF7A  }
0x26: {  	[smem:$0x3F83] =	sst s1;
	(tag) =	ssettag s2;
	_ =	strace s9  }
0x27: {  	s1 =	sld [smem:$0x3F93]  }
0x28: {  	s2 =	sld [smem:$0x3F94]  }
0x29: {  	s4 =	sld [smem:$0x3F96]  }
0x2a: {  	p0 =	seq.s32 s5, $0x0;
	s5 =	sld [smem:$0x3F97]  }
0x2b: {  	s6 =	sld [smem:$0x3F98]  }
0x2c: {  	s7 =	sld [smem:$0x3F99]  }
0x2d: {  	s3 =	simm.s32 $0x108;
	s8 =	sld [smem:$0x3F9A]  }
0x2e: {  	s3 =	simm.s32 @!p0 $0x1082;
	s9 =	sld [smem:$0x3F9B]  }
0x2f: {  	lr =	sadd.s32 s0, s3;
	s0 =	sld [smem:$0x3F92]  }
0x30: {  	s3 =	sld [smem:$0x3F95]  }
0x31: {  	[smem:$0x3F9E] =	sst s10  }
0x32: {  	s10 =	sld [smem:$0x3F9C];
	_ =	sdelay $0x3  }
0x33: {  	p0 =	seq.s32 s10, $0x1;
	s10 =	sld [smem:$0x3F9E];
	_ =	sdelay $0x3  }
0x34: {  	[smem:$0x3F9E] =	sst s10  }
0x35: {  	s10 =	sld [smem:$0x3F9D];
	_ =	sdelay $0x3  }
0x36: {  	p1 =	seq.s32 s10, $0x1;
	s10 =	sld [smem:$0x3F9E];
	_ =	sdelay $0x3  }
0x37: {  	[smem:$0x3F9E] =	sst s10  }
0x38: {  	s10 =	sld [smem:$0x3F9F]  }
0x39: {  	_ = 	snop;
	(pc) =	sbr.ind lr, $3  }
0x3a: {  	_ = 	snop  }
0x3b: {  	_ = 	snop  }
0x3c: {  	p2 =	seq.s32 s10, $0x1;
	s10 =	sld [smem:$0x3F9E]  }
0x3d: {  	_ =	shalt  }
0x3e: {  	_ =	shalt  }
0x3f: {  	_ =	shalt  }
0x40: {  	_ =	shalt  }
0x41: {  	_ =	shalt  }
0x42: {  	_ =	shalt  }
0x43: {  	_ =	shalt  }
0x44: {  	_ =	shalt  }
0x45: {  	_ =	shalt  }
0x46: {  	_ =	shalt  }
0x47: {  	_ =	shalt  }
0x48: {  	_ =	shalt  }
0x49: {  	_ =	shalt  }
0x4a: {  	_ =	shalt  }
0x4b: {  	_ =	shalt  }
0x4c: {  	_ =	shalt  }
0x4d: {  	_ =	shalt  }
0x4e: {  	_ =	shalt  }
0x4f: {  	_ =	shalt  }
0x50: {  	_ =	shalt  }
0x51: {  	_ =	shalt  }
0x52: {  	_ =	shalt  }
0x53: {  	_ =	shalt  }
0x54: {  	_ =	shalt  }
0x55: {  	_ =	shalt  }
0x56: {  	_ =	shalt  }
0x57: {  	_ =	shalt  }
0x58: {  	_ =	shalt  }
0x59: {  	_ =	shalt  }
0x5a: {  	_ =	shalt  }
0x5b: {  	_ =	shalt  }
0x5c: {  	_ =	shalt  }
0x5d: {  	_ =	shalt  }
0x5e: {  	_ =	shalt  }
0x5f: {  	_ =	shalt  }
0x60: {  	_ =	shalt  }
0x61: {  	_ =	shalt  }
0x62: {  	_ =	shalt  }
0x63: {  	_ =	shalt  }
0x64: {  	_ =	shalt  }
0x65: {  	_ =	shalt  }
0x66: {  	_ =	shalt  }
0x67: {  	_ =	shalt  }
0x68: {  	_ =	shalt  }
0x69: {  	_ =	shalt  }
0x6a: {  	_ =	shalt  }
0x6b: {  	_ =	shalt  }
0x6c: {  	_ =	shalt  }
0x6d: {  	_ =	shalt  }
0x6e: {  	_ =	shalt  }
0x6f: {  	_ =	shalt  }
0x70: {  	_ =	shalt  }
0x71: {  	_ =	shalt  }
0x72: {  	_ =	shalt  }
0x73: {  	_ =	shalt  }
0x74: {  	_ =	shalt  }
0x75: {  	_ =	shalt  }
0x76: {  	_ =	shalt  }
0x77: {  	_ =	shalt  }
0x78: {  	_ =	shalt  }
0x79: {  	_ =	shalt  }
0x7a: {  	_ =	shalt  }
0x7b: {  	_ =	shalt  }
0x7c: {  	_ =	shalt  }
0x7d: {  	_ =	shalt  }
0x7e: {  	_ =	shalt  }
0x7f: {  	_ =	shalt  }
0x80: {  	_ =	shalt  }
0x81: {  	_ =	shalt  }
0x82: {  	_ =	shalt  }
0x83: {  	_ =	shalt  }
0x84: {  	_ =	shalt  }
0x85: {  	_ =	shalt  }
0x86: {  	_ =	shalt  }
0x87: {  	_ =	shalt  }
.Lfunc_end0:
.L_simem_size_0:
called_computation.2_lowered:
.L_overlay_start_0:
0x88: {  	s2 =	sld [smem:$0x3FD9]  }
0x89: {  	s3 =	sld [smem:$0x3FFE];
	_ =	sdelay $0x1  }
0x8a: {  	s1 =	srdreg.scid  }
0x8b: {  	s0 =	sand.u32 $0x1, s1  }
0x8c: {  	s16 =	sshll.u32 s0, $0xA;
	s2 =	sadd.s32 s3, s2  }
0x8d: {  	s2 =	sadd.s32 s2, s16  }
0x8e: {  	[smem:$0x3FAA] =	sst s2  }
0x8f: {  	_ = 	snop  }
0x90: {  	(tm) =	ssettm $0x1  }
0x91: {  	s17 =	sld [smem:$0x3FFB];
	_ =	sdelay $0x3  }
0x92: {  	_ =	strace s17  }
0x93: {  	s2 =	sld [smem:$0x3FFC];
	_ =	sdelay $0x3  }
0x94: {  	_ =	strace s2  }
0x95: {  	s2 =	sld [smem:$0x3FFD];
	_ =	sdelay $0x3  }
0x96: {  	_ =	strace s2  }
0x97: {  	_ =	strace $0x8FFFFFFF  }
0x98: {  	s18 =	sld [smem:$0x3FDB];
	_ =	sdelay $0x1  }
0x99: {  	s19 =	simm.s32 $_scs_section_size  }
0x9a: {  	s4 =	simm.s32 $_size__tile_overlayer_lowered;
	s5 =	simm.s32 $_tile_overlayer_lowered  }
0x9b: {  	s22 =	simm.s32 $0x1BFF;
	s21 =	sshll.u32 s5, $0x1;
	s2 =	sadd.s32 s19, s18  }
0x9c: {  	s6 =	simm.s32 $0x0;
	s20 =	sshll.u32 s4, $0x1;
	s4 =	sadd.s32 s21, s2  }
0x9d: {  	[timem:s6], [sflag:s22] =	dma.local [hbm:s4], s20  }
0x9e: {  	_ =	swait.ge [sflag:s22], s20  }
0x9f: {  	s3 =	ssub.s32 $0x0, s20;
	[sflag:s22] =	ssyncset.done $0x0  }
0xa0: {  	[sflag:s22] =	ssyncadd.s32 s3;
	_ =	sdelay $0x1  }
0xa1: {  	s23 =	simm.s32 $0x1B8B  }
0xa2: {  	_ =	swait.ge [sflag:s23], $0x1  }
0xa3: {  	[sflag:s23] =	ssyncset.done $0x0  }
0xa4: {  	s25 =	simm.s32 $0x1B8E;
	s24 =	sld [smem:$0x3FFE];
	[sflag:s23] =	ssyncadd.s32 $0xFFFFFFFF  }
0xa5: {  	s26 =	simm.s32 $execute0_lowered;
	[smem:$0x3FD2] =	sst s25  }
0xa6: {  	s4 =	sshll.u32 s26, $0x1;
	_ =	strace $0x8000004C;
	[dreg:$0x1] =	wrdreg $0xFFFFFFFF  }
0xa7: {  	s28 =	simm.s32 $_size_execute0_lowered;
	s2 =	sadd.s32 s2, s4;
	[dreg:$0x0] =	wrdreg $0x0  }
0xa8: {  	s4 =	sshll.u32 s28, $0x1;
	[dreg:$0x2] =	wrdreg s2  }
0xa9: {  	[dreg:$0x3] =	wrdreg s4  }
0xaa: {  	[dreg:$0x4] =	wrdreg $0xC0  }
0xab: {  	_ =	task [dreg:s6], $0x5FFFF  }
0xac: {  	[dreg:$0x1] =	wrdreg $0xFFFFFFFF  }
0xad: {  	[dreg:$0x0] =	wrdreg $0x60  }
0xae: {  	[dreg:$0x2] =	wrdreg s24  }
0xaf: {  	[dreg:$0x3] =	wrdreg $0xBB800  }
0xb0: {  	[dreg:$0x4] =	wrdreg $0x9  }
0xb1: {  	_ =	task.clear_ibuf [dreg:s6], $0x5FFFF;
	_ =	strace $0x9000004C  }
0xb2: {  	s29 =	simm.s32 $0x9;
	_ =	strace $0x8000004E  }
0xb3: {  	_ =	swait.ge [sflag:s29], $0x1  }
0xb4: {  	[sflag:s29] =	ssyncadd.s32 $0xFFFFFFFF  }
0xb5: {  	_ =	strace $0x9000004E  }
0xb6: {  	_ =	sfence  }
0xb7: {  	s30 =	sld [smem:$0x0];
	_ =	sdelay $0x2  }
0xb8: {  	s31 =	sshll.u32 s1, $0xD;
	s1 =	sshrl.u32 s1, $0x2  }
0xb9: {  	s3 =	sand.u32 $0x4000, s31;
	s1 =	sadd.s32 s1, s30  }
0xba: {  	s0 =	sor.u32 s3, s0;
	s1 =	sshll.u32 s1, $0x11  }
0xbb: {  	s0 =	sor.u32 s1, s0  }
0xbc: {  	s0 =	sadd.s32 $0x8F2B, s0  }
0xbd: {  	[sflag:s0] =	ssyncadd.remote.s32 $0x1  }
0xbe: {  	_ =	sfence.sel $0xFFFF  }
0xbf: {  	[dreg:$0x0] =	wrdreg $0xFFFFFFFF;
	(pc) =	sbr.abs _section_cstart, $3  }
0xc0: {  	[dreg:$0x1] =	wrdreg $0xFFFFFFFF  }
0xc1: {  	_ =	task.clear_ibuf [dreg:s6], $0x2FFFF;
	_ =	strace $0x9FFFFFFF  }
0xc2: {  	(tm) =	ssettm $0x7FFFFFFF  }
0xc3: {  	_ =	shalt  }
tec
execute0_lowered:
.L_overlay_start_1:
0x0: {  	(tag) =	ssettag $0x1  }
0x1: {  	s0 =	srdreg.scid;
	s5 =	rddreg [dreg:$0x0]  }
0x2: {  	s11 =	stileid.u32;
	s2 =	rddreg [dreg:$0x1];
	s3 =	simm.s32 $0x0  }
0x3: {  	s12 =	simm.s32 $0x32;
	s13 =	simm.s32 $0x5780;
	s14 =	simm.s32 $0x38  }
0x4: {  	s15 =	simm.s32 $0x7080;
	s16 =	simm.s32 $0x70;
	s17 =	simm.s32 $0x8980  }
0x5: {  	s18 =	simm.s32 $0xA8;
	s19 =	simm.s32 $0xA280;
	s22 =	simm.s32 $0x1  }
0x6: {  	s23 =	simm.s32 $0x2;
	s24 =	simm.s32 $0x3;
	s28 =	simm.s32 $0x56D8  }
0x7: {  	s29 =	simm.s32 $0x5710;
	s30 =	simm.s32 $0x5748;
	s31 =	simm.s32 $0x0  }
0x8: {  	s0 =	sand.u32 $0x1, s0;
	s7 =	smul.u32 $0x13880, s11;
	[smem:$0x7FF] =	sst s3  }
0x9: {  	s4 =	sadd.s32 $0x43000, s5;
	s26 =	sshll.u32 s11, $0x6;
	s1 =	sshll.u32 s0, $0x4  }
0xa: {  	s6 =	smul.u32 $0x138800, s0;
	_ =	strace $0x8000004D;
	s0 =	ssub.s32 $0x2, s0  }
0xb: {  	s20 =	sor.u32 $0x1C05, s26;
	s26 =	simm.s32 $0x56A0;
	s1 =	sor.u32 s11, s1  }
0xc: {  	s8 =	sshrl.u32 s7, $0x3;
	s9 =	sshrl.u32 s0, $0x1;
	s25 =	sadd.s32 s7, s2  }
0xd: {  	s1 =	smul.u32 $0x578, s1;
	s6 =	sadd.s32 s7, s6;
	s8 =	sadd.s32 s8, s5  }
0xe: {  	s0 =	ssub.s32 s0, s9;
	s21 =	sshrl.u32 s25, $0x3;
	s25 =	simm.s32 $0x4  }
0xf: {  	s6 =	sshrl.u32 s6, $0x3;
	s7 =	sadd.s32 $0x1BE00, s8;
	s1 =	sadd.s32 s1, s5  }
0x10: {  	s9 =	smax.u32 s0, $0x1;
	s10 =	sadd.s32 s6, s5;
	s5 =	sadd.s32 $0x10E00, s1  }
0x11: {  	s6 =	sadd.s32 $0x5E00, s1;
	s8 =	sadd.s32 $0x6A200, s10;
	s10 =	simm.s32 $0x5  }
.LBB2_1:
0x12: {  	[tilespmem:s3], [sflag:$0x5] =	stream.linear.gather [hbm4b:s5+s3], $0x2BC0, $0x38;
	[tilespmem:$0x1F400] =	vst v63  }
0x13: {  	_ =	swait.ge [sflag:s10], $0x2BC0  }
0x14: {  	[sflag:s10] =	ssyncset.done $0x0  }
0x15: {  	s0 =	simm.s32 $0x2BC0;
	[sflag:s10] =	ssyncadd.s32 $0xFFFFD440  }
0x16: {  	[tilespmem:s0], [sflag:$0x5] =	stream.linear.gather [hbm4b:s6+s3], $0x2BC0, $0x38;
	[tilespmem:$0x1F400] =	vst v63  }
0x17: {  	_ =	swait.ge [sflag:s10], $0x2BC0  }
0x18: {  	[sflag:s10] =	ssyncset.done $0x0  }
0x19: {  	[sflag:s10] =	ssyncadd.s32 $0xFFFFD440  }
0x1a: {  	[tilespmem:s13], [sflag:$0x1] =	stream.indirect.gather [hbm4b:s4+s12], $0x80, s3, s12, $0xb8;
	[tilespmem:$0x1F400] =	vst v63  }
0x1b: {  	_ = 	snop  }
0x1c: {  	[tilespmem:s15], [sflag:$0x2] =	stream.indirect.gather [hbm4b:s4+s12], $0x80, s14, s12, $0xb8;
	[tilespmem:$0x1F400] =	vst v63  }
0x1d: {  	_ = 	snop  }
0x1e: {  	[tilespmem:s17], [sflag:$0x3] =	stream.indirect.gather [hbm4b:s4+s12], $0x80, s16, s12, $0xb8;
	[tilespmem:$0x1F400] =	vst v63  }
0x1f: {  	_ = 	snop  }
0x20: {  	[tilespmem:s19], [sflag:$0x4] =	stream.indirect.gather [hbm4b:s4+s12], $0x80, s18, s12, $0xb8;
	[tilespmem:$0x1F400] =	vst v63  }
0x21: {  	[spmem:s21], [sflag:s20] =	dma.local [hbm:s7], $0x2710  }
0x22: {  	_ =	swait.ge [sflag:s10], $0x2710  }
0x23: {  	[sflag:s10] =	ssyncset.done $0x0  }
0x24: {  	[sflag:s10] =	ssyncadd.s32 $0xFFFFD8F0  }
0x25: {  	[bflag:$0x0] =	sbarrier.arrive $0xFFFF  }
0x26: {  	_ =	swait.ge [sflag:s22], $0x1900  }
0x27: {  	[sflag:s22] =	ssyncset.done $0x0  }
0x28: {  	s11 =	simm.s32 $0x2BC0;
	[sflag:s22] =	ssyncadd.s32 $0xFFFFE700  }
0x29: {  	[spmem:s2] =	stream.indirect.scatter.add.f32 [tilespmem:s13], [sflag:$0x5], $0x80, s11, s12, $0xb8;
	[tilespmem:$0x1F400] =	vst v63  }
0x2a: {  	_ =	swait.ge [sflag:s10], $0x1900  }
0x2b: {  	[sflag:s10] =	ssyncset.done $0x0  }
0x2c: {  	s1 =	simm.s32 $0xE0;
	[sflag:s10] =	ssyncadd.s32 $0xFFFFE700  }
0x2d: {  	[tilespmem:s13], [sflag:$0x1] =	stream.indirect.gather [hbm4b:s4+s12], $0x80, s1, s12, $0xb8;
	[tilespmem:$0x1F400] =	vst v63  }
0x2e: {  	_ =	swait.ge [sflag:s23], $0x1900  }
0x2f: {  	[sflag:s23] =	ssyncset.done $0x0  }
0x30: {  	s11 =	simm.s32 $0x2BF8;
	[sflag:s23] =	ssyncadd.s32 $0xFFFFE700  }
0x31: {  	[spmem:s2] =	stream.indirect.scatter.add.f32 [tilespmem:s15], [sflag:$0x5], $0x80, s11, s12, $0xb8;
	[tilespmem:$0x1F400] =	vst v63  }
0x32: {  	_ =	swait.ge [sflag:s10], $0x1900  }
0x33: {  	[sflag:s10] =	ssyncset.done $0x0  }
0x34: {  	s1 =	simm.s32 $0x118;
	[sflag:s10] =	ssyncadd.s32 $0xFFFFE700  }
0x35: {  	[tilespmem:s15], [sflag:$0x2] =	stream.indirect.gather [hbm4b:s4+s12], $0x80, s1, s12, $0xb8;
	[tilespmem:$0x1F400] =	vst v63  }
0x36: {  	_ =	swait.ge [sflag:s24], $0x1900  }
0x37: {  	[sflag:s24] =	ssyncset.done $0x0  }
0x38: {  	s11 =	simm.s32 $0x2C30;
	[sflag:s24] =	ssyncadd.s32 $0xFFFFE700  }
0x39: {  	[spmem:s2] =	stream.indirect.scatter.add.f32 [tilespmem:s17], [sflag:$0x5], $0x80, s11, s12, $0xb8;
	[tilespmem:$0x1F400] =	vst v63  }
0x3a: {  	_ =	swait.ge [sflag:s10], $0x1900  }
0x3b: {  	[sflag:s10] =	ssyncset.done $0x0  }
0x3c: {  	s1 =	simm.s32 $0x150;
	[sflag:s10] =	ssyncadd.s32 $0xFFFFE700  }
0x3d: {  	[tilespmem:s17], [sflag:$0x3] =	stream.indirect.gather [hbm4b:s4+s12], $0x80, s1, s12, $0xb8;
	[tilespmem:$0x1F400] =	vst v63  }
0x3e: {  	_ =	swait.ge [sflag:s25], $0x1900  }
0x3f: {  	[sflag:s25] =	ssyncset.done $0x0  }
0x40: {  	s11 =	simm.s32 $0x2C68;
	[sflag:s25] =	ssyncadd.s32 $0xFFFFE700  }
0x41: {  	[spmem:s2] =	stream.indirect.scatter.add.f32 [tilespmem:s19], [sflag:$0x5], $0x80, s11, s12, $0xb8;
	[tilespmem:$0x1F400] =	vst v63  }
0x42: {  	_ =	swait.ge [sflag:s10], $0x1900  }
0x43: {  	[sflag:s10] =	ssyncset.done $0x0  }
0x44: {  	s0 =	simm.s32 $0x188;
	s1 =	simm.s32 $0x380;
	[sflag:s10] =	ssyncadd.s32 $0xFFFFE700  }
.LBB2_2:
0x45: {  	[tilespmem:s19], [sflag:$0x4] =	stream.indirect.gather [hbm4b:s4+s12], $0x80, s0, s12, $0xb8;
	[tilespmem:$0x1F400] =	vst v63  }
0x46: {  	s0 =	smov.u32 s1  }
0x47: {  	p0 =	sne.s32 s1, $0xA800;
	s1 =	sadd.s32 $0x380, s1;
	_ =	swait.ge [sflag:s22], $0x1900  }
0x48: {  	s0 =	sshra.s32 s0, $0x2;
	[sflag:s22] =	ssyncset.done $0x0  }
0x49: {  	s11 =	sadd.s32 $0x2BC0, s0;
	[sflag:s22] =	ssyncadd.s32 $0xFFFFE700  }
0x4a: {  	[spmem:s2] =	stream.indirect.scatter.add.f32 [tilespmem:s13], [sflag:$0x5], $0x80, s11, s12, $0xb8;
	[tilespmem:$0x1F400] =	vst v63  }
0x4b: {  	_ =	swait.ge [sflag:s10], $0x1900  }
0x4c: {  	[sflag:s10] =	ssyncset.done $0x0  }
0x4d: {  	s11 =	sadd.s32 $0xE0, s0;
	[sflag:s10] =	ssyncadd.s32 $0xFFFFE700  }
0x4e: {  	[tilespmem:s13], [sflag:$0x1] =	stream.indirect.gather [hbm4b:s4+s12], $0x80, s11, s12, $0xb8;
	[tilespmem:$0x1F400] =	vst v63  }
0x4f: {  	_ =	swait.ge [sflag:s23], $0x1900  }
0x50: {  	[sflag:s23] =	ssyncset.done $0x0  }
0x51: {  	s11 =	sadd.s32 $0x2BF8, s0;
	[sflag:s23] =	ssyncadd.s32 $0xFFFFE700  }
0x52: {  	[spmem:s2] =	stream.indirect.scatter.add.f32 [tilespmem:s15], [sflag:$0x5], $0x80, s11, s12, $0xb8;
	[tilespmem:$0x1F400] =	vst v63  }
0x53: {  	_ =	swait.ge [sflag:s10], $0x1900  }
0x54: {  	[sflag:s10] =	ssyncset.done $0x0  }
0x55: {  	s11 =	sadd.s32 $0x118, s0;
	[sflag:s10] =	ssyncadd.s32 $0xFFFFE700  }
0x56: {  	[tilespmem:s15], [sflag:$0x2] =	stream.indirect.gather [hbm4b:s4+s12], $0x80, s11, s12, $0xb8;
	[tilespmem:$0x1F400] =	vst v63  }
0x57: {  	_ =	swait.ge [sflag:s24], $0x1900  }
0x58: {  	[sflag:s24] =	ssyncset.done $0x0  }
0x59: {  	s11 =	sadd.s32 $0x2C30, s0;
	[sflag:s24] =	ssyncadd.s32 $0xFFFFE700  }
0x5a: {  	[spmem:s2] =	stream.indirect.scatter.add.f32 [tilespmem:s17], [sflag:$0x5], $0x80, s11, s12, $0xb8;
	[tilespmem:$0x1F400] =	vst v63  }
0x5b: {  	_ =	swait.ge [sflag:s10], $0x1900  }
0x5c: {  	[sflag:s10] =	ssyncset.done $0x0  }
0x5d: {  	s11 =	sadd.s32 $0x150, s0;
	[sflag:s10] =	ssyncadd.s32 $0xFFFFE700  }
0x5e: {  	[tilespmem:s17], [sflag:$0x3] =	stream.indirect.gather [hbm4b:s4+s12], $0x80, s11, s12, $0xb8;
	[tilespmem:$0x1F400] =	vst v63  }
0x5f: {  	_ =	swait.ge [sflag:s25], $0x1900  }
0x60: {  	[sflag:s25] =	ssyncset.done $0x0  }
.Ltmp0:
0x61: {  	s11 =	sadd.s32 $0x2C68, s0;
	[sflag:s25] =	ssyncadd.s32 $0xFFFFE700;
	(pc) =	sbr.rel @p0 .LBB2_2-.Ltmp0, $4  }
0x62: {  	[spmem:s2] =	stream.indirect.scatter.add.f32 [tilespmem:s19], [sflag:$0x5], $0x80, s11, s12, $0xb8;
	[tilespmem:$0x1F400] =	vst v63  }
0x63: {  	_ =	swait.ge [sflag:s10], $0x1900  }
0x64: {  	[sflag:s10] =	ssyncset.done $0x0  }
0x65: {  	s0 =	sadd.s32 $0x188, s0;
	[sflag:s10] =	ssyncadd.s32 $0xFFFFE700  }
0x66: {  	[tilespmem:s19], [sflag:$0x4] =	stream.indirect.gather [hbm4b:s4+s12], $0x80, s0, s12, $0xb8;
	[tilespmem:$0x1F400] =	vst v63  }
0x67: {  	_ =	swait.ge [sflag:s22], $0x1900  }
0x68: {  	[sflag:s22] =	ssyncset.done $0x0  }
0x69: {  	[sflag:s22] =	ssyncadd.s32 $0xFFFFE700  }
0x6a: {  	[spmem:s2] =	stream.indirect.scatter.add.f32 [tilespmem:s13], [sflag:$0x5], $0x80, s26, s12, $0xb8;
	[tilespmem:$0x1F400] =	vst v63  }
0x6b: {  	_ =	swait.ge [sflag:s10], $0x1900  }
0x6c: {  	[sflag:s10] =	ssyncset.done $0x0  }
0x6d: {  	[sflag:s10] =	ssyncadd.s32 $0xFFFFE700  }
0x6e: {  	_ =	swait.ge [sflag:s23], $0x1900  }
0x6f: {  	[sflag:s23] =	ssyncset.done $0x0  }
0x70: {  	[sflag:s23] =	ssyncadd.s32 $0xFFFFE700  }
0x71: {  	[spmem:s2] =	stream.indirect.scatter.add.f32 [tilespmem:s15], [sflag:$0x5], $0x80, s28, s12, $0xb8;
	[tilespmem:$0x1F400] =	vst v63  }
0x72: {  	_ =	swait.ge [sflag:s10], $0x1900  }
0x73: {  	[sflag:s10] =	ssyncset.done $0x0  }
0x74: {  	[sflag:s10] =	ssyncadd.s32 $0xFFFFE700  }
0x75: {  	_ =	swait.ge [sflag:s24], $0x1900  }
0x76: {  	[sflag:s24] =	ssyncset.done $0x0  }
0x77: {  	[sflag:s24] =	ssyncadd.s32 $0xFFFFE700  }
0x78: {  	[spmem:s2] =	stream.indirect.scatter.add.f32 [tilespmem:s17], [sflag:$0x5], $0x80, s29, s12, $0xb8;
	[tilespmem:$0x1F400] =	vst v63  }
0x79: {  	_ =	swait.ge [sflag:s10], $0x1900  }
0x7a: {  	[sflag:s10] =	ssyncset.done $0x0  }
0x7b: {  	[sflag:s10] =	ssyncadd.s32 $0xFFFFE700  }
0x7c: {  	_ =	swait.ge [sflag:s25], $0x1900  }
0x7d: {  	[sflag:s25] =	ssyncset.done $0x0  }
0x7e: {  	[sflag:s25] =	ssyncadd.s32 $0xFFFFE700  }
0x7f: {  	[spmem:s2] =	stream.indirect.scatter.add.f32 [tilespmem:s19], [sflag:$0x5], $0x80, s30, s12, $0xb8;
	[tilespmem:$0x1F400] =	vst v63  }
0x80: {  	_ =	swait.ge [sflag:s10], $0x1900  }
0x81: {  	s31 =	sadd.s32 $0x1, s31;
	[sflag:s10] =	ssyncset.done $0x0  }
0x82: {  	p0 =	sne.s32 s31, s9;
	[sflag:s10] =	ssyncadd.s32 $0xFFFFE700  }
.Ltmp1:
0x83: {  	[bflag:$0x0] =	sbarrier.arrive $0xFFFF;
	(pc) =	sbr.rel @p0 .LBB2_1-.Ltmp1, $4  }
0x84: {  	[hbm:s8], [sflag:s20] =	dma.local [spmem:s21], $0x2710  }
0x85: {  	_ =	swait.ge [sflag:s10], $0x2710  }
0x86: {  	[sflag:s10] =	ssyncset.done $0x0  }
0x87: {  	[sflag:s10] =	ssyncadd.s32 $0xFFFFD8F0  }
0x88: {  	_ =	sfence.sel $0x180000  }
0x89: {  	[bflag:$0x0] =	sbarrier.arrive $0xFFFF  }
0x8a: {  	_ =	strace $0x9000004D  }
0x8b: {  	s0 =	stileid.u32;
	[bflag:$0x2] =	sbarrier.arrive $0xFFFF  }
0x8c: {  	p0 =	sne.s32 s0, $0x0;
	s0 =	rddreg [dreg:$0x2]  }
0x8d: {  	s0 =	sadd.s32 @!p0 $0x100000, s0  }
0x8e: {  	[sflag:s0] =	ssyncadd.tile.s32 @!p0 $0x1;
	_ =	shalt  }
.Lfunc_end2:
_tile_overlayer_lowered:
.L_overlay_start_2:
0x8f: {  	(tag) =	ssettag $0x2  }
0x90: {  	s0 =	rddreg [dreg:$0x0];
	s2 =	stileid.u32  }
0x91: {  	s1 =	rddreg [dreg:$0x1];
	p0 =	sne.s32 s2, $0x0  }
0x92: {  	s3 =	rddreg [dreg:$0x2];
	[bflag:$0x3] =	sbarrier.arrive $0xFFFF;
	s2 =	simm.s32 @!p0 $0x1C05  }
0x93: {  	[timem:s3], [sflag:s2] =	dma.local @!p0 [hbm:s0], s1  }
0x94: {  	s0 =	simm.s32 @!p0 $0x5  }
0x95: {  	_ =	swait.ge @!p0 [sflag:s0], s1  }
0x96: {  	s1 =	ssub.s32 @!p0 $0x0, s1;
	[sflag:s0] =	ssyncset.done @!p0 $0x0  }
0x97: {  	[sflag:s0] =	ssyncadd.s32 @!p0 s1  }
0x98: {  	[bflag:$0x3] =	sbarrier.arrive $0xFFFF  }
0x99: {  	_ =	shalt  }

// kernel: kernel.8.cloned.1.call-start
scs
__scs_entry_jumppad:
0x0: {  	(pc) =	sbr.rel $0x88, $3  }
0x1: {  	(tag) =	ssettag $0x0;
	lr =	simm.s32 $0x1  }
0x2: {  	[smem:$0x3F83] =	sst lr;
	_ =	strace $0xD0000000  }
0x3: {  	_ = 	snop  }
0x4: {  	_ = 	snop  }
0x5: {  	_ = 	snop  }
0x6: {  	_ = 	snop  }
0x7: {  	_ = 	snop  }
__scs_overlays_trampoline_lowered:
0x8: {  	[smem:$0x3F92] =	sst s0  }
0x9: {  	[smem:$0x3F93] =	sst s1  }
0xa: {  	[smem:$0x3F94] =	sst s2  }
0xb: {  	[smem:$0x3F95] =	sst s3  }
0xc: {  	[smem:$0x3F96] =	sst s4  }
0xd: {  	[smem:$0x3F97] =	sst s5  }
0xe: {  	[smem:$0x3F98] =	sst s6  }
0xf: {  	[smem:$0x3F99] =	sst s7  }
0x10: {  	[smem:$0x3F9A] =	sst s8  }
0x11: {  	[smem:$0x3F9B] =	sst s9;
	s0 =	simm.s32 @!p0 $0x0  }
0x12: {  	s1 =	sld [smem:$0x3F81];
	s0 =	simm.s32 @p0 $0x1  }
0x13: {  	[smem:$0x3F9C] =	sst s0;
	s0 =	simm.s32 @!p1 $0x0  }
0x14: {  	s2 =	sld [smem:$0x3F80];
	s0 =	simm.s32 @p1 $0x1  }
0x15: {  	[smem:$0x3F9D] =	sst s0;
	s0 =	simm.s32 @!p2 $0x0  }
0x16: {  	s3 =	sld [smem:$0x3FDB];
	s0 =	simm.s32 @p2 $0x1  }
0x17: {  	s4 =	simm.s32 $0x1BF5;
	[smem:$0x3F9F] =	sst s0  }
0x18: {  	s0 =	sld [smem:$0x3F82];
	_ =	swait.ge [sflag:s4], $0x0  }
0x19: {  	s7 =	sld [smem:$0x3F83]  }
0x1a: {  	s8 =	sadd.s32 $0xFFFFE003, lr  }
0x1b: {  	s9 =	sadd.s32 $0xFFFFFEF7, lr;
	s5 =	simm.s32 $0xFFFFFFFF;
	p2 =	slt.u32 s8, $0xFFFFF086  }
0x1c: {  	p1 =	slt.u32 s9, $0xF7A;
	s5 =	simm.s32 @!p2 $0x0  }
0x1d: {  	s5 =	simm.s32 @p1 $0x1;
	p0 =	seq.s32 s7, s2  }
0x1e: {  	s7 =	smul.u32 @!p0 $0xF7A, s2;
	p2 =	seq.s32 @!p0 s5, $0x0  }
0x1f: {  	s9 =	smul.u32 $0xF7A, s1;
	s8 =	simm.s32 @!p0 $0x1BF5;
	p2 =	por !p2, p0  }
0x20: {  	[sflag:s8] =	ssyncset.s32 @!p0 $0xFFFFF086;
	s6 =	sadd.s32 @!p0 s3, s7;
	s7 =	simm.s32 @!p0 $0x108  }
0x21: {  	s3 =	sadd.s32 s3, s9;
	s6 =	sadd.s32 @!p0 $0x88, s6;
	s7 =	simm.s32 @p2 $0x1082  }
0x22: {  	[simem:s7], [sflag:s8] =	dma.local @!p0 [hbm:s6], $0xF7A  }
0x23: {  	s9 =	sor.u32 $0xD0000000, s2;
	s6 =	simm.s32 $0x108;
	_ =	swait.ge @!p0 [sflag:s8], $0x0  }
0x24: {  	s3 =	sadd.s32 $0x88, s3;
	s6 =	simm.s32 @!p1 $0x1082;
	[sflag:s4] =	ssyncset.s32 $0xFFFFF086  }
0x25: {  	[simem:s6], [sflag:s4] =	dma.local [hbm:s3], $0xF7A  }
0x26: {  	[smem:$0x3F83] =	sst s1;
	(tag) =	ssettag s2;
	_ =	strace s9  }
0x27: {  	s1 =	sld [smem:$0x3F93]  }
0x28: {  	s2 =	sld [smem:$0x3F94]  }
0x29: {  	s4 =	sld [smem:$0x3F96]  }
0x2a: {  	p0 =	seq.s32 s5, $0x0;
	s5 =	sld [smem:$0x3F97]  }
0x2b: {  	s6 =	sld [smem:$0x3F98]  }
0x2c: {  	s7 =	sld [smem:$0x3F99]  }
0x2d: {  	s3 =	simm.s32 $0x108;
	s8 =	sld [smem:$0x3F9A]  }
0x2e: {  	s3 =	simm.s32 @!p0 $0x1082;
	s9 =	sld [smem:$0x3F9B]  }
0x2f: {  	lr =	sadd.s32 s0, s3;
	s0 =	sld [smem:$0x3F92]  }
0x30: {  	s3 =	sld [smem:$0x3F95]  }
0x31: {  	[smem:$0x3F9E] =	sst s10  }
0x32: {  	s10 =	sld [smem:$0x3F9C];
	_ =	sdelay $0x3  }
0x33: {  	p0 =	seq.s32 s10, $0x1;
	s10 =	sld [smem:$0x3F9E];
	_ =	sdelay $0x3  }
0x34: {  	[smem:$0x3F9E] =	sst s10  }
0x35: {  	s10 =	sld [smem:$0x3F9D];
	_ =	sdelay $0x3  }
0x36: {  	p1 =	seq.s32 s10, $0x1;
	s10 =	sld [smem:$0x3F9E];
	_ =	sdelay $0x3  }
0x37: {  	[smem:$0x3F9E] =	sst s10  }
0x38: {  	s10 =	sld [smem:$0x3F9F]  }
0x39: {  	_ = 	snop;
	(pc) =	sbr.ind lr, $3  }
0x3a: {  	_ = 	snop  }
0x3b: {  	_ = 	snop  }
0x3c: {  	p2 =	seq.s32 s10, $0x1;
	s10 =	sld [smem:$0x3F9E]  }
0x3d: {  	_ =	shalt  }
0x3e: {  	_ =	shalt  }
0x3f: {  	_ =	shalt  }
0x40: {  	_ =	shalt  }
0x41: {  	_ =	shalt  }
0x42: {  	_ =	shalt  }
0x43: {  	_ =	shalt  }
0x44: {  	_ =	shalt  }
0x45: {  	_ =	shalt  }
0x46: {  	_ =	shalt  }
0x47: {  	_ =	shalt  }
0x48: {  	_ =	shalt  }
0x49: {  	_ =	shalt  }
0x4a: {  	_ =	shalt  }
0x4b: {  	_ =	shalt  }
0x4c: {  	_ =	shalt  }
0x4d: {  	_ =	shalt  }
0x4e: {  	_ =	shalt  }
0x4f: {  	_ =	shalt  }
0x50: {  	_ =	shalt  }
0x51: {  	_ =	shalt  }
0x52: {  	_ =	shalt  }
0x53: {  	_ =	shalt  }
0x54: {  	_ =	shalt  }
0x55: {  	_ =	shalt  }
0x56: {  	_ =	shalt  }
0x57: {  	_ =	shalt  }
0x58: {  	_ =	shalt  }
0x59: {  	_ =	shalt  }
0x5a: {  	_ =	shalt  }
0x5b: {  	_ =	shalt  }
0x5c: {  	_ =	shalt  }
0x5d: {  	_ =	shalt  }
0x5e: {  	_ =	shalt  }
0x5f: {  	_ =	shalt  }
0x60: {  	_ =	shalt  }
0x61: {  	_ =	shalt  }
0x62: {  	_ =	shalt  }
0x63: {  	_ =	shalt  }
0x64: {  	_ =	shalt  }
0x65: {  	_ =	shalt  }
0x66: {  	_ =	shalt  }
0x67: {  	_ =	shalt  }
0x68: {  	_ =	shalt  }
0x69: {  	_ =	shalt  }
0x6a: {  	_ =	shalt  }
0x6b: {  	_ =	shalt  }
0x6c: {  	_ =	shalt  }
0x6d: {  	_ =	shalt  }
0x6e: {  	_ =	shalt  }
0x6f: {  	_ =	shalt  }
0x70: {  	_ =	shalt  }
0x71: {  	_ =	shalt  }
0x72: {  	_ =	shalt  }
0x73: {  	_ =	shalt  }
0x74: {  	_ =	shalt  }
0x75: {  	_ =	shalt  }
0x76: {  	_ =	shalt  }
0x77: {  	_ =	shalt  }
0x78: {  	_ =	shalt  }
0x79: {  	_ =	shalt  }
0x7a: {  	_ =	shalt  }
0x7b: {  	_ =	shalt  }
0x7c: {  	_ =	shalt  }
0x7d: {  	_ =	shalt  }
0x7e: {  	_ =	shalt  }
0x7f: {  	_ =	shalt  }
0x80: {  	_ =	shalt  }
0x81: {  	_ =	shalt  }
0x82: {  	_ =	shalt  }
0x83: {  	_ =	shalt  }
0x84: {  	_ =	shalt  }
0x85: {  	_ =	shalt  }
0x86: {  	_ =	shalt  }
0x87: {  	_ =	shalt  }
.Lfunc_end0:
.L_simem_size_0:
called_computation_lowered:
.L_overlay_start_0:
0x88: {  	s2 =	sld [smem:$0x3FD9]  }
0x89: {  	s3 =	sld [smem:$0x3FFE];
	_ =	sdelay $0x1  }
0x8a: {  	s1 =	srdreg.scid  }
0x8b: {  	s0 =	sand.u32 $0x1, s1  }
0x8c: {  	s17 =	sshll.u32 s0, $0xA;
	s2 =	sadd.s32 s3, s2  }
0x8d: {  	s2 =	sadd.s32 s2, s17  }
0x8e: {  	[smem:$0x3FAA] =	sst s2  }
0x8f: {  	_ = 	snop  }
0x90: {  	s2 =	sld [smem:$0x3FC9];
	(tm) =	ssettm $0x1  }
0x91: {  	s18 =	sld [smem:$0x3FFB];
	_ =	sdelay $0x3  }
0x92: {  	_ =	strace s18  }
0x93: {  	s3 =	sld [smem:$0x3FFC];
	_ =	sdelay $0x3  }
0x94: {  	_ =	strace s3  }
0x95: {  	s3 =	sld [smem:$0x3FFD];
	_ =	sdelay $0x3  }
0x96: {  	_ =	strace s3  }
0x97: {  	_ =	strace $0x8FFFFFFF  }
0x98: {  	s19 =	sld [smem:$0x3FDB];
	_ =	sdelay $0x1  }
0x99: {  	s4 =	simm.s32 $_scs_section_size  }
0x9a: {  	s5 =	simm.s32 $_size__tile_overlayer_lowered;
	s6 =	simm.s32 $_tile_overlayer_lowered  }
0x9b: {  	s22 =	simm.s32 $0x1BFF;
	s21 =	sshll.u32 s6, $0x1;
	s3 =	sadd.s32 s4, s19  }
0x9c: {  	s7 =	simm.s32 $0x0;
	s20 =	sshll.u32 s5, $0x1;
	s5 =	sadd.s32 s21, s3  }
0x9d: {  	[timem:s7], [sflag:s22] =	dma.local [hbm:s5], s20  }
0x9e: {  	_ =	swait.ge [sflag:s22], s20  }
0x9f: {  	s4 =	ssub.s32 $0x0, s20;
	[sflag:s22] =	ssyncset.done $0x0  }
0xa0: {  	[sflag:s22] =	ssyncadd.s32 s4;
	_ =	sdelay $0x1  }
0xa1: {  	s23 =	simm.s32 $0x1B8B  }
0xa2: {  	_ =	swait.ge [sflag:s23], $0x1  }
0xa3: {  	[sflag:s23] =	ssyncset.done $0x0  }
0xa4: {  	s25 =	simm.s32 $0x1B8E;
	s24 =	sld [smem:$0x3FFE];
	[sflag:s23] =	ssyncadd.s32 $0xFFFFFFFF  }
0xa5: {  	s26 =	simm.s32 $execute0_lowered;
	[smem:$0x3FD2] =	sst s25  }
0xa6: {  	s5 =	sshll.u32 s26, $0x1;
	_ =	strace $0x80000046;
	[dreg:$0x1] =	wrdreg $0xFFFFFFFF  }
0xa7: {  	s28 =	simm.s32 $_size_execute0_lowered;
	s3 =	sadd.s32 s3, s5;
	[dreg:$0x0] =	wrdreg $0x0  }
0xa8: {  	s5 =	sshll.u32 s28, $0x1;
	[dreg:$0x2] =	wrdreg s3  }
0xa9: {  	[dreg:$0x3] =	wrdreg s5  }
0xaa: {  	[dreg:$0x4] =	wrdreg $0xC0  }
0xab: {  	_ =	task [dreg:s7], $0x5FFFF  }
0xac: {  	[dreg:$0x1] =	wrdreg $0xFFFFFFFF  }
0xad: {  	[dreg:$0x0] =	wrdreg $0x60  }
0xae: {  	[dreg:$0x2] =	wrdreg s2  }
0xaf: {  	[dreg:$0x3] =	wrdreg s24  }
0xb0: {  	[dreg:$0x4] =	wrdreg $0xBB800  }
0xb1: {  	[dreg:$0x5] =	wrdreg $0x9  }
0xb2: {  	_ =	task.clear_ibuf [dreg:s7], $0x6FFFF;
	_ =	strace $0x90000046  }
0xb3: {  	s29 =	simm.s32 $0x9;
	_ =	strace $0x80000048  }
0xb4: {  	_ =	swait.ge [sflag:s29], $0x1  }
0xb5: {  	[sflag:s29] =	ssyncadd.s32 $0xFFFFFFFF  }
0xb6: {  	_ =	strace $0x90000048  }
0xb7: {  	_ =	sfence  }
0xb8: {  	s30 =	sld [smem:$0x0];
	_ =	sdelay $0x2  }
0xb9: {  	s31 =	sshll.u32 s1, $0xD;
	s1 =	sshrl.u32 s1, $0x2  }
0xba: {  	s3 =	sand.u32 $0x4000, s31;
	s1 =	sadd.s32 s1, s30  }
0xbb: {  	s0 =	sor.u32 s3, s0;
	s1 =	sshll.u32 s1, $0x11  }
0xbc: {  	s0 =	sor.u32 s1, s0  }
0xbd: {  	s0 =	sadd.s32 $0x8F2B, s0  }
0xbe: {  	[sflag:s0] =	ssyncadd.remote.s32 $0x1  }
0xbf: {  	_ =	sfence.sel $0xFFFF  }
0xc0: {  	[dreg:$0x0] =	wrdreg $0xFFFFFFFF;
	(pc) =	sbr.abs _section_cstart, $3  }
0xc1: {  	[dreg:$0x1] =	wrdreg $0xFFFFFFFF  }
0xc2: {  	_ =	task.clear_ibuf [dreg:s7], $0x2FFFF;
	_ =	strace $0x9FFFFFFF  }
0xc3: {  	(tm) =	ssettm $0x7FFFFFFF  }
tec
execute0_lowered:
.L_overlay_start_1:
0x0: {  	(tag) =	ssettag $0x1  }
0x1: {  	s1 =	rddreg [dreg:$0x0]  }
0x2: {  	s0 =	srdreg.scid;
	s5 =	rddreg [dreg:$0x1]  }
0x3: {  	s11 =	stileid.u32;
	s3 =	rddreg [dreg:$0x2]  }
0x4: {  	s4 =	simm.s32 $0x0;
	s12 =	simm.s32 $0x32;
	s13 =	simm.s32 $0x5780  }
0x5: {  	s14 =	simm.s32 $0x38;
	s15 =	simm.s32 $0x7080;
	s16 =	simm.s32 $0x70  }
0x6: {  	s17 =	simm.s32 $0x8980;
	s18 =	simm.s32 $0xA8;
	s19 =	simm.s32 $0xA280  }
0x7: {  	s22 =	simm.s32 $0x1;
	s23 =	simm.s32 $0x2;
	s24 =	simm.s32 $0x3  }
0x8: {  	s28 =	simm.s32 $0x56D8;
	s29 =	simm.s32 $0x5710;
	s30 =	simm.s32 $0x5748  }
0x9: {  	s31 =	simm.s32 $0x0;
	s0 =	sand.u32 $0x1, s0;
	s7 =	smul.u32 $0x13880, s11  }
0xa: {  	[smem:$0x7FF] =	sst s4;
	s26 =	sshll.u32 s11, $0x6;
	s2 =	sshll.u32 s0, $0x4  }
0xb: {  	s6 =	smul.u32 $0x138800, s0;
	_ =	strace $0x80000047;
	s0 =	ssub.s32 $0x2, s0  }
0xc: {  	s20 =	sor.u32 $0x1C05, s26;
	s26 =	simm.s32 $0x56A0;
	s2 =	sor.u32 s11, s2  }
0xd: {  	s8 =	sshrl.u32 s7, $0x3;
	s9 =	sshrl.u32 s0, $0x1;
	s25 =	sadd.s32 s7, s3  }
0xe: {  	s2 =	smul.u32 $0x578, s2;
	s6 =	sadd.s32 s7, s6;
	s8 =	sadd.s32 s8, s5  }
0xf: {  	s0 =	ssub.s32 s0, s9;
	s21 =	sshrl.u32 s25, $0x3;
	s25 =	simm.s32 $0x4  }
0x10: {  	s6 =	sshrl.u32 s6, $0x3;
	s7 =	sadd.s32 $0x1BE00, s8;
	s2 =	sadd.s32 s2, s5  }
0x11: {  	s9 =	smax.u32 s0, $0x1;
	s10 =	sadd.s32 s6, s5;
	s5 =	sadd.s32 $0x10E00, s2  }
0x12: {  	s6 =	sadd.s32 $0x5E00, s2;
	s8 =	sadd.s32 $0x43000, s10;
	s10 =	simm.s32 $0x5  }
.LBB2_1:
0x13: {  	[tilespmem:s4], [sflag:$0x5] =	stream.linear.gather [hbm4b:s5+s4], $0x2BC0, $0x38;
	[tilespmem:$0x1F400] =	vst v63  }
0x14: {  	_ =	swait.ge [sflag:s10], $0x2BC0  }
0x15: {  	[sflag:s10] =	ssyncset.done $0x0  }
0x16: {  	s0 =	simm.s32 $0x2BC0;
	[sflag:s10] =	ssyncadd.s32 $0xFFFFD440  }
0x17: {  	[tilespmem:s0], [sflag:$0x5] =	stream.linear.gather [hbm4b:s6+s4], $0x2BC0, $0x38;
	[tilespmem:$0x1F400] =	vst v63  }
0x18: {  	_ =	swait.ge [sflag:s10], $0x2BC0  }
0x19: {  	[sflag:s10] =	ssyncset.done $0x0  }
0x1a: {  	[sflag:s10] =	ssyncadd.s32 $0xFFFFD440  }
0x1b: {  	[tilespmem:s13], [sflag:$0x1] =	stream.indirect.gather [hbm4b:s1+s12], $0x80, s4, s12, $0xb8;
	[tilespmem:$0x1F400] =	vst v63  }
0x1c: {  	_ = 	snop  }
0x1d: {  	[tilespmem:s15], [sflag:$0x2] =	stream.indirect.gather [hbm4b:s1+s12], $0x80, s14, s12, $0xb8;
	[tilespmem:$0x1F400] =	vst v63  }
0x1e: {  	_ = 	snop  }
0x1f: {  	[tilespmem:s17], [sflag:$0x3] =	stream.indirect.gather [hbm4b:s1+s12], $0x80, s16, s12, $0xb8;
	[tilespmem:$0x1F400] =	vst v63  }
0x20: {  	_ = 	snop  }
0x21: {  	[tilespmem:s19], [sflag:$0x4] =	stream.indirect.gather [hbm4b:s1+s12], $0x80, s18, s12, $0xb8;
	[tilespmem:$0x1F400] =	vst v63  }
0x22: {  	[spmem:s21], [sflag:s20] =	dma.local [hbm:s7], $0x2710  }
0x23: {  	_ =	swait.ge [sflag:s10], $0x2710  }
0x24: {  	[sflag:s10] =	ssyncset.done $0x0  }
0x25: {  	[sflag:s10] =	ssyncadd.s32 $0xFFFFD8F0  }
0x26: {  	[bflag:$0x0] =	sbarrier.arrive $0xFFFF  }
0x27: {  	_ =	swait.ge [sflag:s22], $0x1900  }
0x28: {  	[sflag:s22] =	ssyncset.done $0x0  }
0x29: {  	s11 =	simm.s32 $0x2BC0;
	[sflag:s22] =	ssyncadd.s32 $0xFFFFE700  }
0x2a: {  	[spmem:s3] =	stream.indirect.scatter.add.f32 [tilespmem:s13], [sflag:$0x5], $0x80, s11, s12, $0xb8;
	[tilespmem:$0x1F400] =	vst v63  }
0x2b: {  	_ =	swait.ge [sflag:s10], $0x1900  }
0x2c: {  	[sflag:s10] =	ssyncset.done $0x0  }
0x2d: {  	s2 =	simm.s32 $0xE0;
	[sflag:s10] =	ssyncadd.s32 $0xFFFFE700  }
0x2e: {  	[tilespmem:s13], [sflag:$0x1] =	stream.indirect.gather [hbm4b:s1+s12], $0x80, s2, s12, $0xb8;
	[tilespmem:$0x1F400] =	vst v63  }
0x2f: {  	_ =	swait.ge [sflag:s23], $0x1900  }
0x30: {  	[sflag:s23] =	ssyncset.done $0x0  }
0x31: {  	s11 =	simm.s32 $0x2BF8;
	[sflag:s23] =	ssyncadd.s32 $0xFFFFE700  }
0x32: {  	[spmem:s3] =	stream.indirect.scatter.add.f32 [tilespmem:s15], [sflag:$0x5], $0x80, s11, s12, $0xb8;
	[tilespmem:$0x1F400] =	vst v63  }
0x33: {  	_ =	swait.ge [sflag:s10], $0x1900  }
0x34: {  	[sflag:s10] =	ssyncset.done $0x0  }
0x35: {  	s2 =	simm.s32 $0x118;
	[sflag:s10] =	ssyncadd.s32 $0xFFFFE700  }
0x36: {  	[tilespmem:s15], [sflag:$0x2] =	stream.indirect.gather [hbm4b:s1+s12], $0x80, s2, s12, $0xb8;
	[tilespmem:$0x1F400] =	vst v63  }
0x37: {  	_ =	swait.ge [sflag:s24], $0x1900  }
0x38: {  	[sflag:s24] =	ssyncset.done $0x0  }
0x39: {  	s11 =	simm.s32 $0x2C30;
	[sflag:s24] =	ssyncadd.s32 $0xFFFFE700  }
0x3a: {  	[spmem:s3] =	stream.indirect.scatter.add.f32 [tilespmem:s17], [sflag:$0x5], $0x80, s11, s12, $0xb8;
	[tilespmem:$0x1F400] =	vst v63  }
0x3b: {  	_ =	swait.ge [sflag:s10], $0x1900  }
0x3c: {  	[sflag:s10] =	ssyncset.done $0x0  }
0x3d: {  	s2 =	simm.s32 $0x150;
	[sflag:s10] =	ssyncadd.s32 $0xFFFFE700  }
0x3e: {  	[tilespmem:s17], [sflag:$0x3] =	stream.indirect.gather [hbm4b:s1+s12], $0x80, s2, s12, $0xb8;
	[tilespmem:$0x1F400] =	vst v63  }
0x3f: {  	_ =	swait.ge [sflag:s25], $0x1900  }
0x40: {  	[sflag:s25] =	ssyncset.done $0x0  }
0x41: {  	s11 =	simm.s32 $0x2C68;
	[sflag:s25] =	ssyncadd.s32 $0xFFFFE700  }
0x42: {  	[spmem:s3] =	stream.indirect.scatter.add.f32 [tilespmem:s19], [sflag:$0x5], $0x80, s11, s12, $0xb8;
	[tilespmem:$0x1F400] =	vst v63  }
0x43: {  	_ =	swait.ge [sflag:s10], $0x1900  }
0x44: {  	[sflag:s10] =	ssyncset.done $0x0  }
0x45: {  	s0 =	simm.s32 $0x188;
	s2 =	simm.s32 $0x380;
	[sflag:s10] =	ssyncadd.s32 $0xFFFFE700  }
.LBB2_2:
0x46: {  	[tilespmem:s19], [sflag:$0x4] =	stream.indirect.gather [hbm4b:s1+s12], $0x80, s0, s12, $0xb8;
	[tilespmem:$0x1F400] =	vst v63  }
0x47: {  	s0 =	smov.u32 s2  }
0x48: {  	p0 =	sne.s32 s2, $0xA800;
	s2 =	sadd.s32 $0x380, s2;
	_ =	swait.ge [sflag:s22], $0x1900  }
0x49: {  	s0 =	sshra.s32 s0, $0x2;
	[sflag:s22] =	ssyncset.done $0x0  }
0x4a: {  	s11 =	sadd.s32 $0x2BC0, s0;
	[sflag:s22] =	ssyncadd.s32 $0xFFFFE700  }
0x4b: {  	[spmem:s3] =	stream.indirect.scatter.add.f32 [tilespmem:s13], [sflag:$0x5], $0x80, s11, s12, $0xb8;
	[tilespmem:$0x1F400] =	vst v63  }
0x4c: {  	_ =	swait.ge [sflag:s10], $0x1900  }
0x4d: {  	[sflag:s10] =	ssyncset.done $0x0  }
0x4e: {  	s11 =	sadd.s32 $0xE0, s0;
	[sflag:s10] =	ssyncadd.s32 $0xFFFFE700  }
0x4f: {  	[tilespmem:s13], [sflag:$0x1] =	stream.indirect.gather [hbm4b:s1+s12], $0x80, s11, s12, $0xb8;
	[tilespmem:$0x1F400] =	vst v63  }
0x50: {  	_ =	swait.ge [sflag:s23], $0x1900  }
0x51: {  	[sflag:s23] =	ssyncset.done $0x0  }
0x52: {  	s11 =	sadd.s32 $0x2BF8, s0;
	[sflag:s23] =	ssyncadd.s32 $0xFFFFE700  }
0x53: {  	[spmem:s3] =	stream.indirect.scatter.add.f32 [tilespmem:s15], [sflag:$0x5], $0x80, s11, s12, $0xb8;
	[tilespmem:$0x1F400] =	vst v63  }
0x54: {  	_ =	swait.ge [sflag:s10], $0x1900  }
0x55: {  	[sflag:s10] =	ssyncset.done $0x0  }
0x56: {  	s11 =	sadd.s32 $0x118, s0;
	[sflag:s10] =	ssyncadd.s32 $0xFFFFE700  }
0x57: {  	[tilespmem:s15], [sflag:$0x2] =	stream.indirect.gather [hbm4b:s1+s12], $0x80, s11, s12, $0xb8;
	[tilespmem:$0x1F400] =	vst v63  }
0x58: {  	_ =	swait.ge [sflag:s24], $0x1900  }
0x59: {  	[sflag:s24] =	ssyncset.done $0x0  }
0x5a: {  	s11 =	sadd.s32 $0x2C30, s0;
	[sflag:s24] =	ssyncadd.s32 $0xFFFFE700  }
0x5b: {  	[spmem:s3] =	stream.indirect.scatter.add.f32 [tilespmem:s17], [sflag:$0x5], $0x80, s11, s12, $0xb8;
	[tilespmem:$0x1F400] =	vst v63  }
0x5c: {  	_ =	swait.ge [sflag:s10], $0x1900  }
0x5d: {  	[sflag:s10] =	ssyncset.done $0x0  }
0x5e: {  	s11 =	sadd.s32 $0x150, s0;
	[sflag:s10] =	ssyncadd.s32 $0xFFFFE700  }
0x5f: {  	[tilespmem:s17], [sflag:$0x3] =	stream.indirect.gather [hbm4b:s1+s12], $0x80, s11, s12, $0xb8;
	[tilespmem:$0x1F400] =	vst v63  }
0x60: {  	_ =	swait.ge [sflag:s25], $0x1900  }
0x61: {  	[sflag:s25] =	ssyncset.done $0x0  }
.Ltmp0:
0x62: {  	s11 =	sadd.s32 $0x2C68, s0;
	[sflag:s25] =	ssyncadd.s32 $0xFFFFE700;
	(pc) =	sbr.rel @p0 .LBB2_2-.Ltmp0, $4  }
0x63: {  	[spmem:s3] =	stream.indirect.scatter.add.f32 [tilespmem:s19], [sflag:$0x5], $0x80, s11, s12, $0xb8;
	[tilespmem:$0x1F400] =	vst v63  }
0x64: {  	_ =	swait.ge [sflag:s10], $0x1900  }
0x65: {  	[sflag:s10] =	ssyncset.done $0x0  }
0x66: {  	s0 =	sadd.s32 $0x188, s0;
	[sflag:s10] =	ssyncadd.s32 $0xFFFFE700  }
0x67: {  	[tilespmem:s19], [sflag:$0x4] =	stream.indirect.gather [hbm4b:s1+s12], $0x80, s0, s12, $0xb8;
	[tilespmem:$0x1F400] =	vst v63  }
0x68: {  	_ =	swait.ge [sflag:s22], $0x1900  }
0x69: {  	[sflag:s22] =	ssyncset.done $0x0  }
0x6a: {  	[sflag:s22] =	ssyncadd.s32 $0xFFFFE700  }
0x6b: {  	[spmem:s3] =	stream.indirect.scatter.add.f32 [tilespmem:s13], [sflag:$0x5], $0x80, s26, s12, $0xb8;
	[tilespmem:$0x1F400] =	vst v63  }
0x6c: {  	_ =	swait.ge [sflag:s10], $0x1900  }
0x6d: {  	[sflag:s10] =	ssyncset.done $0x0  }
0x6e: {  	[sflag:s10] =	ssyncadd.s32 $0xFFFFE700  }
0x6f: {  	_ =	swait.ge [sflag:s23], $0x1900  }
0x70: {  	[sflag:s23] =	ssyncset.done $0x0  }
0x71: {  	[sflag:s23] =	ssyncadd.s32 $0xFFFFE700  }
0x72: {  	[spmem:s3] =	stream.indirect.scatter.add.f32 [tilespmem:s15], [sflag:$0x5], $0x80, s28, s12, $0xb8;
	[tilespmem:$0x1F400] =	vst v63  }
0x73: {  	_ =	swait.ge [sflag:s10], $0x1900  }
0x74: {  	[sflag:s10] =	ssyncset.done $0x0  }
0x75: {  	[sflag:s10] =	ssyncadd.s32 $0xFFFFE700  }
0x76: {  	_ =	swait.ge [sflag:s24], $0x1900  }
0x77: {  	[sflag:s24] =	ssyncset.done $0x0  }
0x78: {  	[sflag:s24] =	ssyncadd.s32 $0xFFFFE700  }
0x79: {  	[spmem:s3] =	stream.indirect.scatter.add.f32 [tilespmem:s17], [sflag:$0x5], $0x80, s29, s12, $0xb8;
	[tilespmem:$0x1F400] =	vst v63  }
0x7a: {  	_ =	swait.ge [sflag:s10], $0x1900  }
0x7b: {  	[sflag:s10] =	ssyncset.done $0x0  }
0x7c: {  	[sflag:s10] =	ssyncadd.s32 $0xFFFFE700  }
0x7d: {  	_ =	swait.ge [sflag:s25], $0x1900  }
0x7e: {  	[sflag:s25] =	ssyncset.done $0x0  }
0x7f: {  	[sflag:s25] =	ssyncadd.s32 $0xFFFFE700  }
0x80: {  	[spmem:s3] =	stream.indirect.scatter.add.f32 [tilespmem:s19], [sflag:$0x5], $0x80, s30, s12, $0xb8;
	[tilespmem:$0x1F400] =	vst v63  }
0x81: {  	_ =	swait.ge [sflag:s10], $0x1900  }
0x82: {  	s31 =	sadd.s32 $0x1, s31;
	[sflag:s10] =	ssyncset.done $0x0  }
0x83: {  	p0 =	sne.s32 s31, s9;
	[sflag:s10] =	ssyncadd.s32 $0xFFFFE700  }
.Ltmp1:
0x84: {  	[bflag:$0x0] =	sbarrier.arrive $0xFFFF;
	(pc) =	sbr.rel @p0 .LBB2_1-.Ltmp1, $4  }
0x85: {  	[hbm:s8], [sflag:s20] =	dma.local [spmem:s21], $0x2710  }
0x86: {  	_ =	swait.ge [sflag:s10], $0x2710  }
0x87: {  	[sflag:s10] =	ssyncset.done $0x0  }
0x88: {  	[sflag:s10] =	ssyncadd.s32 $0xFFFFD8F0  }
0x89: {  	_ =	sfence.sel $0x180000  }
0x8a: {  	[bflag:$0x0] =	sbarrier.arrive $0xFFFF  }
0x8b: {  	_ =	strace $0x90000047  }
0x8c: {  	s0 =	stileid.u32;
	[bflag:$0x2] =	sbarrier.arrive $0xFFFF  }
0x8d: {  	p0 =	sne.s32 s0, $0x0;
	s0 =	rddreg [dreg:$0x3]  }
0x8e: {  	s0 =	sadd.s32 @!p0 $0x100000, s0  }
0x8f: {  	[sflag:s0] =	ssyncadd.tile.s32 @!p0 $0x1;
	_ =	shalt  }
.Lfunc_end2:
_tile_overlayer_lowered:
.L_overlay_start_2:
0x90: {  	(tag) =	ssettag $0x2  }
0x91: {  	s0 =	rddreg [dreg:$0x0];
	s2 =	stileid.u32  }
0x92: {  	s1 =	rddreg [dreg:$0x1];
	p0 =	sne.s32 s2, $0x0  }
0x93: {  	s3 =	rddreg [dreg:$0x2];
	[bflag:$0x3] =	sbarrier.arrive $0xFFFF;
	s2 =	simm.s32 @!p0 $0x1C05  }
0x94: {  	[timem:s3], [sflag:s2] =	dma.local @!p0 [hbm:s0], s1  }
0x95: {  	s0 =	simm.s32 @!p0 $0x5  }
0x96: {  	_ =	swait.ge @!p0 [sflag:s0], s1  }
0x97: {  	s1 =	ssub.s32 @!p0 $0x0, s1;
	[sflag:s0] =	ssyncset.done @!p0 $0x0  }
0x98: {  	[sflag:s0] =	ssyncadd.s32 @!p0 s1  }
0x99: {  	[bflag:$0x3] =	sbarrier.arrive $0xFFFF  }
0x9a: {  	_ =	shalt  }

</sc_bundles>
